<compile_context>
chip_gen: v7x
topology: tpu7x:2x2x1
jax: 0.10.2.dev20260603
libtpu: 0.0.44.dev20260713+nightly
codegen_flags: <defaults>
</compile_context>

<pallas_src>
import numpy as np
import jax
import jax.numpy as jnp
from jax import lax
from jax.experimental import pallas as pl
from jax.experimental.pallas import tpu as pltpu
from jax.experimental.pallas import tpu_sc as plsc

_RGB_FROM_HED = np.array(
    [[0.65, 0.7, 0.29], [0.07, 0.99, 0.11], [0.27, 0.57, 0.78]], dtype=np.float32
)
_HED_FROM_RGB = np.linalg.inv(_RGB_FROM_HED)
_COEFFS = np.array([0.2125, 0.7154, 0.0721], dtype=np.float32)
_ALPHA = 1.8
_ADJUST_CAL = np.float32(10.0 ** (-(np.e ** (1.0 / _ALPHA))))
_THRESH_FOD = 0.15
_THRESH_MASK = 0.68
_LOG_ADJUST = np.float32(np.log(1e-6))
_NUM_BINS = 20
_BUCKET_W = np.float32(np.e / _NUM_BINS)

_B, _C, _H, _W = 16, 3, 512, 512
_SROWS = 8


def _b16(c):
    import ml_dtypes
    return float(np.array(c, dtype=np.float32).astype(ml_dtypes.bfloat16)
                 .astype(np.float32))


def _rtne_bf16(v):
    u = jax.lax.bitcast_convert_type(v, jnp.uint32)
    u = u + np.uint32(0x7FFF) + ((u >> 16) & np.uint32(1))
    return jax.lax.bitcast_convert_type(u & np.uint32(0xFFFF0000), jnp.float32)


_W0 = _b16(_HED_FROM_RGB[0, 2])
_W1 = _b16(_HED_FROM_RGB[1, 2])
_W2 = _b16(_HED_FROM_RGB[2, 2])
_NEG_LOG_ADJUST = float(-_LOG_ADJUST)
_K0 = _b16(_RGB_FROM_HED[2, 0])
_K1 = _b16(_RGB_FROM_HED[2, 1])
_K2 = _b16(_RGB_FROM_HED[2, 2])
_C0 = _b16(_COEFFS[0])
_C1 = _b16(_COEFFS[1])
_C2 = _b16(_COEFFS[2])


def _process(rgb):
    r = jnp.maximum(rgb[0], 1e-6)
    g = jnp.maximum(rgb[1], 1e-6)
    b = jnp.maximum(rgb[2], 1e-6)
    lr = _rtne_bf16(jnp.log(r) / _LOG_ADJUST)
    lg = _rtne_bf16(jnp.log(g) / _LOG_ADJUST)
    lb = _rtne_bf16(jnp.log(b) / _LOG_ADJUST)
    s = jnp.maximum((lr * _W0 + lg * _W1) + lb * _W2, 0.0)
    t = _rtne_bf16(s * _NEG_LOG_ADJUST)
    c0 = jnp.exp(-(t * _K0))
    c1 = jnp.exp(-(t * _K1))
    c2 = jnp.exp(-(t * _K2))
    grey = (_rtne_bf16(c0) * _C0 + _rtne_bf16(c1) * _C1) + _rtne_bf16(c2) * _C2
    fod = jnp.log10(1.0 / (grey + _ADJUST_CAL))
    fod = jnp.where(fod < 0.0, 0.0, fod)
    fodp = jnp.where(
        fod > 0.0, jnp.exp(_ALPHA * jnp.log(jnp.maximum(fod, 1e-37))), 0.0
    )
    mask = jnp.where(fodp < _THRESH_MASK, 0.0, 1.0)
    relu = jnp.where(fodp < _THRESH_FOD, 0.0, fodp)
    relu_cols = jnp.sum(relu.reshape(4, _H // 4, _W), axis=1)
    return mask, fodp, relu_cols


def _tc_kernel(x_ref, y_ref, imask_ref, tmask_ref, ifod_ref, tfod_ref,
               istats_ref, tstats_ref):
    b = pl.program_id(0)
    im, ifo, ir = _process(x_ref[0])
    tm, tfo, tr = _process(y_ref[0])
    imask_ref[0] = im
    tmask_ref[0] = tm
    ifod_ref[0] = ifo
    tfod_ref[0] = tfo
    istats_ref[pl.ds(b, 1), 0:4, :] = ir[None]
    tstats_ref[pl.ds(b, 1), 0:4, :] = tr[None]


def _tc_call(inputs, targets):
    out_shapes = (
        jax.ShapeDtypeStruct((_B, _H, _W), jnp.float32),
        jax.ShapeDtypeStruct((_B, _H, _W), jnp.float32),
        jax.ShapeDtypeStruct((_B, _H, _W), jnp.float32),
        jax.ShapeDtypeStruct((_B, _H, _W), jnp.float32),
        jax.ShapeDtypeStruct((_B, _SROWS, _W), jnp.float32),
        jax.ShapeDtypeStruct((_B, _SROWS, _W), jnp.float32),
    )
    in_spec = pl.BlockSpec((1, _C, _H, _W), lambda b: (b, 0, 0, 0))
    mask_spec = pl.BlockSpec((1, _H, _W), lambda b: (b, 0, 0))
    return pl.pallas_call(
        _tc_kernel,
        grid=(_B,),
        in_specs=[in_spec, in_spec],
        out_specs=(
            mask_spec, mask_spec, mask_spec, mask_spec,
            pl.BlockSpec((_B, _SROWS, _W), lambda b: (0, 0, 0)),
            pl.BlockSpec((_B, _SROWS, _W), lambda b: (0, 0, 0)),
        ),
        out_shape=out_shapes,
        compiler_params=pltpu.CompilerParams(
            dimension_semantics=("arbitrary",),
        ),
    )(inputs, targets)



_NW = 32
_PER = (_H * _W) // _NW
_HLANES = 64
_INV_W = float(np.float32(1.0) / _BUCKET_W)


def _sc_hist_call(ifod_flat, tfod_flat):
    mesh = plsc.VectorSubcoreMesh(core_axis_name="c", subcore_axis_name="s")

    def body(ifod_hbm, tfod_hbm, out_hbm, buf, hist):
        wid = lax.axis_index("s") * 2 + lax.axis_index("c")
        zero = jnp.zeros((16,), jnp.float32)
        for c in range((_B * _HLANES) // 16):
            hist[pl.ds(c * 16, 16)] = zero
        for tsel in range(2):
            src = ifod_hbm if tsel == 0 else tfod_hbm
            for b in range(_B):
                pltpu.sync_copy(
                    src.at[pl.ds(b * (_H * _W) + wid * _PER, _PER)], buf)
                base = b * _HLANES + tsel * 32

                def step(i, carry, base=base):
                    v = buf[pl.ds(pl.multiple_of(i * 16, 16), 16)]
                    iv = jnp.minimum(v * _INV_W, float(_NUM_BINS - 1))
                    idx = iv.astype(jnp.int32) + base
                    plsc.addupdate_scatter(hist, [idx], v)
                    return carry

                lax.fori_loop(0, _PER // 16, step, 0)
        pltpu.sync_copy(hist, out_hbm.at[wid])

    k = pl.kernel(
        body,
        mesh=mesh,
        compiler_params=pltpu.CompilerParams(needs_layout_passes=False),
        out_type=jax.ShapeDtypeStruct((_NW, _B * _HLANES), jnp.float32),
        scratch_types=[
            pltpu.VMEM((_PER,), jnp.float32),
            pltpu.VMEM((_B * _HLANES,), jnp.float32),
        ],
    )
    return k(ifod_flat, tfod_flat)



def _combine_kernel(istats_ref, tstats_ref, scat_ref, loss_ref):
    hw = float(_H * _W)
    hs = jnp.sum(scat_ref[...], axis=0)
    hi = hs[:, 0:_NUM_BINS]
    ht = hs[:, 32:32 + _NUM_BINS]
    dh = (hi - ht) * (1.0 / hw)
    mlpa_histo = jnp.sum(dh * dh, axis=1, keepdims=True) / float(_B)
    ist = istats_ref[...]
    tst = tstats_ref[...]
    ai = jnp.sum(jnp.sum(ist[:, 0:4, :], axis=-1), axis=-1, keepdims=True)
    at = jnp.sum(jnp.sum(tst[:, 0:4, :], axis=-1), axis=-1, keepdims=True)
    diff = ai - at
    da = diff * (1.0 / hw)
    mlpa_avg = da * da
    cond = jnp.logical_and(diff >= at * -0.4, diff <= at * 0.4)
    loss = jnp.sum(jnp.where(cond, mlpa_histo, mlpa_avg + mlpa_histo))
    dbc = (ist[:, 0:4, :] - tst[:, 0:4, :]) * (16.0 / hw)
    blk = 0.0
    for j in range(4):
        dj = jnp.sum(dbc[:, :, 128 * j:128 * (j + 1)], axis=-1)
        blk = blk + jnp.sum(dj * dj)
    loss = loss + blk / float(_B * 16)
    loss_ref[...] = jnp.full((1, 1), loss, jnp.float32)


def _combine_call(istats, tstats, scat):
    return pl.pallas_call(
        _combine_kernel,
        out_shape=jax.ShapeDtypeStruct((1, 1), jnp.float32),
    )(istats, tstats, scat)


def kernel(inputs, targets):
    imask, tmask, ifod, tfod, ist, tst = _tc_call(inputs, targets)
    scat = _sc_hist_call(ifod.reshape(-1), tfod.reshape(-1))
    loss = _combine_call(ist, tst, scat.reshape(_NW, _B, _HLANES))
    return (loss[0, 0], imask, tmask)

# --- scband reference (transcript-rebuilt; emitter-appended) ---
"""Pipeline reference for scband-mlpa-loss-57105885168195 (READ-ONLY COPY).

The authoritative reference and input builder live on the scoring server;
editing this copy changes nothing except your own understanding.
"""

import jax, jax.numpy as jnp
import numpy as np

RGB_FROM_HED = jnp.array([[0.65, 0.7, 0.29], [0.07, 0.99, 0.11], [0.27, 0.57, 0.78]], dtype=jnp.float32)
HED_FROM_RGB = jnp.linalg.inv(RGB_FROM_HED)
COEFFS = jnp.array([0.2125, 0.7154, 0.0721], dtype=jnp.float32).reshape(3, 1)
ALPHA = 1.8
ADJUST_CAL = np.float32(10.0 ** (-(np.e ** (1.0 / ALPHA))))
THRESH_FOD = 0.15
THRESH_MASK = 0.68
LOG_ADJUST = np.float32(np.log(1e-6))
NUM_BINS = 20


def _separate_stains(rgb):
    rgb = jnp.maximum(rgb, 1e-6)
    stains = jnp.matmul(jnp.log(rgb) / LOG_ADJUST, HED_FROM_RGB)
    return jnp.maximum(stains, 0.0)


def _combine_stains(stains):
    log_rgb = -jnp.matmul(stains * (-LOG_ADJUST), RGB_FROM_HED)
    return jnp.clip(jnp.exp(log_rgb), 0.0, 1.0)


def _compute_od(image):
    # image: [B, H, W, 3]
    B, H, W, _ = image.shape
    ihc_hed = _separate_stains(image)
    null = jnp.zeros_like(ihc_hed[:, :, :, 0])
    ihc_d = _combine_stains(jnp.stack((null, null, ihc_hed[:, :, :, 2]), axis=-1))
    grey_d = jnp.matmul(ihc_d, COEFFS)  # [B, H, W, 1]
    grey_d = jnp.clip(grey_d, 0.0, 1.0)
    fod = jnp.log10(1.0 / (grey_d + ADJUST_CAL))
    fod = jnp.where(fod < 0.0, 0.0, fod)
    fod = fod ** ALPHA
    fod_relu = jnp.where(fod < THRESH_FOD, 0.0, fod)
    mask_od = jnp.where(fod < THRESH_MASK, 0.0, fod)[:, :, :, 0]
    mask_od = jax.lax.stop_gradient(mask_od)
    mask_od = jnp.where(mask_od > 0.0, 1.0, mask_od)
    flat = fod[:, :, :, 0].reshape(B, H * W)
    avg = jnp.sum(fod_relu, axis=(1, 2, 3))
    nb = 4  # sqrt(16)
    blocks = fod_relu[:, :, :, 0].reshape(B, nb, H // nb, nb, W // nb)
    block = blocks.sum(axis=(2, 4))  # [B, 4, 4]
    bucket_width = (np.e - 0.0) / NUM_BINS
    idx = jnp.clip((flat - 0.0) / bucket_width, 0, NUM_BINS - 1).astype(jnp.int32)
    histo = jax.vmap(lambda f, i: jax.ops.segment_sum(f, i, num_segments=NUM_BINS))(flat, idx)
    return avg, block, histo, mask_od


def setup_inputs(seed: int = 0) -> dict:
    key = jax.random.key(seed)
    k1, k2 = jax.random.split(key)
    inputs = jax.random.uniform(k1, (16, 3, 512, 512), dtype=jnp.float32)
    targets = jax.random.uniform(k2, (16, 3, 512, 512), dtype=jnp.float32)
    return {"inputs": inputs, "targets": targets}


def reference(inputs, targets):
    B, C, H, W = inputs.shape
    x = jnp.transpose(inputs, (0, 2, 3, 1))
    y = jnp.transpose(targets, (0, 2, 3, 1))
    i_od, i_block, i_histo, i_mask = _compute_od(x)
    t_od, t_block, t_histo, t_mask = _compute_od(y)
    mlpa_avg = (i_od - t_od) ** 2 / float(H * W) ** 2
    mlpa_histo = ((i_histo / float(H * W) - t_histo / float(H * W)) ** 2).sum(1) / B
    mlpa_block = jnp.mean((i_block / (H * W / 16.0) - t_block / (H * W / 16.0)) ** 2)
    diff = i_od - t_od
    cond = (diff >= t_od * -0.4) & (diff <= t_od * 0.4)
    loss = jnp.sum(jnp.where(cond, mlpa_histo, mlpa_avg + mlpa_histo)) + mlpa_block
    return (loss, i_mask, t_mask)

if __name__ == "__main__":
    import jax
    _d = setup_inputs()
    print(jax.jit(kernel)(*tuple(_d.values())))

</pallas_src>

<mosaic_0001>
#map = affine_map<(d0, d1) -> (0)>
#map1 = affine_map<(d0, d1) -> (0, 0)>
module attributes {stable_mosaic.version = 14 : i64} {
  func.func @body(%arg0: i32, %arg1: i32, %arg2: memref<4194304xf32, #tpu.memory_space<hbm>>, %arg3: memref<4194304xf32, #tpu.memory_space<hbm>>, %arg4: memref<32x1024xf32, #tpu.memory_space<hbm>>, %arg5: memref<8192xf32, #tpu.memory_space<vmem>>, %arg6: memref<1024xf32, #tpu.memory_space<vmem>>) attributes {dimension_semantics = [#tpu.dimension_semantics<core_parallel>, #tpu.dimension_semantics<subcore_parallel>], iteration_bounds = array<i64: 2, 16>, scalar_prefetch = 0 : i64, scratch_operands = 2 : i64, tpu.core_type = #tpu.core_type<sc_vector_subcore>, window_params = [{transform_indices = #map}, {transform_indices = #map}, {transform_indices = #map1}]} {
    %mul3A = arith.constant 2 : i32
    %mul3A_0 = arith.muli %arg1, %mul3A : i32
    %add3A = arith.addi %mul3A_0, %arg0 : i32
    %broadcast_in_dim3A = arith.constant 0.000000e+00 : f32
    %broadcast_in_dim3A_1 = vector.broadcast %broadcast_in_dim3A : f32 to vector<16xf32>
    %swap3A = arith.constant 0 : index
    %swap3A_2 = tpu.vector_load %arg6[%swap3A] {strides = array<i32>} : memref<1024xf32, #tpu.memory_space<vmem>>, vector<16xf32>,
    tpu.vector_store %arg6[%swap3A], %broadcast_in_dim3A_1 {strides = array<i32>} : memref<1024xf32, #tpu.memory_space<vmem>>, vector<16xf32>,
    %swap3A_3 = arith.constant 16 : index
    %swap3A_4 = tpu.vector_load %arg6[%swap3A_3] {strides = array<i32>} : memref<1024xf32, #tpu.memory_space<vmem>>, vector<16xf32>,
    tpu.vector_store %arg6[%swap3A_3], %broadcast_in_dim3A_1 {strides = array<i32>} : memref<1024xf32, #tpu.memory_space<vmem>>, vector<16xf32>,
    %swap3A_5 = arith.constant 32 : index
    %swap3A_6 = tpu.vector_load %arg6[%swap3A_5] {strides = array<i32>} : memref<1024xf32, #tpu.memory_space<vmem>>, vector<16xf32>,
    tpu.vector_store %arg6[%swap3A_5], %broadcast_in_dim3A_1 {strides = array<i32>} : memref<1024xf32, #tpu.memory_space<vmem>>, vector<16xf32>,
    %swap3A_7 = arith.constant 48 : index
    %swap3A_8 = tpu.vector_load %arg6[%swap3A_7] {strides = array<i32>} : memref<1024xf32, #tpu.memory_space<vmem>>, vector<16xf32>,
    tpu.vector_store %arg6[%swap3A_7], %broadcast_in_dim3A_1 {strides = array<i32>} : memref<1024xf32, #tpu.memory_space<vmem>>, vector<16xf32>,
    %swap3A_9 = arith.constant 64 : index
    %swap3A_10 = tpu.vector_load %arg6[%swap3A_9] {strides = array<i32>} : memref<1024xf32, #tpu.memory_space<vmem>>, vector<16xf32>,
    tpu.vector_store %arg6[%swap3A_9], %broadcast_in_dim3A_1 {strides = array<i32>} : memref<1024xf32, #tpu.memory_space<vmem>>, vector<16xf32>,
    %swap3A_11 = arith.constant 80 : index
    %swap3A_12 = tpu.vector_load %arg6[%swap3A_11] {strides = array<i32>} : memref<1024xf32, #tpu.memory_space<vmem>>, vector<16xf32>,
    tpu.vector_store %arg6[%swap3A_11], %broadcast_in_dim3A_1 {strides = array<i32>} : memref<1024xf32, #tpu.memory_space<vmem>>, vector<16xf32>,
    %swap3A_13 = arith.constant 96 : index
    %swap3A_14 = tpu.vector_load %arg6[%swap3A_13] {strides = array<i32>} : memref<1024xf32, #tpu.memory_space<vmem>>, vector<16xf32>,
    tpu.vector_store %arg6[%swap3A_13], %broadcast_in_dim3A_1 {strides = array<i32>} : memref<1024xf32, #tpu.memory_space<vmem>>, vector<16xf32>,
    %swap3A_15 = arith.constant 112 : index
    %swap3A_16 = tpu.vector_load %arg6[%swap3A_15] {strides = array<i32>} : memref<1024xf32, #tpu.memory_space<vmem>>, vector<16xf32>,
    tpu.vector_store %arg6[%swap3A_15], %broadcast_in_dim3A_1 {strides = array<i32>} : memref<1024xf32, #tpu.memory_space<vmem>>, vector<16xf32>,
    %swap3A_17 = arith.constant 128 : index
    %swap3A_18 = tpu.vector_load %arg6[%swap3A_17] {strides = array<i32>} : memref<1024xf32, #tpu.memory_space<vmem>>, vector<16xf32>,
    tpu.vector_store %arg6[%swap3A_17], %broadcast_in_dim3A_1 {strides = array<i32>} : memref<1024xf32, #tpu.memory_space<vmem>>, vector<16xf32>,
    %swap3A_19 = arith.constant 144 : index
    %swap3A_20 = tpu.vector_load %arg6[%swap3A_19] {strides = array<i32>} : memref<1024xf32, #tpu.memory_space<vmem>>, vector<16xf32>,
    tpu.vector_store %arg6[%swap3A_19], %broadcast_in_dim3A_1 {strides = array<i32>} : memref<1024xf32, #tpu.memory_space<vmem>>, vector<16xf32>,
    %swap3A_21 = arith.constant 160 : index
    %swap3A_22 = tpu.vector_load %arg6[%swap3A_21] {strides = array<i32>} : memref<1024xf32, #tpu.memory_space<vmem>>, vector<16xf32>,
    tpu.vector_store %arg6[%swap3A_21], %broadcast_in_dim3A_1 {strides = array<i32>} : memref<1024xf32, #tpu.memory_space<vmem>>, vector<16xf32>,
    %swap3A_23 = arith.constant 176 : index
    %swap3A_24 = tpu.vector_load %arg6[%swap3A_23] {strides = array<i32>} : memref<1024xf32, #tpu.memory_space<vmem>>, vector<16xf32>,
    tpu.vector_store %arg6[%swap3A_23], %broadcast_in_dim3A_1 {strides = array<i32>} : memref<1024xf32, #tpu.memory_space<vmem>>, vector<16xf32>,
    %swap3A_25 = arith.constant 192 : index
    %swap3A_26 = tpu.vector_load %arg6[%swap3A_25] {strides = array<i32>} : memref<1024xf32, #tpu.memory_space<vmem>>, vector<16xf32>,
    tpu.vector_store %arg6[%swap3A_25], %broadcast_in_dim3A_1 {strides = array<i32>} : memref<1024xf32, #tpu.memory_space<vmem>>, vector<16xf32>,
    %swap3A_27 = arith.constant 208 : index
    %swap3A_28 = tpu.vector_load %arg6[%swap3A_27] {strides = array<i32>} : memref<1024xf32, #tpu.memory_space<vmem>>, vector<16xf32>,
    tpu.vector_store %arg6[%swap3A_27], %broadcast_in_dim3A_1 {strides = array<i32>} : memref<1024xf32, #tpu.memory_space<vmem>>, vector<16xf32>,
    %swap3A_29 = arith.constant 224 : index
    %swap3A_30 = tpu.vector_load %arg6[%swap3A_29] {strides = array<i32>} : memref<1024xf32, #tpu.memory_space<vmem>>, vector<16xf32>,
    tpu.vector_store %arg6[%swap3A_29], %broadcast_in_dim3A_1 {strides = array<i32>} : memref<1024xf32, #tpu.memory_space<vmem>>, vector<16xf32>,
    %swap3A_31 = arith.constant 240 : index
    %swap3A_32 = tpu.vector_load %arg6[%swap3A_31] {strides = array<i32>} : memref<1024xf32, #tpu.memory_space<vmem>>, vector<16xf32>,
    tpu.vector_store %arg6[%swap3A_31], %broadcast_in_dim3A_1 {strides = array<i32>} : memref<1024xf32, #tpu.memory_space<vmem>>, vector<16xf32>,
    %swap3A_33 = arith.constant 256 : index
    %swap3A_34 = tpu.vector_load %arg6[%swap3A_33] {strides = array<i32>} : memref<1024xf32, #tpu.memory_space<vmem>>, vector<16xf32>,
    tpu.vector_store %arg6[%swap3A_33], %broadcast_in_dim3A_1 {strides = array<i32>} : memref<1024xf32, #tpu.memory_space<vmem>>, vector<16xf32>,
    %swap3A_35 = arith.constant 272 : index
    %swap3A_36 = tpu.vector_load %arg6[%swap3A_35] {strides = array<i32>} : memref<1024xf32, #tpu.memory_space<vmem>>, vector<16xf32>,
    tpu.vector_store %arg6[%swap3A_35], %broadcast_in_dim3A_1 {strides = array<i32>} : memref<1024xf32, #tpu.memory_space<vmem>>, vector<16xf32>,
    %swap3A_37 = arith.constant 288 : index
    %swap3A_38 = tpu.vector_load %arg6[%swap3A_37] {strides = array<i32>} : memref<1024xf32, #tpu.memory_space<vmem>>, vector<16xf32>,
    tpu.vector_store %arg6[%swap3A_37], %broadcast_in_dim3A_1 {strides = array<i32>} : memref<1024xf32, #tpu.memory_space<vmem>>, vector<16xf32>,
    %swap3A_39 = arith.constant 304 : index
    %swap3A_40 = tpu.vector_load %arg6[%swap3A_39] {strides = array<i32>} : memref<1024xf32, #tpu.memory_space<vmem>>, vector<16xf32>,
    tpu.vector_store %arg6[%swap3A_39], %broadcast_in_dim3A_1 {strides = array<i32>} : memref<1024xf32, #tpu.memory_space<vmem>>, vector<16xf32>,
    %swap3A_41 = arith.constant 320 : index
    %swap3A_42 = tpu.vector_load %arg6[%swap3A_41] {strides = array<i32>} : memref<1024xf32, #tpu.memory_space<vmem>>, vector<16xf32>,
    tpu.vector_store %arg6[%swap3A_41], %broadcast_in_dim3A_1 {strides = array<i32>} : memref<1024xf32, #tpu.memory_space<vmem>>, vector<16xf32>,
    %swap3A_43 = arith.constant 336 : index
    %swap3A_44 = tpu.vector_load %arg6[%swap3A_43] {strides = array<i32>} : memref<1024xf32, #tpu.memory_space<vmem>>, vector<16xf32>,
    tpu.vector_store %arg6[%swap3A_43], %broadcast_in_dim3A_1 {strides = array<i32>} : memref<1024xf32, #tpu.memory_space<vmem>>, vector<16xf32>,
    %swap3A_45 = arith.constant 352 : index
    %swap3A_46 = tpu.vector_load %arg6[%swap3A_45] {strides = array<i32>} : memref<1024xf32, #tpu.memory_space<vmem>>, vector<16xf32>,
    tpu.vector_store %arg6[%swap3A_45], %broadcast_in_dim3A_1 {strides = array<i32>} : memref<1024xf32, #tpu.memory_space<vmem>>, vector<16xf32>,
    %swap3A_47 = arith.constant 368 : index
    %swap3A_48 = tpu.vector_load %arg6[%swap3A_47] {strides = array<i32>} : memref<1024xf32, #tpu.memory_space<vmem>>, vector<16xf32>,
    tpu.vector_store %arg6[%swap3A_47], %broadcast_in_dim3A_1 {strides = array<i32>} : memref<1024xf32, #tpu.memory_space<vmem>>, vector<16xf32>,
    %swap3A_49 = arith.constant 384 : index
    %swap3A_50 = tpu.vector_load %arg6[%swap3A_49] {strides = array<i32>} : memref<1024xf32, #tpu.memory_space<vmem>>, vector<16xf32>,
    tpu.vector_store %arg6[%swap3A_49], %broadcast_in_dim3A_1 {strides = array<i32>} : memref<1024xf32, #tpu.memory_space<vmem>>, vector<16xf32>,
    %swap3A_51 = arith.constant 400 : index
    %swap3A_52 = tpu.vector_load %arg6[%swap3A_51] {strides = array<i32>} : memref<1024xf32, #tpu.memory_space<vmem>>, vector<16xf32>,
    tpu.vector_store %arg6[%swap3A_51], %broadcast_in_dim3A_1 {strides = array<i32>} : memref<1024xf32, #tpu.memory_space<vmem>>, vector<16xf32>,
    %swap3A_53 = arith.constant 416 : index
    %swap3A_54 = tpu.vector_load %arg6[%swap3A_53] {strides = array<i32>} : memref<1024xf32, #tpu.memory_space<vmem>>, vector<16xf32>,
    tpu.vector_store %arg6[%swap3A_53], %broadcast_in_dim3A_1 {strides = array<i32>} : memref<1024xf32, #tpu.memory_space<vmem>>, vector<16xf32>,
    %swap3A_55 = arith.constant 432 : index
    %swap3A_56 = tpu.vector_load %arg6[%swap3A_55] {strides = array<i32>} : memref<1024xf32, #tpu.memory_space<vmem>>, vector<16xf32>,
    tpu.vector_store %arg6[%swap3A_55], %broadcast_in_dim3A_1 {strides = array<i32>} : memref<1024xf32, #tpu.memory_space<vmem>>, vector<16xf32>,
    %swap3A_57 = arith.constant 448 : index
    %swap3A_58 = tpu.vector_load %arg6[%swap3A_57] {strides = array<i32>} : memref<1024xf32, #tpu.memory_space<vmem>>, vector<16xf32>,
    tpu.vector_store %arg6[%swap3A_57], %broadcast_in_dim3A_1 {strides = array<i32>} : memref<1024xf32, #tpu.memory_space<vmem>>, vector<16xf32>,
    %swap3A_59 = arith.constant 464 : index
    %swap3A_60 = tpu.vector_load %arg6[%swap3A_59] {strides = array<i32>} : memref<1024xf32, #tpu.memory_space<vmem>>, vector<16xf32>,
    tpu.vector_store %arg6[%swap3A_59], %broadcast_in_dim3A_1 {strides = array<i32>} : memref<1024xf32, #tpu.memory_space<vmem>>, vector<16xf32>,
    %swap3A_61 = arith.constant 480 : index
    %swap3A_62 = tpu.vector_load %arg6[%swap3A_61] {strides = array<i32>} : memref<1024xf32, #tpu.memory_space<vmem>>, vector<16xf32>,
    tpu.vector_store %arg6[%swap3A_61], %broadcast_in_dim3A_1 {strides = array<i32>} : memref<1024xf32, #tpu.memory_space<vmem>>, vector<16xf32>,
    %swap3A_63 = arith.constant 496 : index
    %swap3A_64 = tpu.vector_load %arg6[%swap3A_63] {strides = array<i32>} : memref<1024xf32, #tpu.memory_space<vmem>>, vector<16xf32>,
    tpu.vector_store %arg6[%swap3A_63], %broadcast_in_dim3A_1 {strides = array<i32>} : memref<1024xf32, #tpu.memory_space<vmem>>, vector<16xf32>,
    %swap3A_65 = arith.constant 512 : index
    %swap3A_66 = tpu.vector_load %arg6[%swap3A_65] {strides = array<i32>} : memref<1024xf32, #tpu.memory_space<vmem>>, vector<16xf32>,
    tpu.vector_store %arg6[%swap3A_65], %broadcast_in_dim3A_1 {strides = array<i32>} : memref<1024xf32, #tpu.memory_space<vmem>>, vector<16xf32>,
    %swap3A_67 = arith.constant 528 : index
    %swap3A_68 = tpu.vector_load %arg6[%swap3A_67] {strides = array<i32>} : memref<1024xf32, #tpu.memory_space<vmem>>, vector<16xf32>,
    tpu.vector_store %arg6[%swap3A_67], %broadcast_in_dim3A_1 {strides = array<i32>} : memref<1024xf32, #tpu.memory_space<vmem>>, vector<16xf32>,
    %swap3A_69 = arith.constant 544 : index
    %swap3A_70 = tpu.vector_load %arg6[%swap3A_69] {strides = array<i32>} : memref<1024xf32, #tpu.memory_space<vmem>>, vector<16xf32>,
    tpu.vector_store %arg6[%swap3A_69], %broadcast_in_dim3A_1 {strides = array<i32>} : memref<1024xf32, #tpu.memory_space<vmem>>, vector<16xf32>,
    %swap3A_71 = arith.constant 560 : index
    %swap3A_72 = tpu.vector_load %arg6[%swap3A_71] {strides = array<i32>} : memref<1024xf32, #tpu.memory_space<vmem>>, vector<16xf32>,
    tpu.vector_store %arg6[%swap3A_71], %broadcast_in_dim3A_1 {strides = array<i32>} : memref<1024xf32, #tpu.memory_space<vmem>>, vector<16xf32>,
    %swap3A_73 = arith.constant 576 : index
    %swap3A_74 = tpu.vector_load %arg6[%swap3A_73] {strides = array<i32>} : memref<1024xf32, #tpu.memory_space<vmem>>, vector<16xf32>,
    tpu.vector_store %arg6[%swap3A_73], %broadcast_in_dim3A_1 {strides = array<i32>} : memref<1024xf32, #tpu.memory_space<vmem>>, vector<16xf32>,
    %swap3A_75 = arith.constant 592 : index
    %swap3A_76 = tpu.vector_load %arg6[%swap3A_75] {strides = array<i32>} : memref<1024xf32, #tpu.memory_space<vmem>>, vector<16xf32>,
    tpu.vector_store %arg6[%swap3A_75], %broadcast_in_dim3A_1 {strides = array<i32>} : memref<1024xf32, #tpu.memory_space<vmem>>, vector<16xf32>,
    %swap3A_77 = arith.constant 608 : index
    %swap3A_78 = tpu.vector_load %arg6[%swap3A_77] {strides = array<i32>} : memref<1024xf32, #tpu.memory_space<vmem>>, vector<16xf32>,
    tpu.vector_store %arg6[%swap3A_77], %broadcast_in_dim3A_1 {strides = array<i32>} : memref<1024xf32, #tpu.memory_space<vmem>>, vector<16xf32>,
    %swap3A_79 = arith.constant 624 : index
    %swap3A_80 = tpu.vector_load %arg6[%swap3A_79] {strides = array<i32>} : memref<1024xf32, #tpu.memory_space<vmem>>, vector<16xf32>,
    tpu.vector_store %arg6[%swap3A_79], %broadcast_in_dim3A_1 {strides = array<i32>} : memref<1024xf32, #tpu.memory_space<vmem>>, vector<16xf32>,
    %swap3A_81 = arith.constant 640 : index
    %swap3A_82 = tpu.vector_load %arg6[%swap3A_81] {strides = array<i32>} : memref<1024xf32, #tpu.memory_space<vmem>>, vector<16xf32>,
    tpu.vector_store %arg6[%swap3A_81], %broadcast_in_dim3A_1 {strides = array<i32>} : memref<1024xf32, #tpu.memory_space<vmem>>, vector<16xf32>,
    %swap3A_83 = arith.constant 656 : index
    %swap3A_84 = tpu.vector_load %arg6[%swap3A_83] {strides = array<i32>} : memref<1024xf32, #tpu.memory_space<vmem>>, vector<16xf32>,
    tpu.vector_store %arg6[%swap3A_83], %broadcast_in_dim3A_1 {strides = array<i32>} : memref<1024xf32, #tpu.memory_space<vmem>>, vector<16xf32>,
    %swap3A_85 = arith.constant 672 : index
    %swap3A_86 = tpu.vector_load %arg6[%swap3A_85] {strides = array<i32>} : memref<1024xf32, #tpu.memory_space<vmem>>, vector<16xf32>,
    tpu.vector_store %arg6[%swap3A_85], %broadcast_in_dim3A_1 {strides = array<i32>} : memref<1024xf32, #tpu.memory_space<vmem>>, vector<16xf32>,
    %swap3A_87 = arith.constant 688 : index
    %swap3A_88 = tpu.vector_load %arg6[%swap3A_87] {strides = array<i32>} : memref<1024xf32, #tpu.memory_space<vmem>>, vector<16xf32>,
    tpu.vector_store %arg6[%swap3A_87], %broadcast_in_dim3A_1 {strides = array<i32>} : memref<1024xf32, #tpu.memory_space<vmem>>, vector<16xf32>,
    %swap3A_89 = arith.constant 704 : index
    %swap3A_90 = tpu.vector_load %arg6[%swap3A_89] {strides = array<i32>} : memref<1024xf32, #tpu.memory_space<vmem>>, vector<16xf32>,
    tpu.vector_store %arg6[%swap3A_89], %broadcast_in_dim3A_1 {strides = array<i32>} : memref<1024xf32, #tpu.memory_space<vmem>>, vector<16xf32>,
    %swap3A_91 = arith.constant 720 : index
    %swap3A_92 = tpu.vector_load %arg6[%swap3A_91] {strides = array<i32>} : memref<1024xf32, #tpu.memory_space<vmem>>, vector<16xf32>,
    tpu.vector_store %arg6[%swap3A_91], %broadcast_in_dim3A_1 {strides = array<i32>} : memref<1024xf32, #tpu.memory_space<vmem>>, vector<16xf32>,
    %swap3A_93 = arith.constant 736 : index
    %swap3A_94 = tpu.vector_load %arg6[%swap3A_93] {strides = array<i32>} : memref<1024xf32, #tpu.memory_space<vmem>>, vector<16xf32>,
    tpu.vector_store %arg6[%swap3A_93], %broadcast_in_dim3A_1 {strides = array<i32>} : memref<1024xf32, #tpu.memory_space<vmem>>, vector<16xf32>,
    %swap3A_95 = arith.constant 752 : index
    %swap3A_96 = tpu.vector_load %arg6[%swap3A_95] {strides = array<i32>} : memref<1024xf32, #tpu.memory_space<vmem>>, vector<16xf32>,
    tpu.vector_store %arg6[%swap3A_95], %broadcast_in_dim3A_1 {strides = array<i32>} : memref<1024xf32, #tpu.memory_space<vmem>>, vector<16xf32>,
    %swap3A_97 = arith.constant 768 : index
    %swap3A_98 = tpu.vector_load %arg6[%swap3A_97] {strides = array<i32>} : memref<1024xf32, #tpu.memory_space<vmem>>, vector<16xf32>,
    tpu.vector_store %arg6[%swap3A_97], %broadcast_in_dim3A_1 {strides = array<i32>} : memref<1024xf32, #tpu.memory_space<vmem>>, vector<16xf32>,
    %swap3A_99 = arith.constant 784 : index
    %swap3A_100 = tpu.vector_load %arg6[%swap3A_99] {strides = array<i32>} : memref<1024xf32, #tpu.memory_space<vmem>>, vector<16xf32>,
    tpu.vector_store %arg6[%swap3A_99], %broadcast_in_dim3A_1 {strides = array<i32>} : memref<1024xf32, #tpu.memory_space<vmem>>, vector<16xf32>,
    %swap3A_101 = arith.constant 800 : index
    %swap3A_102 = tpu.vector_load %arg6[%swap3A_101] {strides = array<i32>} : memref<1024xf32, #tpu.memory_space<vmem>>, vector<16xf32>,
    tpu.vector_store %arg6[%swap3A_101], %broadcast_in_dim3A_1 {strides = array<i32>} : memref<1024xf32, #tpu.memory_space<vmem>>, vector<16xf32>,
    %swap3A_103 = arith.constant 816 : index
    %swap3A_104 = tpu.vector_load %arg6[%swap3A_103] {strides = array<i32>} : memref<1024xf32, #tpu.memory_space<vmem>>, vector<16xf32>,
    tpu.vector_store %arg6[%swap3A_103], %broadcast_in_dim3A_1 {strides = array<i32>} : memref<1024xf32, #tpu.memory_space<vmem>>, vector<16xf32>,
    %swap3A_105 = arith.constant 832 : index
    %swap3A_106 = tpu.vector_load %arg6[%swap3A_105] {strides = array<i32>} : memref<1024xf32, #tpu.memory_space<vmem>>, vector<16xf32>,
    tpu.vector_store %arg6[%swap3A_105], %broadcast_in_dim3A_1 {strides = array<i32>} : memref<1024xf32, #tpu.memory_space<vmem>>, vector<16xf32>,
    %swap3A_107 = arith.constant 848 : index
    %swap3A_108 = tpu.vector_load %arg6[%swap3A_107] {strides = array<i32>} : memref<1024xf32, #tpu.memory_space<vmem>>, vector<16xf32>,
    tpu.vector_store %arg6[%swap3A_107], %broadcast_in_dim3A_1 {strides = array<i32>} : memref<1024xf32, #tpu.memory_space<vmem>>, vector<16xf32>,
    %swap3A_109 = arith.constant 864 : index
    %swap3A_110 = tpu.vector_load %arg6[%swap3A_109] {strides = array<i32>} : memref<1024xf32, #tpu.memory_space<vmem>>, vector<16xf32>,
    tpu.vector_store %arg6[%swap3A_109], %broadcast_in_dim3A_1 {strides = array<i32>} : memref<1024xf32, #tpu.memory_space<vmem>>, vector<16xf32>,
    %swap3A_111 = arith.constant 880 : index
    %swap3A_112 = tpu.vector_load %arg6[%swap3A_111] {strides = array<i32>} : memref<1024xf32, #tpu.memory_space<vmem>>, vector<16xf32>,
    tpu.vector_store %arg6[%swap3A_111], %broadcast_in_dim3A_1 {strides = array<i32>} : memref<1024xf32, #tpu.memory_space<vmem>>, vector<16xf32>,
    %swap3A_113 = arith.constant 896 : index
    %swap3A_114 = tpu.vector_load %arg6[%swap3A_113] {strides = array<i32>} : memref<1024xf32, #tpu.memory_space<vmem>>, vector<16xf32>,
    tpu.vector_store %arg6[%swap3A_113], %broadcast_in_dim3A_1 {strides = array<i32>} : memref<1024xf32, #tpu.memory_space<vmem>>, vector<16xf32>,
    %swap3A_115 = arith.constant 912 : index
    %swap3A_116 = tpu.vector_load %arg6[%swap3A_115] {strides = array<i32>} : memref<1024xf32, #tpu.memory_space<vmem>>, vector<16xf32>,
    tpu.vector_store %arg6[%swap3A_115], %broadcast_in_dim3A_1 {strides = array<i32>} : memref<1024xf32, #tpu.memory_space<vmem>>, vector<16xf32>,
    %swap3A_117 = arith.constant 928 : index
    %swap3A_118 = tpu.vector_load %arg6[%swap3A_117] {strides = array<i32>} : memref<1024xf32, #tpu.memory_space<vmem>>, vector<16xf32>,
    tpu.vector_store %arg6[%swap3A_117], %broadcast_in_dim3A_1 {strides = array<i32>} : memref<1024xf32, #tpu.memory_space<vmem>>, vector<16xf32>,
    %swap3A_119 = arith.constant 944 : index
    %swap3A_120 = tpu.vector_load %arg6[%swap3A_119] {strides = array<i32>} : memref<1024xf32, #tpu.memory_space<vmem>>, vector<16xf32>,
    tpu.vector_store %arg6[%swap3A_119], %broadcast_in_dim3A_1 {strides = array<i32>} : memref<1024xf32, #tpu.memory_space<vmem>>, vector<16xf32>,
    %swap3A_121 = arith.constant 960 : index
    %swap3A_122 = tpu.vector_load %arg6[%swap3A_121] {strides = array<i32>} : memref<1024xf32, #tpu.memory_space<vmem>>, vector<16xf32>,
    tpu.vector_store %arg6[%swap3A_121], %broadcast_in_dim3A_1 {strides = array<i32>} : memref<1024xf32, #tpu.memory_space<vmem>>, vector<16xf32>,
    %swap3A_123 = arith.constant 976 : index
    %swap3A_124 = tpu.vector_load %arg6[%swap3A_123] {strides = array<i32>} : memref<1024xf32, #tpu.memory_space<vmem>>, vector<16xf32>,
    tpu.vector_store %arg6[%swap3A_123], %broadcast_in_dim3A_1 {strides = array<i32>} : memref<1024xf32, #tpu.memory_space<vmem>>, vector<16xf32>,
    %swap3A_125 = arith.constant 992 : index
    %swap3A_126 = tpu.vector_load %arg6[%swap3A_125] {strides = array<i32>} : memref<1024xf32, #tpu.memory_space<vmem>>, vector<16xf32>,
    tpu.vector_store %arg6[%swap3A_125], %broadcast_in_dim3A_1 {strides = array<i32>} : memref<1024xf32, #tpu.memory_space<vmem>>, vector<16xf32>,
    %swap3A_127 = arith.constant 1008 : index
    %swap3A_128 = tpu.vector_load %arg6[%swap3A_127] {strides = array<i32>} : memref<1024xf32, #tpu.memory_space<vmem>>, vector<16xf32>,
    tpu.vector_store %arg6[%swap3A_127], %broadcast_in_dim3A_1 {strides = array<i32>} : memref<1024xf32, #tpu.memory_space<vmem>>, vector<16xf32>,
    %mul3A_129 = arith.constant 8192 : i32
    %mul3A_130 = arith.muli %add3A, %mul3A_129 : i32
    %add3A_131 = arith.constant 0 : i32
    %add3A_132 = arith.addi %add3A_131, %mul3A_130 : i32
    "tpu.region"() ({
      %run_scoped3A = tpu.sem_alloc : memref<!tpu.dma_semaphore, #tpu.memory_space<semaphore_mem>>
      %dma_start3A = tpu.memref_slice %arg2[%add3A_132] : memref<4194304xf32, #tpu.memory_space<hbm>> -> memref<8192xf32, #tpu.memory_space<hbm>>
      %dma_start3A_448 = tpu.memref_slice %arg2[%add3A_132] : memref<4194304xf32, #tpu.memory_space<hbm>> -> memref<8192xf32, #tpu.memory_space<hbm>>
      tpu.enqueue_dma source(%dma_start3A_448 : memref<8192xf32, #tpu.memory_space<hbm>>) target(%arg5 : memref<8192xf32, #tpu.memory_space<vmem>>) target_semaphore(%run_scoped3A : memref<!tpu.dma_semaphore, #tpu.memory_space<semaphore_mem>>)
      %dma_wait3A = tpu.memref_slice %arg2[%add3A_132] : memref<4194304xf32, #tpu.memory_space<hbm>> -> memref<8192xf32, #tpu.memory_space<hbm>>
      %dma_wait3A_449 = tpu.memref_slice %arg2[%add3A_132] : memref<4194304xf32, #tpu.memory_space<hbm>> -> memref<8192xf32, #tpu.memory_space<hbm>>
      tpu.wait_dma2 semaphore(%run_scoped3A : memref<!tpu.dma_semaphore, #tpu.memory_space<semaphore_mem>>) src(%dma_wait3A_449 : memref<8192xf32, #tpu.memory_space<hbm>>) dst(%arg5 : memref<8192xf32, #tpu.memory_space<vmem>>)
      tpu.yield
    }) : () -> ()
    %scan3A = arith.constant 0 : i32
    %scan3A_133 = arith.constant 0 : i32
    %scan3A_134 = arith.constant 512 : i32
    %scan3A_135 = arith.addi %scan3A_133, %scan3A_134 : i32
    %scan3A_136 = arith.constant 1 : i32
    scf.for %scan3A_448 = %scan3A_133 to %scan3A_135 step %scan3A_136  : i32 {
      %mul3A_449 = arith.constant 16 : i32
      %mul3A_450 = arith.muli %scan3A_448, %mul3A_449 : i32
      %multiple_of3A = tpu.assume_multiple %mul3A_450, 16 : i32
      %get3A = arith.index_cast %multiple_of3A : i32 to index
      %get3A_451 = tpu.vector_load %arg5[%get3A] {strides = array<i32>} : memref<8192xf32, #tpu.memory_space<vmem>>, vector<16xf32>,
      %mul3A_452 = arith.constant 7.35758924 : f32
      %mul3A_453 = vector.broadcast %mul3A_452 : f32 to vector<16xf32>
      %mul3A_454 = arith.mulf %get3A_451, %mul3A_453 : vector<16xf32>
      %min3A = arith.constant 1.900000e+01 : f32
      %min3A_455 = vector.broadcast %min3A : f32 to vector<16xf32>
      %min3A_456 = arith.minimumf %mul3A_454, %min3A_455 : vector<16xf32>
      %convert_element_type3A = arith.fptosi %min3A_456 : vector<16xf32> to vector<16xi32>
      %add3A_457 = arith.constant 0 : i32
      %add3A_458 = vector.broadcast %add3A_457 : i32 to vector<16xi32>
      %add3A_459 = arith.addi %convert_element_type3A, %add3A_458 : vector<16xi32>
      tpu.vector_store_idx %arg6[%add3A_459], %get3A_451 {add = true} : memref<1024xf32, #tpu.memory_space<vmem>>[vector<16xi32>], vector<16xf32>,
    }
    %scan3A_137 = arith.constant 512 : i32
    %mul3A_138 = arith.constant 8192 : i32
    %mul3A_139 = arith.muli %add3A, %mul3A_138 : i32
    %add3A_140 = arith.constant 262144 : i32
    %add3A_141 = arith.addi %add3A_140, %mul3A_139 : i32
    "tpu.region"() ({
      %run_scoped3A = tpu.sem_alloc : memref<!tpu.dma_semaphore, #tpu.memory_space<semaphore_mem>>
      %dma_start3A = tpu.memref_slice %arg2[%add3A_141] : memref<4194304xf32, #tpu.memory_space<hbm>> -> memref<8192xf32, #tpu.memory_space<hbm>>
      %dma_start3A_448 = tpu.memref_slice %arg2[%add3A_141] : memref<4194304xf32, #tpu.memory_space<hbm>> -> memref<8192xf32, #tpu.memory_space<hbm>>
      tpu.enqueue_dma source(%dma_start3A_448 : memref<8192xf32, #tpu.memory_space<hbm>>) target(%arg5 : memref<8192xf32, #tpu.memory_space<vmem>>) target_semaphore(%run_scoped3A : memref<!tpu.dma_semaphore, #tpu.memory_space<semaphore_mem>>)
      %dma_wait3A = tpu.memref_slice %arg2[%add3A_141] : memref<4194304xf32, #tpu.memory_space<hbm>> -> memref<8192xf32, #tpu.memory_space<hbm>>
      %dma_wait3A_449 = tpu.memref_slice %arg2[%add3A_141] : memref<4194304xf32, #tpu.memory_space<hbm>> -> memref<8192xf32, #tpu.memory_space<hbm>>
      tpu.wait_dma2 semaphore(%run_scoped3A : memref<!tpu.dma_semaphore, #tpu.memory_space<semaphore_mem>>) src(%dma_wait3A_449 : memref<8192xf32, #tpu.memory_space<hbm>>) dst(%arg5 : memref<8192xf32, #tpu.memory_space<vmem>>)
      tpu.yield
    }) : () -> ()
    %scan3A_142 = arith.constant 0 : i32
    %scan3A_143 = arith.constant 0 : i32
    %scan3A_144 = arith.constant 512 : i32
    %scan3A_145 = arith.addi %scan3A_143, %scan3A_144 : i32
    %scan3A_146 = arith.constant 1 : i32
    scf.for %scan3A_448 = %scan3A_143 to %scan3A_145 step %scan3A_146  : i32 {
      %mul3A_449 = arith.constant 16 : i32
      %mul3A_450 = arith.muli %scan3A_448, %mul3A_449 : i32
      %multiple_of3A = tpu.assume_multiple %mul3A_450, 16 : i32
      %get3A = arith.index_cast %multiple_of3A : i32 to index
      %get3A_451 = tpu.vector_load %arg5[%get3A] {strides = array<i32>} : memref<8192xf32, #tpu.memory_space<vmem>>, vector<16xf32>,
      %mul3A_452 = arith.constant 7.35758924 : f32
      %mul3A_453 = vector.broadcast %mul3A_452 : f32 to vector<16xf32>
      %mul3A_454 = arith.mulf %get3A_451, %mul3A_453 : vector<16xf32>
      %min3A = arith.constant 1.900000e+01 : f32
      %min3A_455 = vector.broadcast %min3A : f32 to vector<16xf32>
      %min3A_456 = arith.minimumf %mul3A_454, %min3A_455 : vector<16xf32>
      %convert_element_type3A = arith.fptosi %min3A_456 : vector<16xf32> to vector<16xi32>
      %add3A_457 = arith.constant 64 : i32
      %add3A_458 = vector.broadcast %add3A_457 : i32 to vector<16xi32>
      %add3A_459 = arith.addi %convert_element_type3A, %add3A_458 : vector<16xi32>
      tpu.vector_store_idx %arg6[%add3A_459], %get3A_451 {add = true} : memref<1024xf32, #tpu.memory_space<vmem>>[vector<16xi32>], vector<16xf32>,
    }
    %scan3A_147 = arith.constant 512 : i32
    %mul3A_148 = arith.constant 8192 : i32
    %mul3A_149 = arith.muli %add3A, %mul3A_148 : i32
    %add3A_150 = arith.constant 524288 : i32
    %add3A_151 = arith.addi %add3A_150, %mul3A_149 : i32
    "tpu.region"() ({
      %run_scoped3A = tpu.sem_alloc : memref<!tpu.dma_semaphore, #tpu.memory_space<semaphore_mem>>
      %dma_start3A = tpu.memref_slice %arg2[%add3A_151] : memref<4194304xf32, #tpu.memory_space<hbm>> -> memref<8192xf32, #tpu.memory_space<hbm>>
      %dma_start3A_448 = tpu.memref_slice %arg2[%add3A_151] : memref<4194304xf32, #tpu.memory_space<hbm>> -> memref<8192xf32, #tpu.memory_space<hbm>>
      tpu.enqueue_dma source(%dma_start3A_448 : memref<8192xf32, #tpu.memory_space<hbm>>) target(%arg5 : memref<8192xf32, #tpu.memory_space<vmem>>) target_semaphore(%run_scoped3A : memref<!tpu.dma_semaphore, #tpu.memory_space<semaphore_mem>>)
      %dma_wait3A = tpu.memref_slice %arg2[%add3A_151] : memref<4194304xf32, #tpu.memory_space<hbm>> -> memref<8192xf32, #tpu.memory_space<hbm>>
      %dma_wait3A_449 = tpu.memref_slice %arg2[%add3A_151] : memref<4194304xf32, #tpu.memory_space<hbm>> -> memref<8192xf32, #tpu.memory_space<hbm>>
      tpu.wait_dma2 semaphore(%run_scoped3A : memref<!tpu.dma_semaphore, #tpu.memory_space<semaphore_mem>>) src(%dma_wait3A_449 : memref<8192xf32, #tpu.memory_space<hbm>>) dst(%arg5 : memref<8192xf32, #tpu.memory_space<vmem>>)
      tpu.yield
    }) : () -> ()
    %scan3A_152 = arith.constant 0 : i32
    %scan3A_153 = arith.constant 0 : i32
    %scan3A_154 = arith.constant 512 : i32
    %scan3A_155 = arith.addi %scan3A_153, %scan3A_154 : i32
    %scan3A_156 = arith.constant 1 : i32
    scf.for %scan3A_448 = %scan3A_153 to %scan3A_155 step %scan3A_156  : i32 {
      %mul3A_449 = arith.constant 16 : i32
      %mul3A_450 = arith.muli %scan3A_448, %mul3A_449 : i32
      %multiple_of3A = tpu.assume_multiple %mul3A_450, 16 : i32
      %get3A = arith.index_cast %multiple_of3A : i32 to index
      %get3A_451 = tpu.vector_load %arg5[%get3A] {strides = array<i32>} : memref<8192xf32, #tpu.memory_space<vmem>>, vector<16xf32>,
      %mul3A_452 = arith.constant 7.35758924 : f32
      %mul3A_453 = vector.broadcast %mul3A_452 : f32 to vector<16xf32>
      %mul3A_454 = arith.mulf %get3A_451, %mul3A_453 : vector<16xf32>
      %min3A = arith.constant 1.900000e+01 : f32
      %min3A_455 = vector.broadcast %min3A : f32 to vector<16xf32>
      %min3A_456 = arith.minimumf %mul3A_454, %min3A_455 : vector<16xf32>
      %convert_element_type3A = arith.fptosi %min3A_456 : vector<16xf32> to vector<16xi32>
      %add3A_457 = arith.constant 128 : i32
      %add3A_458 = vector.broadcast %add3A_457 : i32 to vector<16xi32>
      %add3A_459 = arith.addi %convert_element_type3A, %add3A_458 : vector<16xi32>
      tpu.vector_store_idx %arg6[%add3A_459], %get3A_451 {add = true} : memref<1024xf32, #tpu.memory_space<vmem>>[vector<16xi32>], vector<16xf32>,
    }
    %scan3A_157 = arith.constant 512 : i32
    %mul3A_158 = arith.constant 8192 : i32
    %mul3A_159 = arith.muli %add3A, %mul3A_158 : i32
    %add3A_160 = arith.constant 786432 : i32
    %add3A_161 = arith.addi %add3A_160, %mul3A_159 : i32
    "tpu.region"() ({
      %run_scoped3A = tpu.sem_alloc : memref<!tpu.dma_semaphore, #tpu.memory_space<semaphore_mem>>
      %dma_start3A = tpu.memref_slice %arg2[%add3A_161] : memref<4194304xf32, #tpu.memory_space<hbm>> -> memref<8192xf32, #tpu.memory_space<hbm>>
      %dma_start3A_448 = tpu.memref_slice %arg2[%add3A_161] : memref<4194304xf32, #tpu.memory_space<hbm>> -> memref<8192xf32, #tpu.memory_space<hbm>>
      tpu.enqueue_dma source(%dma_start3A_448 : memref<8192xf32, #tpu.memory_space<hbm>>) target(%arg5 : memref<8192xf32, #tpu.memory_space<vmem>>) target_semaphore(%run_scoped3A : memref<!tpu.dma_semaphore, #tpu.memory_space<semaphore_mem>>)
      %dma_wait3A = tpu.memref_slice %arg2[%add3A_161] : memref<4194304xf32, #tpu.memory_space<hbm>> -> memref<8192xf32, #tpu.memory_space<hbm>>
      %dma_wait3A_449 = tpu.memref_slice %arg2[%add3A_161] : memref<4194304xf32, #tpu.memory_space<hbm>> -> memref<8192xf32, #tpu.memory_space<hbm>>
      tpu.wait_dma2 semaphore(%run_scoped3A : memref<!tpu.dma_semaphore, #tpu.memory_space<semaphore_mem>>) src(%dma_wait3A_449 : memref<8192xf32, #tpu.memory_space<hbm>>) dst(%arg5 : memref<8192xf32, #tpu.memory_space<vmem>>)
      tpu.yield
    }) : () -> ()
    %scan3A_162 = arith.constant 0 : i32
    %scan3A_163 = arith.constant 0 : i32
    %scan3A_164 = arith.constant 512 : i32
    %scan3A_165 = arith.addi %scan3A_163, %scan3A_164 : i32
    %scan3A_166 = arith.constant 1 : i32
    scf.for %scan3A_448 = %scan3A_163 to %scan3A_165 step %scan3A_166  : i32 {
      %mul3A_449 = arith.constant 16 : i32
      %mul3A_450 = arith.muli %scan3A_448, %mul3A_449 : i32
      %multiple_of3A = tpu.assume_multiple %mul3A_450, 16 : i32
      %get3A = arith.index_cast %multiple_of3A : i32 to index
      %get3A_451 = tpu.vector_load %arg5[%get3A] {strides = array<i32>} : memref<8192xf32, #tpu.memory_space<vmem>>, vector<16xf32>,
      %mul3A_452 = arith.constant 7.35758924 : f32
      %mul3A_453 = vector.broadcast %mul3A_452 : f32 to vector<16xf32>
      %mul3A_454 = arith.mulf %get3A_451, %mul3A_453 : vector<16xf32>
      %min3A = arith.constant 1.900000e+01 : f32
      %min3A_455 = vector.broadcast %min3A : f32 to vector<16xf32>
      %min3A_456 = arith.minimumf %mul3A_454, %min3A_455 : vector<16xf32>
      %convert_element_type3A = arith.fptosi %min3A_456 : vector<16xf32> to vector<16xi32>
      %add3A_457 = arith.constant 192 : i32
      %add3A_458 = vector.broadcast %add3A_457 : i32 to vector<16xi32>
      %add3A_459 = arith.addi %convert_element_type3A, %add3A_458 : vector<16xi32>
      tpu.vector_store_idx %arg6[%add3A_459], %get3A_451 {add = true} : memref<1024xf32, #tpu.memory_space<vmem>>[vector<16xi32>], vector<16xf32>,
    }
    %scan3A_167 = arith.constant 512 : i32
    %mul3A_168 = arith.constant 8192 : i32
    %mul3A_169 = arith.muli %add3A, %mul3A_168 : i32
    %add3A_170 = arith.constant 1048576 : i32
    %add3A_171 = arith.addi %add3A_170, %mul3A_169 : i32
    "tpu.region"() ({
      %run_scoped3A = tpu.sem_alloc : memref<!tpu.dma_semaphore, #tpu.memory_space<semaphore_mem>>
      %dma_start3A = tpu.memref_slice %arg2[%add3A_171] : memref<4194304xf32, #tpu.memory_space<hbm>> -> memref<8192xf32, #tpu.memory_space<hbm>>
      %dma_start3A_448 = tpu.memref_slice %arg2[%add3A_171] : memref<4194304xf32, #tpu.memory_space<hbm>> -> memref<8192xf32, #tpu.memory_space<hbm>>
      tpu.enqueue_dma source(%dma_start3A_448 : memref<8192xf32, #tpu.memory_space<hbm>>) target(%arg5 : memref<8192xf32, #tpu.memory_space<vmem>>) target_semaphore(%run_scoped3A : memref<!tpu.dma_semaphore, #tpu.memory_space<semaphore_mem>>)
      %dma_wait3A = tpu.memref_slice %arg2[%add3A_171] : memref<4194304xf32, #tpu.memory_space<hbm>> -> memref<8192xf32, #tpu.memory_space<hbm>>
      %dma_wait3A_449 = tpu.memref_slice %arg2[%add3A_171] : memref<4194304xf32, #tpu.memory_space<hbm>> -> memref<8192xf32, #tpu.memory_space<hbm>>
      tpu.wait_dma2 semaphore(%run_scoped3A : memref<!tpu.dma_semaphore, #tpu.memory_space<semaphore_mem>>) src(%dma_wait3A_449 : memref<8192xf32, #tpu.memory_space<hbm>>) dst(%arg5 : memref<8192xf32, #tpu.memory_space<vmem>>)
      tpu.yield
    }) : () -> ()
    %scan3A_172 = arith.constant 0 : i32
    %scan3A_173 = arith.constant 0 : i32
    %scan3A_174 = arith.constant 512 : i32
    %scan3A_175 = arith.addi %scan3A_173, %scan3A_174 : i32
    %scan3A_176 = arith.constant 1 : i32
    scf.for %scan3A_448 = %scan3A_173 to %scan3A_175 step %scan3A_176  : i32 {
      %mul3A_449 = arith.constant 16 : i32
      %mul3A_450 = arith.muli %scan3A_448, %mul3A_449 : i32
      %multiple_of3A = tpu.assume_multiple %mul3A_450, 16 : i32
      %get3A = arith.index_cast %multiple_of3A : i32 to index
      %get3A_451 = tpu.vector_load %arg5[%get3A] {strides = array<i32>} : memref<8192xf32, #tpu.memory_space<vmem>>, vector<16xf32>,
      %mul3A_452 = arith.constant 7.35758924 : f32
      %mul3A_453 = vector.broadcast %mul3A_452 : f32 to vector<16xf32>
      %mul3A_454 = arith.mulf %get3A_451, %mul3A_453 : vector<16xf32>
      %min3A = arith.constant 1.900000e+01 : f32
      %min3A_455 = vector.broadcast %min3A : f32 to vector<16xf32>
      %min3A_456 = arith.minimumf %mul3A_454, %min3A_455 : vector<16xf32>
      %convert_element_type3A = arith.fptosi %min3A_456 : vector<16xf32> to vector<16xi32>
      %add3A_457 = arith.constant 256 : i32
      %add3A_458 = vector.broadcast %add3A_457 : i32 to vector<16xi32>
      %add3A_459 = arith.addi %convert_element_type3A, %add3A_458 : vector<16xi32>
      tpu.vector_store_idx %arg6[%add3A_459], %get3A_451 {add = true} : memref<1024xf32, #tpu.memory_space<vmem>>[vector<16xi32>], vector<16xf32>,
    }
    %scan3A_177 = arith.constant 512 : i32
    %mul3A_178 = arith.constant 8192 : i32
    %mul3A_179 = arith.muli %add3A, %mul3A_178 : i32
    %add3A_180 = arith.constant 1310720 : i32
    %add3A_181 = arith.addi %add3A_180, %mul3A_179 : i32
    "tpu.region"() ({
      %run_scoped3A = tpu.sem_alloc : memref<!tpu.dma_semaphore, #tpu.memory_space<semaphore_mem>>
      %dma_start3A = tpu.memref_slice %arg2[%add3A_181] : memref<4194304xf32, #tpu.memory_space<hbm>> -> memref<8192xf32, #tpu.memory_space<hbm>>
      %dma_start3A_448 = tpu.memref_slice %arg2[%add3A_181] : memref<4194304xf32, #tpu.memory_space<hbm>> -> memref<8192xf32, #tpu.memory_space<hbm>>
      tpu.enqueue_dma source(%dma_start3A_448 : memref<8192xf32, #tpu.memory_space<hbm>>) target(%arg5 : memref<8192xf32, #tpu.memory_space<vmem>>) target_semaphore(%run_scoped3A : memref<!tpu.dma_semaphore, #tpu.memory_space<semaphore_mem>>)
      %dma_wait3A = tpu.memref_slice %arg2[%add3A_181] : memref<4194304xf32, #tpu.memory_space<hbm>> -> memref<8192xf32, #tpu.memory_space<hbm>>
      %dma_wait3A_449 = tpu.memref_slice %arg2[%add3A_181] : memref<4194304xf32, #tpu.memory_space<hbm>> -> memref<8192xf32, #tpu.memory_space<hbm>>
      tpu.wait_dma2 semaphore(%run_scoped3A : memref<!tpu.dma_semaphore, #tpu.memory_space<semaphore_mem>>) src(%dma_wait3A_449 : memref<8192xf32, #tpu.memory_space<hbm>>) dst(%arg5 : memref<8192xf32, #tpu.memory_space<vmem>>)
      tpu.yield
    }) : () -> ()
    %scan3A_182 = arith.constant 0 : i32
    %scan3A_183 = arith.constant 0 : i32
    %scan3A_184 = arith.constant 512 : i32
    %scan3A_185 = arith.addi %scan3A_183, %scan3A_184 : i32
    %scan3A_186 = arith.constant 1 : i32
    scf.for %scan3A_448 = %scan3A_183 to %scan3A_185 step %scan3A_186  : i32 {
      %mul3A_449 = arith.constant 16 : i32
      %mul3A_450 = arith.muli %scan3A_448, %mul3A_449 : i32
      %multiple_of3A = tpu.assume_multiple %mul3A_450, 16 : i32
      %get3A = arith.index_cast %multiple_of3A : i32 to index
      %get3A_451 = tpu.vector_load %arg5[%get3A] {strides = array<i32>} : memref<8192xf32, #tpu.memory_space<vmem>>, vector<16xf32>,
      %mul3A_452 = arith.constant 7.35758924 : f32
      %mul3A_453 = vector.broadcast %mul3A_452 : f32 to vector<16xf32>
      %mul3A_454 = arith.mulf %get3A_451, %mul3A_453 : vector<16xf32>
      %min3A = arith.constant 1.900000e+01 : f32
      %min3A_455 = vector.broadcast %min3A : f32 to vector<16xf32>
      %min3A_456 = arith.minimumf %mul3A_454, %min3A_455 : vector<16xf32>
      %convert_element_type3A = arith.fptosi %min3A_456 : vector<16xf32> to vector<16xi32>
      %add3A_457 = arith.constant 320 : i32
      %add3A_458 = vector.broadcast %add3A_457 : i32 to vector<16xi32>
      %add3A_459 = arith.addi %convert_element_type3A, %add3A_458 : vector<16xi32>
      tpu.vector_store_idx %arg6[%add3A_459], %get3A_451 {add = true} : memref<1024xf32, #tpu.memory_space<vmem>>[vector<16xi32>], vector<16xf32>,
    }
    %scan3A_187 = arith.constant 512 : i32
    %mul3A_188 = arith.constant 8192 : i32
    %mul3A_189 = arith.muli %add3A, %mul3A_188 : i32
    %add3A_190 = arith.constant 1572864 : i32
    %add3A_191 = arith.addi %add3A_190, %mul3A_189 : i32
    "tpu.region"() ({
      %run_scoped3A = tpu.sem_alloc : memref<!tpu.dma_semaphore, #tpu.memory_space<semaphore_mem>>
      %dma_start3A = tpu.memref_slice %arg2[%add3A_191] : memref<4194304xf32, #tpu.memory_space<hbm>> -> memref<8192xf32, #tpu.memory_space<hbm>>
      %dma_start3A_448 = tpu.memref_slice %arg2[%add3A_191] : memref<4194304xf32, #tpu.memory_space<hbm>> -> memref<8192xf32, #tpu.memory_space<hbm>>
      tpu.enqueue_dma source(%dma_start3A_448 : memref<8192xf32, #tpu.memory_space<hbm>>) target(%arg5 : memref<8192xf32, #tpu.memory_space<vmem>>) target_semaphore(%run_scoped3A : memref<!tpu.dma_semaphore, #tpu.memory_space<semaphore_mem>>)
      %dma_wait3A = tpu.memref_slice %arg2[%add3A_191] : memref<4194304xf32, #tpu.memory_space<hbm>> -> memref<8192xf32, #tpu.memory_space<hbm>>
      %dma_wait3A_449 = tpu.memref_slice %arg2[%add3A_191] : memref<4194304xf32, #tpu.memory_space<hbm>> -> memref<8192xf32, #tpu.memory_space<hbm>>
      tpu.wait_dma2 semaphore(%run_scoped3A : memref<!tpu.dma_semaphore, #tpu.memory_space<semaphore_mem>>) src(%dma_wait3A_449 : memref<8192xf32, #tpu.memory_space<hbm>>) dst(%arg5 : memref<8192xf32, #tpu.memory_space<vmem>>)
      tpu.yield
    }) : () -> ()
    %scan3A_192 = arith.constant 0 : i32
    %scan3A_193 = arith.constant 0 : i32
    %scan3A_194 = arith.constant 512 : i32
    %scan3A_195 = arith.addi %scan3A_193, %scan3A_194 : i32
    %scan3A_196 = arith.constant 1 : i32
    scf.for %scan3A_448 = %scan3A_193 to %scan3A_195 step %scan3A_196  : i32 {
      %mul3A_449 = arith.constant 16 : i32
      %mul3A_450 = arith.muli %scan3A_448, %mul3A_449 : i32
      %multiple_of3A = tpu.assume_multiple %mul3A_450, 16 : i32
      %get3A = arith.index_cast %multiple_of3A : i32 to index
      %get3A_451 = tpu.vector_load %arg5[%get3A] {strides = array<i32>} : memref<8192xf32, #tpu.memory_space<vmem>>, vector<16xf32>,
      %mul3A_452 = arith.constant 7.35758924 : f32
      %mul3A_453 = vector.broadcast %mul3A_452 : f32 to vector<16xf32>
      %mul3A_454 = arith.mulf %get3A_451, %mul3A_453 : vector<16xf32>
      %min3A = arith.constant 1.900000e+01 : f32
      %min3A_455 = vector.broadcast %min3A : f32 to vector<16xf32>
      %min3A_456 = arith.minimumf %mul3A_454, %min3A_455 : vector<16xf32>
      %convert_element_type3A = arith.fptosi %min3A_456 : vector<16xf32> to vector<16xi32>
      %add3A_457 = arith.constant 384 : i32
      %add3A_458 = vector.broadcast %add3A_457 : i32 to vector<16xi32>
      %add3A_459 = arith.addi %convert_element_type3A, %add3A_458 : vector<16xi32>
      tpu.vector_store_idx %arg6[%add3A_459], %get3A_451 {add = true} : memref<1024xf32, #tpu.memory_space<vmem>>[vector<16xi32>], vector<16xf32>,
    }
    %scan3A_197 = arith.constant 512 : i32
    %mul3A_198 = arith.constant 8192 : i32
    %mul3A_199 = arith.muli %add3A, %mul3A_198 : i32
    %add3A_200 = arith.constant 1835008 : i32
    %add3A_201 = arith.addi %add3A_200, %mul3A_199 : i32
    "tpu.region"() ({
      %run_scoped3A = tpu.sem_alloc : memref<!tpu.dma_semaphore, #tpu.memory_space<semaphore_mem>>
      %dma_start3A = tpu.memref_slice %arg2[%add3A_201] : memref<4194304xf32, #tpu.memory_space<hbm>> -> memref<8192xf32, #tpu.memory_space<hbm>>
      %dma_start3A_448 = tpu.memref_slice %arg2[%add3A_201] : memref<4194304xf32, #tpu.memory_space<hbm>> -> memref<8192xf32, #tpu.memory_space<hbm>>
      tpu.enqueue_dma source(%dma_start3A_448 : memref<8192xf32, #tpu.memory_space<hbm>>) target(%arg5 : memref<8192xf32, #tpu.memory_space<vmem>>) target_semaphore(%run_scoped3A : memref<!tpu.dma_semaphore, #tpu.memory_space<semaphore_mem>>)
      %dma_wait3A = tpu.memref_slice %arg2[%add3A_201] : memref<4194304xf32, #tpu.memory_space<hbm>> -> memref<8192xf32, #tpu.memory_space<hbm>>
      %dma_wait3A_449 = tpu.memref_slice %arg2[%add3A_201] : memref<4194304xf32, #tpu.memory_space<hbm>> -> memref<8192xf32, #tpu.memory_space<hbm>>
      tpu.wait_dma2 semaphore(%run_scoped3A : memref<!tpu.dma_semaphore, #tpu.memory_space<semaphore_mem>>) src(%dma_wait3A_449 : memref<8192xf32, #tpu.memory_space<hbm>>) dst(%arg5 : memref<8192xf32, #tpu.memory_space<vmem>>)
      tpu.yield
    }) : () -> ()
    %scan3A_202 = arith.constant 0 : i32
    %scan3A_203 = arith.constant 0 : i32
    %scan3A_204 = arith.constant 512 : i32
    %scan3A_205 = arith.addi %scan3A_203, %scan3A_204 : i32
    %scan3A_206 = arith.constant 1 : i32
    scf.for %scan3A_448 = %scan3A_203 to %scan3A_205 step %scan3A_206  : i32 {
      %mul3A_449 = arith.constant 16 : i32
      %mul3A_450 = arith.muli %scan3A_448, %mul3A_449 : i32
      %multiple_of3A = tpu.assume_multiple %mul3A_450, 16 : i32
      %get3A = arith.index_cast %multiple_of3A : i32 to index
      %get3A_451 = tpu.vector_load %arg5[%get3A] {strides = array<i32>} : memref<8192xf32, #tpu.memory_space<vmem>>, vector<16xf32>,
      %mul3A_452 = arith.constant 7.35758924 : f32
      %mul3A_453 = vector.broadcast %mul3A_452 : f32 to vector<16xf32>
      %mul3A_454 = arith.mulf %get3A_451, %mul3A_453 : vector<16xf32>
      %min3A = arith.constant 1.900000e+01 : f32
      %min3A_455 = vector.broadcast %min3A : f32 to vector<16xf32>
      %min3A_456 = arith.minimumf %mul3A_454, %min3A_455 : vector<16xf32>
      %convert_element_type3A = arith.fptosi %min3A_456 : vector<16xf32> to vector<16xi32>
      %add3A_457 = arith.constant 448 : i32
      %add3A_458 = vector.broadcast %add3A_457 : i32 to vector<16xi32>
      %add3A_459 = arith.addi %convert_element_type3A, %add3A_458 : vector<16xi32>
      tpu.vector_store_idx %arg6[%add3A_459], %get3A_451 {add = true} : memref<1024xf32, #tpu.memory_space<vmem>>[vector<16xi32>], vector<16xf32>,
    }
    %scan3A_207 = arith.constant 512 : i32
    %mul3A_208 = arith.constant 8192 : i32
    %mul3A_209 = arith.muli %add3A, %mul3A_208 : i32
    %add3A_210 = arith.constant 2097152 : i32
    %add3A_211 = arith.addi %add3A_210, %mul3A_209 : i32
    "tpu.region"() ({
      %run_scoped3A = tpu.sem_alloc : memref<!tpu.dma_semaphore, #tpu.memory_space<semaphore_mem>>
      %dma_start3A = tpu.memref_slice %arg2[%add3A_211] : memref<4194304xf32, #tpu.memory_space<hbm>> -> memref<8192xf32, #tpu.memory_space<hbm>>
      %dma_start3A_448 = tpu.memref_slice %arg2[%add3A_211] : memref<4194304xf32, #tpu.memory_space<hbm>> -> memref<8192xf32, #tpu.memory_space<hbm>>
      tpu.enqueue_dma source(%dma_start3A_448 : memref<8192xf32, #tpu.memory_space<hbm>>) target(%arg5 : memref<8192xf32, #tpu.memory_space<vmem>>) target_semaphore(%run_scoped3A : memref<!tpu.dma_semaphore, #tpu.memory_space<semaphore_mem>>)
      %dma_wait3A = tpu.memref_slice %arg2[%add3A_211] : memref<4194304xf32, #tpu.memory_space<hbm>> -> memref<8192xf32, #tpu.memory_space<hbm>>
      %dma_wait3A_449 = tpu.memref_slice %arg2[%add3A_211] : memref<4194304xf32, #tpu.memory_space<hbm>> -> memref<8192xf32, #tpu.memory_space<hbm>>
      tpu.wait_dma2 semaphore(%run_scoped3A : memref<!tpu.dma_semaphore, #tpu.memory_space<semaphore_mem>>) src(%dma_wait3A_449 : memref<8192xf32, #tpu.memory_space<hbm>>) dst(%arg5 : memref<8192xf32, #tpu.memory_space<vmem>>)
      tpu.yield
    }) : () -> ()
    %scan3A_212 = arith.constant 0 : i32
    %scan3A_213 = arith.constant 0 : i32
    %scan3A_214 = arith.constant 512 : i32
    %scan3A_215 = arith.addi %scan3A_213, %scan3A_214 : i32
    %scan3A_216 = arith.constant 1 : i32
    scf.for %scan3A_448 = %scan3A_213 to %scan3A_215 step %scan3A_216  : i32 {
      %mul3A_449 = arith.constant 16 : i32
      %mul3A_450 = arith.muli %scan3A_448, %mul3A_449 : i32
      %multiple_of3A = tpu.assume_multiple %mul3A_450, 16 : i32
      %get3A = arith.index_cast %multiple_of3A : i32 to index
      %get3A_451 = tpu.vector_load %arg5[%get3A] {strides = array<i32>} : memref<8192xf32, #tpu.memory_space<vmem>>, vector<16xf32>,
      %mul3A_452 = arith.constant 7.35758924 : f32
      %mul3A_453 = vector.broadcast %mul3A_452 : f32 to vector<16xf32>
      %mul3A_454 = arith.mulf %get3A_451, %mul3A_453 : vector<16xf32>
      %min3A = arith.constant 1.900000e+01 : f32
      %min3A_455 = vector.broadcast %min3A : f32 to vector<16xf32>
      %min3A_456 = arith.minimumf %mul3A_454, %min3A_455 : vector<16xf32>
      %convert_element_type3A = arith.fptosi %min3A_456 : vector<16xf32> to vector<16xi32>
      %add3A_457 = arith.constant 512 : i32
      %add3A_458 = vector.broadcast %add3A_457 : i32 to vector<16xi32>
      %add3A_459 = arith.addi %convert_element_type3A, %add3A_458 : vector<16xi32>
      tpu.vector_store_idx %arg6[%add3A_459], %get3A_451 {add = true} : memref<1024xf32, #tpu.memory_space<vmem>>[vector<16xi32>], vector<16xf32>,
    }
    %scan3A_217 = arith.constant 512 : i32
    %mul3A_218 = arith.constant 8192 : i32
    %mul3A_219 = arith.muli %add3A, %mul3A_218 : i32
    %add3A_220 = arith.constant 2359296 : i32
    %add3A_221 = arith.addi %add3A_220, %mul3A_219 : i32
    "tpu.region"() ({
      %run_scoped3A = tpu.sem_alloc : memref<!tpu.dma_semaphore, #tpu.memory_space<semaphore_mem>>
      %dma_start3A = tpu.memref_slice %arg2[%add3A_221] : memref<4194304xf32, #tpu.memory_space<hbm>> -> memref<8192xf32, #tpu.memory_space<hbm>>
      %dma_start3A_448 = tpu.memref_slice %arg2[%add3A_221] : memref<4194304xf32, #tpu.memory_space<hbm>> -> memref<8192xf32, #tpu.memory_space<hbm>>
      tpu.enqueue_dma source(%dma_start3A_448 : memref<8192xf32, #tpu.memory_space<hbm>>) target(%arg5 : memref<8192xf32, #tpu.memory_space<vmem>>) target_semaphore(%run_scoped3A : memref<!tpu.dma_semaphore, #tpu.memory_space<semaphore_mem>>)
      %dma_wait3A = tpu.memref_slice %arg2[%add3A_221] : memref<4194304xf32, #tpu.memory_space<hbm>> -> memref<8192xf32, #tpu.memory_space<hbm>>
      %dma_wait3A_449 = tpu.memref_slice %arg2[%add3A_221] : memref<4194304xf32, #tpu.memory_space<hbm>> -> memref<8192xf32, #tpu.memory_space<hbm>>
      tpu.wait_dma2 semaphore(%run_scoped3A : memref<!tpu.dma_semaphore, #tpu.memory_space<semaphore_mem>>) src(%dma_wait3A_449 : memref<8192xf32, #tpu.memory_space<hbm>>) dst(%arg5 : memref<8192xf32, #tpu.memory_space<vmem>>)
      tpu.yield
    }) : () -> ()
    %scan3A_222 = arith.constant 0 : i32
    %scan3A_223 = arith.constant 0 : i32
    %scan3A_224 = arith.constant 512 : i32
    %scan3A_225 = arith.addi %scan3A_223, %scan3A_224 : i32
    %scan3A_226 = arith.constant 1 : i32
    scf.for %scan3A_448 = %scan3A_223 to %scan3A_225 step %scan3A_226  : i32 {
      %mul3A_449 = arith.constant 16 : i32
      %mul3A_450 = arith.muli %scan3A_448, %mul3A_449 : i32
      %multiple_of3A = tpu.assume_multiple %mul3A_450, 16 : i32
      %get3A = arith.index_cast %multiple_of3A : i32 to index
      %get3A_451 = tpu.vector_load %arg5[%get3A] {strides = array<i32>} : memref<8192xf32, #tpu.memory_space<vmem>>, vector<16xf32>,
      %mul3A_452 = arith.constant 7.35758924 : f32
      %mul3A_453 = vector.broadcast %mul3A_452 : f32 to vector<16xf32>
      %mul3A_454 = arith.mulf %get3A_451, %mul3A_453 : vector<16xf32>
      %min3A = arith.constant 1.900000e+01 : f32
      %min3A_455 = vector.broadcast %min3A : f32 to vector<16xf32>
      %min3A_456 = arith.minimumf %mul3A_454, %min3A_455 : vector<16xf32>
      %convert_element_type3A = arith.fptosi %min3A_456 : vector<16xf32> to vector<16xi32>
      %add3A_457 = arith.constant 576 : i32
      %add3A_458 = vector.broadcast %add3A_457 : i32 to vector<16xi32>
      %add3A_459 = arith.addi %convert_element_type3A, %add3A_458 : vector<16xi32>
      tpu.vector_store_idx %arg6[%add3A_459], %get3A_451 {add = true} : memref<1024xf32, #tpu.memory_space<vmem>>[vector<16xi32>], vector<16xf32>,
    }
    %scan3A_227 = arith.constant 512 : i32
    %mul3A_228 = arith.constant 8192 : i32
    %mul3A_229 = arith.muli %add3A, %mul3A_228 : i32
    %add3A_230 = arith.constant 2621440 : i32
    %add3A_231 = arith.addi %add3A_230, %mul3A_229 : i32
    "tpu.region"() ({
      %run_scoped3A = tpu.sem_alloc : memref<!tpu.dma_semaphore, #tpu.memory_space<semaphore_mem>>
      %dma_start3A = tpu.memref_slice %arg2[%add3A_231] : memref<4194304xf32, #tpu.memory_space<hbm>> -> memref<8192xf32, #tpu.memory_space<hbm>>
      %dma_start3A_448 = tpu.memref_slice %arg2[%add3A_231] : memref<4194304xf32, #tpu.memory_space<hbm>> -> memref<8192xf32, #tpu.memory_space<hbm>>
      tpu.enqueue_dma source(%dma_start3A_448 : memref<8192xf32, #tpu.memory_space<hbm>>) target(%arg5 : memref<8192xf32, #tpu.memory_space<vmem>>) target_semaphore(%run_scoped3A : memref<!tpu.dma_semaphore, #tpu.memory_space<semaphore_mem>>)
      %dma_wait3A = tpu.memref_slice %arg2[%add3A_231] : memref<4194304xf32, #tpu.memory_space<hbm>> -> memref<8192xf32, #tpu.memory_space<hbm>>
      %dma_wait3A_449 = tpu.memref_slice %arg2[%add3A_231] : memref<4194304xf32, #tpu.memory_space<hbm>> -> memref<8192xf32, #tpu.memory_space<hbm>>
      tpu.wait_dma2 semaphore(%run_scoped3A : memref<!tpu.dma_semaphore, #tpu.memory_space<semaphore_mem>>) src(%dma_wait3A_449 : memref<8192xf32, #tpu.memory_space<hbm>>) dst(%arg5 : memref<8192xf32, #tpu.memory_space<vmem>>)
      tpu.yield
    }) : () -> ()
    %scan3A_232 = arith.constant 0 : i32
    %scan3A_233 = arith.constant 0 : i32
    %scan3A_234 = arith.constant 512 : i32
    %scan3A_235 = arith.addi %scan3A_233, %scan3A_234 : i32
    %scan3A_236 = arith.constant 1 : i32
    scf.for %scan3A_448 = %scan3A_233 to %scan3A_235 step %scan3A_236  : i32 {
      %mul3A_449 = arith.constant 16 : i32
      %mul3A_450 = arith.muli %scan3A_448, %mul3A_449 : i32
      %multiple_of3A = tpu.assume_multiple %mul3A_450, 16 : i32
      %get3A = arith.index_cast %multiple_of3A : i32 to index
      %get3A_451 = tpu.vector_load %arg5[%get3A] {strides = array<i32>} : memref<8192xf32, #tpu.memory_space<vmem>>, vector<16xf32>,
      %mul3A_452 = arith.constant 7.35758924 : f32
      %mul3A_453 = vector.broadcast %mul3A_452 : f32 to vector<16xf32>
      %mul3A_454 = arith.mulf %get3A_451, %mul3A_453 : vector<16xf32>
      %min3A = arith.constant 1.900000e+01 : f32
      %min3A_455 = vector.broadcast %min3A : f32 to vector<16xf32>
      %min3A_456 = arith.minimumf %mul3A_454, %min3A_455 : vector<16xf32>
      %convert_element_type3A = arith.fptosi %min3A_456 : vector<16xf32> to vector<16xi32>
      %add3A_457 = arith.constant 640 : i32
      %add3A_458 = vector.broadcast %add3A_457 : i32 to vector<16xi32>
      %add3A_459 = arith.addi %convert_element_type3A, %add3A_458 : vector<16xi32>
      tpu.vector_store_idx %arg6[%add3A_459], %get3A_451 {add = true} : memref<1024xf32, #tpu.memory_space<vmem>>[vector<16xi32>], vector<16xf32>,
    }
    %scan3A_237 = arith.constant 512 : i32
    %mul3A_238 = arith.constant 8192 : i32
    %mul3A_239 = arith.muli %add3A, %mul3A_238 : i32
    %add3A_240 = arith.constant 2883584 : i32
    %add3A_241 = arith.addi %add3A_240, %mul3A_239 : i32
    "tpu.region"() ({
      %run_scoped3A = tpu.sem_alloc : memref<!tpu.dma_semaphore, #tpu.memory_space<semaphore_mem>>
      %dma_start3A = tpu.memref_slice %arg2[%add3A_241] : memref<4194304xf32, #tpu.memory_space<hbm>> -> memref<8192xf32, #tpu.memory_space<hbm>>
      %dma_start3A_448 = tpu.memref_slice %arg2[%add3A_241] : memref<4194304xf32, #tpu.memory_space<hbm>> -> memref<8192xf32, #tpu.memory_space<hbm>>
      tpu.enqueue_dma source(%dma_start3A_448 : memref<8192xf32, #tpu.memory_space<hbm>>) target(%arg5 : memref<8192xf32, #tpu.memory_space<vmem>>) target_semaphore(%run_scoped3A : memref<!tpu.dma_semaphore, #tpu.memory_space<semaphore_mem>>)
      %dma_wait3A = tpu.memref_slice %arg2[%add3A_241] : memref<4194304xf32, #tpu.memory_space<hbm>> -> memref<8192xf32, #tpu.memory_space<hbm>>
      %dma_wait3A_449 = tpu.memref_slice %arg2[%add3A_241] : memref<4194304xf32, #tpu.memory_space<hbm>> -> memref<8192xf32, #tpu.memory_space<hbm>>
      tpu.wait_dma2 semaphore(%run_scoped3A : memref<!tpu.dma_semaphore, #tpu.memory_space<semaphore_mem>>) src(%dma_wait3A_449 : memref<8192xf32, #tpu.memory_space<hbm>>) dst(%arg5 : memref<8192xf32, #tpu.memory_space<vmem>>)
      tpu.yield
    }) : () -> ()
    %scan3A_242 = arith.constant 0 : i32
    %scan3A_243 = arith.constant 0 : i32
    %scan3A_244 = arith.constant 512 : i32
    %scan3A_245 = arith.addi %scan3A_243, %scan3A_244 : i32
    %scan3A_246 = arith.constant 1 : i32
    scf.for %scan3A_448 = %scan3A_243 to %scan3A_245 step %scan3A_246  : i32 {
      %mul3A_449 = arith.constant 16 : i32
      %mul3A_450 = arith.muli %scan3A_448, %mul3A_449 : i32
      %multiple_of3A = tpu.assume_multiple %mul3A_450, 16 : i32
      %get3A = arith.index_cast %multiple_of3A : i32 to index
      %get3A_451 = tpu.vector_load %arg5[%get3A] {strides = array<i32>} : memref<8192xf32, #tpu.memory_space<vmem>>, vector<16xf32>,
      %mul3A_452 = arith.constant 7.35758924 : f32
      %mul3A_453 = vector.broadcast %mul3A_452 : f32 to vector<16xf32>
      %mul3A_454 = arith.mulf %get3A_451, %mul3A_453 : vector<16xf32>
      %min3A = arith.constant 1.900000e+01 : f32
      %min3A_455 = vector.broadcast %min3A : f32 to vector<16xf32>
      %min3A_456 = arith.minimumf %mul3A_454, %min3A_455 : vector<16xf32>
      %convert_element_type3A = arith.fptosi %min3A_456 : vector<16xf32> to vector<16xi32>
      %add3A_457 = arith.constant 704 : i32
      %add3A_458 = vector.broadcast %add3A_457 : i32 to vector<16xi32>
      %add3A_459 = arith.addi %convert_element_type3A, %add3A_458 : vector<16xi32>
      tpu.vector_store_idx %arg6[%add3A_459], %get3A_451 {add = true} : memref<1024xf32, #tpu.memory_space<vmem>>[vector<16xi32>], vector<16xf32>,
    }
    %scan3A_247 = arith.constant 512 : i32
    %mul3A_248 = arith.constant 8192 : i32
    %mul3A_249 = arith.muli %add3A, %mul3A_248 : i32
    %add3A_250 = arith.constant 3145728 : i32
    %add3A_251 = arith.addi %add3A_250, %mul3A_249 : i32
    "tpu.region"() ({
      %run_scoped3A = tpu.sem_alloc : memref<!tpu.dma_semaphore, #tpu.memory_space<semaphore_mem>>
      %dma_start3A = tpu.memref_slice %arg2[%add3A_251] : memref<4194304xf32, #tpu.memory_space<hbm>> -> memref<8192xf32, #tpu.memory_space<hbm>>
      %dma_start3A_448 = tpu.memref_slice %arg2[%add3A_251] : memref<4194304xf32, #tpu.memory_space<hbm>> -> memref<8192xf32, #tpu.memory_space<hbm>>
      tpu.enqueue_dma source(%dma_start3A_448 : memref<8192xf32, #tpu.memory_space<hbm>>) target(%arg5 : memref<8192xf32, #tpu.memory_space<vmem>>) target_semaphore(%run_scoped3A : memref<!tpu.dma_semaphore, #tpu.memory_space<semaphore_mem>>)
      %dma_wait3A = tpu.memref_slice %arg2[%add3A_251] : memref<4194304xf32, #tpu.memory_space<hbm>> -> memref<8192xf32, #tpu.memory_space<hbm>>
      %dma_wait3A_449 = tpu.memref_slice %arg2[%add3A_251] : memref<4194304xf32, #tpu.memory_space<hbm>> -> memref<8192xf32, #tpu.memory_space<hbm>>
      tpu.wait_dma2 semaphore(%run_scoped3A : memref<!tpu.dma_semaphore, #tpu.memory_space<semaphore_mem>>) src(%dma_wait3A_449 : memref<8192xf32, #tpu.memory_space<hbm>>) dst(%arg5 : memref<8192xf32, #tpu.memory_space<vmem>>)
      tpu.yield
    }) : () -> ()
    %scan3A_252 = arith.constant 0 : i32
    %scan3A_253 = arith.constant 0 : i32
    %scan3A_254 = arith.constant 512 : i32
    %scan3A_255 = arith.addi %scan3A_253, %scan3A_254 : i32
    %scan3A_256 = arith.constant 1 : i32
    scf.for %scan3A_448 = %scan3A_253 to %scan3A_255 step %scan3A_256  : i32 {
      %mul3A_449 = arith.constant 16 : i32
      %mul3A_450 = arith.muli %scan3A_448, %mul3A_449 : i32
      %multiple_of3A = tpu.assume_multiple %mul3A_450, 16 : i32
      %get3A = arith.index_cast %multiple_of3A : i32 to index
      %get3A_451 = tpu.vector_load %arg5[%get3A] {strides = array<i32>} : memref<8192xf32, #tpu.memory_space<vmem>>, vector<16xf32>,
      %mul3A_452 = arith.constant 7.35758924 : f32
      %mul3A_453 = vector.broadcast %mul3A_452 : f32 to vector<16xf32>
      %mul3A_454 = arith.mulf %get3A_451, %mul3A_453 : vector<16xf32>
      %min3A = arith.constant 1.900000e+01 : f32
      %min3A_455 = vector.broadcast %min3A : f32 to vector<16xf32>
      %min3A_456 = arith.minimumf %mul3A_454, %min3A_455 : vector<16xf32>
      %convert_element_type3A = arith.fptosi %min3A_456 : vector<16xf32> to vector<16xi32>
      %add3A_457 = arith.constant 768 : i32
      %add3A_458 = vector.broadcast %add3A_457 : i32 to vector<16xi32>
      %add3A_459 = arith.addi %convert_element_type3A, %add3A_458 : vector<16xi32>
      tpu.vector_store_idx %arg6[%add3A_459], %get3A_451 {add = true} : memref<1024xf32, #tpu.memory_space<vmem>>[vector<16xi32>], vector<16xf32>,
    }
    %scan3A_257 = arith.constant 512 : i32
    %mul3A_258 = arith.constant 8192 : i32
    %mul3A_259 = arith.muli %add3A, %mul3A_258 : i32
    %add3A_260 = arith.constant 3407872 : i32
    %add3A_261 = arith.addi %add3A_260, %mul3A_259 : i32
    "tpu.region"() ({
      %run_scoped3A = tpu.sem_alloc : memref<!tpu.dma_semaphore, #tpu.memory_space<semaphore_mem>>
      %dma_start3A = tpu.memref_slice %arg2[%add3A_261] : memref<4194304xf32, #tpu.memory_space<hbm>> -> memref<8192xf32, #tpu.memory_space<hbm>>
      %dma_start3A_448 = tpu.memref_slice %arg2[%add3A_261] : memref<4194304xf32, #tpu.memory_space<hbm>> -> memref<8192xf32, #tpu.memory_space<hbm>>
      tpu.enqueue_dma source(%dma_start3A_448 : memref<8192xf32, #tpu.memory_space<hbm>>) target(%arg5 : memref<8192xf32, #tpu.memory_space<vmem>>) target_semaphore(%run_scoped3A : memref<!tpu.dma_semaphore, #tpu.memory_space<semaphore_mem>>)
      %dma_wait3A = tpu.memref_slice %arg2[%add3A_261] : memref<4194304xf32, #tpu.memory_space<hbm>> -> memref<8192xf32, #tpu.memory_space<hbm>>
      %dma_wait3A_449 = tpu.memref_slice %arg2[%add3A_261] : memref<4194304xf32, #tpu.memory_space<hbm>> -> memref<8192xf32, #tpu.memory_space<hbm>>
      tpu.wait_dma2 semaphore(%run_scoped3A : memref<!tpu.dma_semaphore, #tpu.memory_space<semaphore_mem>>) src(%dma_wait3A_449 : memref<8192xf32, #tpu.memory_space<hbm>>) dst(%arg5 : memref<8192xf32, #tpu.memory_space<vmem>>)
      tpu.yield
    }) : () -> ()
    %scan3A_262 = arith.constant 0 : i32
    %scan3A_263 = arith.constant 0 : i32
    %scan3A_264 = arith.constant 512 : i32
    %scan3A_265 = arith.addi %scan3A_263, %scan3A_264 : i32
    %scan3A_266 = arith.constant 1 : i32
    scf.for %scan3A_448 = %scan3A_263 to %scan3A_265 step %scan3A_266  : i32 {
      %mul3A_449 = arith.constant 16 : i32
      %mul3A_450 = arith.muli %scan3A_448, %mul3A_449 : i32
      %multiple_of3A = tpu.assume_multiple %mul3A_450, 16 : i32
      %get3A = arith.index_cast %multiple_of3A : i32 to index
      %get3A_451 = tpu.vector_load %arg5[%get3A] {strides = array<i32>} : memref<8192xf32, #tpu.memory_space<vmem>>, vector<16xf32>,
      %mul3A_452 = arith.constant 7.35758924 : f32
      %mul3A_453 = vector.broadcast %mul3A_452 : f32 to vector<16xf32>
      %mul3A_454 = arith.mulf %get3A_451, %mul3A_453 : vector<16xf32>
      %min3A = arith.constant 1.900000e+01 : f32
      %min3A_455 = vector.broadcast %min3A : f32 to vector<16xf32>
      %min3A_456 = arith.minimumf %mul3A_454, %min3A_455 : vector<16xf32>
      %convert_element_type3A = arith.fptosi %min3A_456 : vector<16xf32> to vector<16xi32>
      %add3A_457 = arith.constant 832 : i32
      %add3A_458 = vector.broadcast %add3A_457 : i32 to vector<16xi32>
      %add3A_459 = arith.addi %convert_element_type3A, %add3A_458 : vector<16xi32>
      tpu.vector_store_idx %arg6[%add3A_459], %get3A_451 {add = true} : memref<1024xf32, #tpu.memory_space<vmem>>[vector<16xi32>], vector<16xf32>,
    }
    %scan3A_267 = arith.constant 512 : i32
    %mul3A_268 = arith.constant 8192 : i32
    %mul3A_269 = arith.muli %add3A, %mul3A_268 : i32
    %add3A_270 = arith.constant 3670016 : i32
    %add3A_271 = arith.addi %add3A_270, %mul3A_269 : i32
    "tpu.region"() ({
      %run_scoped3A = tpu.sem_alloc : memref<!tpu.dma_semaphore, #tpu.memory_space<semaphore_mem>>
      %dma_start3A = tpu.memref_slice %arg2[%add3A_271] : memref<4194304xf32, #tpu.memory_space<hbm>> -> memref<8192xf32, #tpu.memory_space<hbm>>
      %dma_start3A_448 = tpu.memref_slice %arg2[%add3A_271] : memref<4194304xf32, #tpu.memory_space<hbm>> -> memref<8192xf32, #tpu.memory_space<hbm>>
      tpu.enqueue_dma source(%dma_start3A_448 : memref<8192xf32, #tpu.memory_space<hbm>>) target(%arg5 : memref<8192xf32, #tpu.memory_space<vmem>>) target_semaphore(%run_scoped3A : memref<!tpu.dma_semaphore, #tpu.memory_space<semaphore_mem>>)
      %dma_wait3A = tpu.memref_slice %arg2[%add3A_271] : memref<4194304xf32, #tpu.memory_space<hbm>> -> memref<8192xf32, #tpu.memory_space<hbm>>
      %dma_wait3A_449 = tpu.memref_slice %arg2[%add3A_271] : memref<4194304xf32, #tpu.memory_space<hbm>> -> memref<8192xf32, #tpu.memory_space<hbm>>
      tpu.wait_dma2 semaphore(%run_scoped3A : memref<!tpu.dma_semaphore, #tpu.memory_space<semaphore_mem>>) src(%dma_wait3A_449 : memref<8192xf32, #tpu.memory_space<hbm>>) dst(%arg5 : memref<8192xf32, #tpu.memory_space<vmem>>)
      tpu.yield
    }) : () -> ()
    %scan3A_272 = arith.constant 0 : i32
    %scan3A_273 = arith.constant 0 : i32
    %scan3A_274 = arith.constant 512 : i32
    %scan3A_275 = arith.addi %scan3A_273, %scan3A_274 : i32
    %scan3A_276 = arith.constant 1 : i32
    scf.for %scan3A_448 = %scan3A_273 to %scan3A_275 step %scan3A_276  : i32 {
      %mul3A_449 = arith.constant 16 : i32
      %mul3A_450 = arith.muli %scan3A_448, %mul3A_449 : i32
      %multiple_of3A = tpu.assume_multiple %mul3A_450, 16 : i32
      %get3A = arith.index_cast %multiple_of3A : i32 to index
      %get3A_451 = tpu.vector_load %arg5[%get3A] {strides = array<i32>} : memref<8192xf32, #tpu.memory_space<vmem>>, vector<16xf32>,
      %mul3A_452 = arith.constant 7.35758924 : f32
      %mul3A_453 = vector.broadcast %mul3A_452 : f32 to vector<16xf32>
      %mul3A_454 = arith.mulf %get3A_451, %mul3A_453 : vector<16xf32>
      %min3A = arith.constant 1.900000e+01 : f32
      %min3A_455 = vector.broadcast %min3A : f32 to vector<16xf32>
      %min3A_456 = arith.minimumf %mul3A_454, %min3A_455 : vector<16xf32>
      %convert_element_type3A = arith.fptosi %min3A_456 : vector<16xf32> to vector<16xi32>
      %add3A_457 = arith.constant 896 : i32
      %add3A_458 = vector.broadcast %add3A_457 : i32 to vector<16xi32>
      %add3A_459 = arith.addi %convert_element_type3A, %add3A_458 : vector<16xi32>
      tpu.vector_store_idx %arg6[%add3A_459], %get3A_451 {add = true} : memref<1024xf32, #tpu.memory_space<vmem>>[vector<16xi32>], vector<16xf32>,
    }
    %scan3A_277 = arith.constant 512 : i32
    %mul3A_278 = arith.constant 8192 : i32
    %mul3A_279 = arith.muli %add3A, %mul3A_278 : i32
    %add3A_280 = arith.constant 3932160 : i32
    %add3A_281 = arith.addi %add3A_280, %mul3A_279 : i32
    "tpu.region"() ({
      %run_scoped3A = tpu.sem_alloc : memref<!tpu.dma_semaphore, #tpu.memory_space<semaphore_mem>>
      %dma_start3A = tpu.memref_slice %arg2[%add3A_281] : memref<4194304xf32, #tpu.memory_space<hbm>> -> memref<8192xf32, #tpu.memory_space<hbm>>
      %dma_start3A_448 = tpu.memref_slice %arg2[%add3A_281] : memref<4194304xf32, #tpu.memory_space<hbm>> -> memref<8192xf32, #tpu.memory_space<hbm>>
      tpu.enqueue_dma source(%dma_start3A_448 : memref<8192xf32, #tpu.memory_space<hbm>>) target(%arg5 : memref<8192xf32, #tpu.memory_space<vmem>>) target_semaphore(%run_scoped3A : memref<!tpu.dma_semaphore, #tpu.memory_space<semaphore_mem>>)
      %dma_wait3A = tpu.memref_slice %arg2[%add3A_281] : memref<4194304xf32, #tpu.memory_space<hbm>> -> memref<8192xf32, #tpu.memory_space<hbm>>
      %dma_wait3A_449 = tpu.memref_slice %arg2[%add3A_281] : memref<4194304xf32, #tpu.memory_space<hbm>> -> memref<8192xf32, #tpu.memory_space<hbm>>
      tpu.wait_dma2 semaphore(%run_scoped3A : memref<!tpu.dma_semaphore, #tpu.memory_space<semaphore_mem>>) src(%dma_wait3A_449 : memref<8192xf32, #tpu.memory_space<hbm>>) dst(%arg5 : memref<8192xf32, #tpu.memory_space<vmem>>)
      tpu.yield
    }) : () -> ()
    %scan3A_282 = arith.constant 0 : i32
    %scan3A_283 = arith.constant 0 : i32
    %scan3A_284 = arith.constant 512 : i32
    %scan3A_285 = arith.addi %scan3A_283, %scan3A_284 : i32
    %scan3A_286 = arith.constant 1 : i32
    scf.for %scan3A_448 = %scan3A_283 to %scan3A_285 step %scan3A_286  : i32 {
      %mul3A_449 = arith.constant 16 : i32
      %mul3A_450 = arith.muli %scan3A_448, %mul3A_449 : i32
      %multiple_of3A = tpu.assume_multiple %mul3A_450, 16 : i32
      %get3A = arith.index_cast %multiple_of3A : i32 to index
      %get3A_451 = tpu.vector_load %arg5[%get3A] {strides = array<i32>} : memref<8192xf32, #tpu.memory_space<vmem>>, vector<16xf32>,
      %mul3A_452 = arith.constant 7.35758924 : f32
      %mul3A_453 = vector.broadcast %mul3A_452 : f32 to vector<16xf32>
      %mul3A_454 = arith.mulf %get3A_451, %mul3A_453 : vector<16xf32>
      %min3A = arith.constant 1.900000e+01 : f32
      %min3A_455 = vector.broadcast %min3A : f32 to vector<16xf32>
      %min3A_456 = arith.minimumf %mul3A_454, %min3A_455 : vector<16xf32>
      %convert_element_type3A = arith.fptosi %min3A_456 : vector<16xf32> to vector<16xi32>
      %add3A_457 = arith.constant 960 : i32
      %add3A_458 = vector.broadcast %add3A_457 : i32 to vector<16xi32>
      %add3A_459 = arith.addi %convert_element_type3A, %add3A_458 : vector<16xi32>
      tpu.vector_store_idx %arg6[%add3A_459], %get3A_451 {add = true} : memref<1024xf32, #tpu.memory_space<vmem>>[vector<16xi32>], vector<16xf32>,
    }
    %scan3A_287 = arith.constant 512 : i32
    %mul3A_288 = arith.constant 8192 : i32
    %mul3A_289 = arith.muli %add3A, %mul3A_288 : i32
    %add3A_290 = arith.constant 0 : i32
    %add3A_291 = arith.addi %add3A_290, %mul3A_289 : i32
    "tpu.region"() ({
      %run_scoped3A = tpu.sem_alloc : memref<!tpu.dma_semaphore, #tpu.memory_space<semaphore_mem>>
      %dma_start3A = tpu.memref_slice %arg3[%add3A_291] : memref<4194304xf32, #tpu.memory_space<hbm>> -> memref<8192xf32, #tpu.memory_space<hbm>>
      %dma_start3A_448 = tpu.memref_slice %arg3[%add3A_291] : memref<4194304xf32, #tpu.memory_space<hbm>> -> memref<8192xf32, #tpu.memory_space<hbm>>
      tpu.enqueue_dma source(%dma_start3A_448 : memref<8192xf32, #tpu.memory_space<hbm>>) target(%arg5 : memref<8192xf32, #tpu.memory_space<vmem>>) target_semaphore(%run_scoped3A : memref<!tpu.dma_semaphore, #tpu.memory_space<semaphore_mem>>)
      %dma_wait3A = tpu.memref_slice %arg3[%add3A_291] : memref<4194304xf32, #tpu.memory_space<hbm>> -> memref<8192xf32, #tpu.memory_space<hbm>>
      %dma_wait3A_449 = tpu.memref_slice %arg3[%add3A_291] : memref<4194304xf32, #tpu.memory_space<hbm>> -> memref<8192xf32, #tpu.memory_space<hbm>>
      tpu.wait_dma2 semaphore(%run_scoped3A : memref<!tpu.dma_semaphore, #tpu.memory_space<semaphore_mem>>) src(%dma_wait3A_449 : memref<8192xf32, #tpu.memory_space<hbm>>) dst(%arg5 : memref<8192xf32, #tpu.memory_space<vmem>>)
      tpu.yield
    }) : () -> ()
    %scan3A_292 = arith.constant 0 : i32
    %scan3A_293 = arith.constant 0 : i32
    %scan3A_294 = arith.constant 512 : i32
    %scan3A_295 = arith.addi %scan3A_293, %scan3A_294 : i32
    %scan3A_296 = arith.constant 1 : i32
    scf.for %scan3A_448 = %scan3A_293 to %scan3A_295 step %scan3A_296  : i32 {
      %mul3A_449 = arith.constant 16 : i32
      %mul3A_450 = arith.muli %scan3A_448, %mul3A_449 : i32
      %multiple_of3A = tpu.assume_multiple %mul3A_450, 16 : i32
      %get3A = arith.index_cast %multiple_of3A : i32 to index
      %get3A_451 = tpu.vector_load %arg5[%get3A] {strides = array<i32>} : memref<8192xf32, #tpu.memory_space<vmem>>, vector<16xf32>,
      %mul3A_452 = arith.constant 7.35758924 : f32
      %mul3A_453 = vector.broadcast %mul3A_452 : f32 to vector<16xf32>
      %mul3A_454 = arith.mulf %get3A_451, %mul3A_453 : vector<16xf32>
      %min3A = arith.constant 1.900000e+01 : f32
      %min3A_455 = vector.broadcast %min3A : f32 to vector<16xf32>
      %min3A_456 = arith.minimumf %mul3A_454, %min3A_455 : vector<16xf32>
      %convert_element_type3A = arith.fptosi %min3A_456 : vector<16xf32> to vector<16xi32>
      %add3A_457 = arith.constant 32 : i32
      %add3A_458 = vector.broadcast %add3A_457 : i32 to vector<16xi32>
      %add3A_459 = arith.addi %convert_element_type3A, %add3A_458 : vector<16xi32>
      tpu.vector_store_idx %arg6[%add3A_459], %get3A_451 {add = true} : memref<1024xf32, #tpu.memory_space<vmem>>[vector<16xi32>], vector<16xf32>,
    }
    %scan3A_297 = arith.constant 512 : i32
    %mul3A_298 = arith.constant 8192 : i32
    %mul3A_299 = arith.muli %add3A, %mul3A_298 : i32
    %add3A_300 = arith.constant 262144 : i32
    %add3A_301 = arith.addi %add3A_300, %mul3A_299 : i32
    "tpu.region"() ({
      %run_scoped3A = tpu.sem_alloc : memref<!tpu.dma_semaphore, #tpu.memory_space<semaphore_mem>>
      %dma_start3A = tpu.memref_slice %arg3[%add3A_301] : memref<4194304xf32, #tpu.memory_space<hbm>> -> memref<8192xf32, #tpu.memory_space<hbm>>
      %dma_start3A_448 = tpu.memref_slice %arg3[%add3A_301] : memref<4194304xf32, #tpu.memory_space<hbm>> -> memref<8192xf32, #tpu.memory_space<hbm>>
      tpu.enqueue_dma source(%dma_start3A_448 : memref<8192xf32, #tpu.memory_space<hbm>>) target(%arg5 : memref<8192xf32, #tpu.memory_space<vmem>>) target_semaphore(%run_scoped3A : memref<!tpu.dma_semaphore, #tpu.memory_space<semaphore_mem>>)
      %dma_wait3A = tpu.memref_slice %arg3[%add3A_301] : memref<4194304xf32, #tpu.memory_space<hbm>> -> memref<8192xf32, #tpu.memory_space<hbm>>
      %dma_wait3A_449 = tpu.memref_slice %arg3[%add3A_301] : memref<4194304xf32, #tpu.memory_space<hbm>> -> memref<8192xf32, #tpu.memory_space<hbm>>
      tpu.wait_dma2 semaphore(%run_scoped3A : memref<!tpu.dma_semaphore, #tpu.memory_space<semaphore_mem>>) src(%dma_wait3A_449 : memref<8192xf32, #tpu.memory_space<hbm>>) dst(%arg5 : memref<8192xf32, #tpu.memory_space<vmem>>)
      tpu.yield
    }) : () -> ()
    %scan3A_302 = arith.constant 0 : i32
    %scan3A_303 = arith.constant 0 : i32
    %scan3A_304 = arith.constant 512 : i32
    %scan3A_305 = arith.addi %scan3A_303, %scan3A_304 : i32
    %scan3A_306 = arith.constant 1 : i32
    scf.for %scan3A_448 = %scan3A_303 to %scan3A_305 step %scan3A_306  : i32 {
      %mul3A_449 = arith.constant 16 : i32
      %mul3A_450 = arith.muli %scan3A_448, %mul3A_449 : i32
      %multiple_of3A = tpu.assume_multiple %mul3A_450, 16 : i32
      %get3A = arith.index_cast %multiple_of3A : i32 to index
      %get3A_451 = tpu.vector_load %arg5[%get3A] {strides = array<i32>} : memref<8192xf32, #tpu.memory_space<vmem>>, vector<16xf32>,
      %mul3A_452 = arith.constant 7.35758924 : f32
      %mul3A_453 = vector.broadcast %mul3A_452 : f32 to vector<16xf32>
      %mul3A_454 = arith.mulf %get3A_451, %mul3A_453 : vector<16xf32>
      %min3A = arith.constant 1.900000e+01 : f32
      %min3A_455 = vector.broadcast %min3A : f32 to vector<16xf32>
      %min3A_456 = arith.minimumf %mul3A_454, %min3A_455 : vector<16xf32>
      %convert_element_type3A = arith.fptosi %min3A_456 : vector<16xf32> to vector<16xi32>
      %add3A_457 = arith.constant 96 : i32
      %add3A_458 = vector.broadcast %add3A_457 : i32 to vector<16xi32>
      %add3A_459 = arith.addi %convert_element_type3A, %add3A_458 : vector<16xi32>
      tpu.vector_store_idx %arg6[%add3A_459], %get3A_451 {add = true} : memref<1024xf32, #tpu.memory_space<vmem>>[vector<16xi32>], vector<16xf32>,
    }
    %scan3A_307 = arith.constant 512 : i32
    %mul3A_308 = arith.constant 8192 : i32
    %mul3A_309 = arith.muli %add3A, %mul3A_308 : i32
    %add3A_310 = arith.constant 524288 : i32
    %add3A_311 = arith.addi %add3A_310, %mul3A_309 : i32
    "tpu.region"() ({
      %run_scoped3A = tpu.sem_alloc : memref<!tpu.dma_semaphore, #tpu.memory_space<semaphore_mem>>
      %dma_start3A = tpu.memref_slice %arg3[%add3A_311] : memref<4194304xf32, #tpu.memory_space<hbm>> -> memref<8192xf32, #tpu.memory_space<hbm>>
      %dma_start3A_448 = tpu.memref_slice %arg3[%add3A_311] : memref<4194304xf32, #tpu.memory_space<hbm>> -> memref<8192xf32, #tpu.memory_space<hbm>>
      tpu.enqueue_dma source(%dma_start3A_448 : memref<8192xf32, #tpu.memory_space<hbm>>) target(%arg5 : memref<8192xf32, #tpu.memory_space<vmem>>) target_semaphore(%run_scoped3A : memref<!tpu.dma_semaphore, #tpu.memory_space<semaphore_mem>>)
      %dma_wait3A = tpu.memref_slice %arg3[%add3A_311] : memref<4194304xf32, #tpu.memory_space<hbm>> -> memref<8192xf32, #tpu.memory_space<hbm>>
      %dma_wait3A_449 = tpu.memref_slice %arg3[%add3A_311] : memref<4194304xf32, #tpu.memory_space<hbm>> -> memref<8192xf32, #tpu.memory_space<hbm>>
      tpu.wait_dma2 semaphore(%run_scoped3A : memref<!tpu.dma_semaphore, #tpu.memory_space<semaphore_mem>>) src(%dma_wait3A_449 : memref<8192xf32, #tpu.memory_space<hbm>>) dst(%arg5 : memref<8192xf32, #tpu.memory_space<vmem>>)
      tpu.yield
    }) : () -> ()
    %scan3A_312 = arith.constant 0 : i32
    %scan3A_313 = arith.constant 0 : i32
    %scan3A_314 = arith.constant 512 : i32
    %scan3A_315 = arith.addi %scan3A_313, %scan3A_314 : i32
    %scan3A_316 = arith.constant 1 : i32
    scf.for %scan3A_448 = %scan3A_313 to %scan3A_315 step %scan3A_316  : i32 {
      %mul3A_449 = arith.constant 16 : i32
      %mul3A_450 = arith.muli %scan3A_448, %mul3A_449 : i32
      %multiple_of3A = tpu.assume_multiple %mul3A_450, 16 : i32
      %get3A = arith.index_cast %multiple_of3A : i32 to index
      %get3A_451 = tpu.vector_load %arg5[%get3A] {strides = array<i32>} : memref<8192xf32, #tpu.memory_space<vmem>>, vector<16xf32>,
      %mul3A_452 = arith.constant 7.35758924 : f32
      %mul3A_453 = vector.broadcast %mul3A_452 : f32 to vector<16xf32>
      %mul3A_454 = arith.mulf %get3A_451, %mul3A_453 : vector<16xf32>
      %min3A = arith.constant 1.900000e+01 : f32
      %min3A_455 = vector.broadcast %min3A : f32 to vector<16xf32>
      %min3A_456 = arith.minimumf %mul3A_454, %min3A_455 : vector<16xf32>
      %convert_element_type3A = arith.fptosi %min3A_456 : vector<16xf32> to vector<16xi32>
      %add3A_457 = arith.constant 160 : i32
      %add3A_458 = vector.broadcast %add3A_457 : i32 to vector<16xi32>
      %add3A_459 = arith.addi %convert_element_type3A, %add3A_458 : vector<16xi32>
      tpu.vector_store_idx %arg6[%add3A_459], %get3A_451 {add = true} : memref<1024xf32, #tpu.memory_space<vmem>>[vector<16xi32>], vector<16xf32>,
    }
    %scan3A_317 = arith.constant 512 : i32
    %mul3A_318 = arith.constant 8192 : i32
    %mul3A_319 = arith.muli %add3A, %mul3A_318 : i32
    %add3A_320 = arith.constant 786432 : i32
    %add3A_321 = arith.addi %add3A_320, %mul3A_319 : i32
    "tpu.region"() ({
      %run_scoped3A = tpu.sem_alloc : memref<!tpu.dma_semaphore, #tpu.memory_space<semaphore_mem>>
      %dma_start3A = tpu.memref_slice %arg3[%add3A_321] : memref<4194304xf32, #tpu.memory_space<hbm>> -> memref<8192xf32, #tpu.memory_space<hbm>>
      %dma_start3A_448 = tpu.memref_slice %arg3[%add3A_321] : memref<4194304xf32, #tpu.memory_space<hbm>> -> memref<8192xf32, #tpu.memory_space<hbm>>
      tpu.enqueue_dma source(%dma_start3A_448 : memref<8192xf32, #tpu.memory_space<hbm>>) target(%arg5 : memref<8192xf32, #tpu.memory_space<vmem>>) target_semaphore(%run_scoped3A : memref<!tpu.dma_semaphore, #tpu.memory_space<semaphore_mem>>)
      %dma_wait3A = tpu.memref_slice %arg3[%add3A_321] : memref<4194304xf32, #tpu.memory_space<hbm>> -> memref<8192xf32, #tpu.memory_space<hbm>>
      %dma_wait3A_449 = tpu.memref_slice %arg3[%add3A_321] : memref<4194304xf32, #tpu.memory_space<hbm>> -> memref<8192xf32, #tpu.memory_space<hbm>>
      tpu.wait_dma2 semaphore(%run_scoped3A : memref<!tpu.dma_semaphore, #tpu.memory_space<semaphore_mem>>) src(%dma_wait3A_449 : memref<8192xf32, #tpu.memory_space<hbm>>) dst(%arg5 : memref<8192xf32, #tpu.memory_space<vmem>>)
      tpu.yield
    }) : () -> ()
    %scan3A_322 = arith.constant 0 : i32
    %scan3A_323 = arith.constant 0 : i32
    %scan3A_324 = arith.constant 512 : i32
    %scan3A_325 = arith.addi %scan3A_323, %scan3A_324 : i32
    %scan3A_326 = arith.constant 1 : i32
    scf.for %scan3A_448 = %scan3A_323 to %scan3A_325 step %scan3A_326  : i32 {
      %mul3A_449 = arith.constant 16 : i32
      %mul3A_450 = arith.muli %scan3A_448, %mul3A_449 : i32
      %multiple_of3A = tpu.assume_multiple %mul3A_450, 16 : i32
      %get3A = arith.index_cast %multiple_of3A : i32 to index
      %get3A_451 = tpu.vector_load %arg5[%get3A] {strides = array<i32>} : memref<8192xf32, #tpu.memory_space<vmem>>, vector<16xf32>,
      %mul3A_452 = arith.constant 7.35758924 : f32
      %mul3A_453 = vector.broadcast %mul3A_452 : f32 to vector<16xf32>
      %mul3A_454 = arith.mulf %get3A_451, %mul3A_453 : vector<16xf32>
      %min3A = arith.constant 1.900000e+01 : f32
      %min3A_455 = vector.broadcast %min3A : f32 to vector<16xf32>
      %min3A_456 = arith.minimumf %mul3A_454, %min3A_455 : vector<16xf32>
      %convert_element_type3A = arith.fptosi %min3A_456 : vector<16xf32> to vector<16xi32>
      %add3A_457 = arith.constant 224 : i32
      %add3A_458 = vector.broadcast %add3A_457 : i32 to vector<16xi32>
      %add3A_459 = arith.addi %convert_element_type3A, %add3A_458 : vector<16xi32>
      tpu.vector_store_idx %arg6[%add3A_459], %get3A_451 {add = true} : memref<1024xf32, #tpu.memory_space<vmem>>[vector<16xi32>], vector<16xf32>,
    }
    %scan3A_327 = arith.constant 512 : i32
    %mul3A_328 = arith.constant 8192 : i32
    %mul3A_329 = arith.muli %add3A, %mul3A_328 : i32
    %add3A_330 = arith.constant 1048576 : i32
    %add3A_331 = arith.addi %add3A_330, %mul3A_329 : i32
    "tpu.region"() ({
      %run_scoped3A = tpu.sem_alloc : memref<!tpu.dma_semaphore, #tpu.memory_space<semaphore_mem>>
      %dma_start3A = tpu.memref_slice %arg3[%add3A_331] : memref<4194304xf32, #tpu.memory_space<hbm>> -> memref<8192xf32, #tpu.memory_space<hbm>>
      %dma_start3A_448 = tpu.memref_slice %arg3[%add3A_331] : memref<4194304xf32, #tpu.memory_space<hbm>> -> memref<8192xf32, #tpu.memory_space<hbm>>
      tpu.enqueue_dma source(%dma_start3A_448 : memref<8192xf32, #tpu.memory_space<hbm>>) target(%arg5 : memref<8192xf32, #tpu.memory_space<vmem>>) target_semaphore(%run_scoped3A : memref<!tpu.dma_semaphore, #tpu.memory_space<semaphore_mem>>)
      %dma_wait3A = tpu.memref_slice %arg3[%add3A_331] : memref<4194304xf32, #tpu.memory_space<hbm>> -> memref<8192xf32, #tpu.memory_space<hbm>>
      %dma_wait3A_449 = tpu.memref_slice %arg3[%add3A_331] : memref<4194304xf32, #tpu.memory_space<hbm>> -> memref<8192xf32, #tpu.memory_space<hbm>>
      tpu.wait_dma2 semaphore(%run_scoped3A : memref<!tpu.dma_semaphore, #tpu.memory_space<semaphore_mem>>) src(%dma_wait3A_449 : memref<8192xf32, #tpu.memory_space<hbm>>) dst(%arg5 : memref<8192xf32, #tpu.memory_space<vmem>>)
      tpu.yield
    }) : () -> ()
    %scan3A_332 = arith.constant 0 : i32
    %scan3A_333 = arith.constant 0 : i32
    %scan3A_334 = arith.constant 512 : i32
    %scan3A_335 = arith.addi %scan3A_333, %scan3A_334 : i32
    %scan3A_336 = arith.constant 1 : i32
    scf.for %scan3A_448 = %scan3A_333 to %scan3A_335 step %scan3A_336  : i32 {
      %mul3A_449 = arith.constant 16 : i32
      %mul3A_450 = arith.muli %scan3A_448, %mul3A_449 : i32
      %multiple_of3A = tpu.assume_multiple %mul3A_450, 16 : i32
      %get3A = arith.index_cast %multiple_of3A : i32 to index
      %get3A_451 = tpu.vector_load %arg5[%get3A] {strides = array<i32>} : memref<8192xf32, #tpu.memory_space<vmem>>, vector<16xf32>,
      %mul3A_452 = arith.constant 7.35758924 : f32
      %mul3A_453 = vector.broadcast %mul3A_452 : f32 to vector<16xf32>
      %mul3A_454 = arith.mulf %get3A_451, %mul3A_453 : vector<16xf32>
      %min3A = arith.constant 1.900000e+01 : f32
      %min3A_455 = vector.broadcast %min3A : f32 to vector<16xf32>
      %min3A_456 = arith.minimumf %mul3A_454, %min3A_455 : vector<16xf32>
      %convert_element_type3A = arith.fptosi %min3A_456 : vector<16xf32> to vector<16xi32>
      %add3A_457 = arith.constant 288 : i32
      %add3A_458 = vector.broadcast %add3A_457 : i32 to vector<16xi32>
      %add3A_459 = arith.addi %convert_element_type3A, %add3A_458 : vector<16xi32>
      tpu.vector_store_idx %arg6[%add3A_459], %get3A_451 {add = true} : memref<1024xf32, #tpu.memory_space<vmem>>[vector<16xi32>], vector<16xf32>,
    }
    %scan3A_337 = arith.constant 512 : i32
    %mul3A_338 = arith.constant 8192 : i32
    %mul3A_339 = arith.muli %add3A, %mul3A_338 : i32
    %add3A_340 = arith.constant 1310720 : i32
    %add3A_341 = arith.addi %add3A_340, %mul3A_339 : i32
    "tpu.region"() ({
      %run_scoped3A = tpu.sem_alloc : memref<!tpu.dma_semaphore, #tpu.memory_space<semaphore_mem>>
      %dma_start3A = tpu.memref_slice %arg3[%add3A_341] : memref<4194304xf32, #tpu.memory_space<hbm>> -> memref<8192xf32, #tpu.memory_space<hbm>>
      %dma_start3A_448 = tpu.memref_slice %arg3[%add3A_341] : memref<4194304xf32, #tpu.memory_space<hbm>> -> memref<8192xf32, #tpu.memory_space<hbm>>
      tpu.enqueue_dma source(%dma_start3A_448 : memref<8192xf32, #tpu.memory_space<hbm>>) target(%arg5 : memref<8192xf32, #tpu.memory_space<vmem>>) target_semaphore(%run_scoped3A : memref<!tpu.dma_semaphore, #tpu.memory_space<semaphore_mem>>)
      %dma_wait3A = tpu.memref_slice %arg3[%add3A_341] : memref<4194304xf32, #tpu.memory_space<hbm>> -> memref<8192xf32, #tpu.memory_space<hbm>>
      %dma_wait3A_449 = tpu.memref_slice %arg3[%add3A_341] : memref<4194304xf32, #tpu.memory_space<hbm>> -> memref<8192xf32, #tpu.memory_space<hbm>>
      tpu.wait_dma2 semaphore(%run_scoped3A : memref<!tpu.dma_semaphore, #tpu.memory_space<semaphore_mem>>) src(%dma_wait3A_449 : memref<8192xf32, #tpu.memory_space<hbm>>) dst(%arg5 : memref<8192xf32, #tpu.memory_space<vmem>>)
      tpu.yield
    }) : () -> ()
    %scan3A_342 = arith.constant 0 : i32
    %scan3A_343 = arith.constant 0 : i32
    %scan3A_344 = arith.constant 512 : i32
    %scan3A_345 = arith.addi %scan3A_343, %scan3A_344 : i32
    %scan3A_346 = arith.constant 1 : i32
    scf.for %scan3A_448 = %scan3A_343 to %scan3A_345 step %scan3A_346  : i32 {
      %mul3A_449 = arith.constant 16 : i32
      %mul3A_450 = arith.muli %scan3A_448, %mul3A_449 : i32
      %multiple_of3A = tpu.assume_multiple %mul3A_450, 16 : i32
      %get3A = arith.index_cast %multiple_of3A : i32 to index
      %get3A_451 = tpu.vector_load %arg5[%get3A] {strides = array<i32>} : memref<8192xf32, #tpu.memory_space<vmem>>, vector<16xf32>,
      %mul3A_452 = arith.constant 7.35758924 : f32
      %mul3A_453 = vector.broadcast %mul3A_452 : f32 to vector<16xf32>
      %mul3A_454 = arith.mulf %get3A_451, %mul3A_453 : vector<16xf32>
      %min3A = arith.constant 1.900000e+01 : f32
      %min3A_455 = vector.broadcast %min3A : f32 to vector<16xf32>
      %min3A_456 = arith.minimumf %mul3A_454, %min3A_455 : vector<16xf32>
      %convert_element_type3A = arith.fptosi %min3A_456 : vector<16xf32> to vector<16xi32>
      %add3A_457 = arith.constant 352 : i32
      %add3A_458 = vector.broadcast %add3A_457 : i32 to vector<16xi32>
      %add3A_459 = arith.addi %convert_element_type3A, %add3A_458 : vector<16xi32>
      tpu.vector_store_idx %arg6[%add3A_459], %get3A_451 {add = true} : memref<1024xf32, #tpu.memory_space<vmem>>[vector<16xi32>], vector<16xf32>,
    }
    %scan3A_347 = arith.constant 512 : i32
    %mul3A_348 = arith.constant 8192 : i32
    %mul3A_349 = arith.muli %add3A, %mul3A_348 : i32
    %add3A_350 = arith.constant 1572864 : i32
    %add3A_351 = arith.addi %add3A_350, %mul3A_349 : i32
    "tpu.region"() ({
      %run_scoped3A = tpu.sem_alloc : memref<!tpu.dma_semaphore, #tpu.memory_space<semaphore_mem>>
      %dma_start3A = tpu.memref_slice %arg3[%add3A_351] : memref<4194304xf32, #tpu.memory_space<hbm>> -> memref<8192xf32, #tpu.memory_space<hbm>>
      %dma_start3A_448 = tpu.memref_slice %arg3[%add3A_351] : memref<4194304xf32, #tpu.memory_space<hbm>> -> memref<8192xf32, #tpu.memory_space<hbm>>
      tpu.enqueue_dma source(%dma_start3A_448 : memref<8192xf32, #tpu.memory_space<hbm>>) target(%arg5 : memref<8192xf32, #tpu.memory_space<vmem>>) target_semaphore(%run_scoped3A : memref<!tpu.dma_semaphore, #tpu.memory_space<semaphore_mem>>)
      %dma_wait3A = tpu.memref_slice %arg3[%add3A_351] : memref<4194304xf32, #tpu.memory_space<hbm>> -> memref<8192xf32, #tpu.memory_space<hbm>>
      %dma_wait3A_449 = tpu.memref_slice %arg3[%add3A_351] : memref<4194304xf32, #tpu.memory_space<hbm>> -> memref<8192xf32, #tpu.memory_space<hbm>>
      tpu.wait_dma2 semaphore(%run_scoped3A : memref<!tpu.dma_semaphore, #tpu.memory_space<semaphore_mem>>) src(%dma_wait3A_449 : memref<8192xf32, #tpu.memory_space<hbm>>) dst(%arg5 : memref<8192xf32, #tpu.memory_space<vmem>>)
      tpu.yield
    }) : () -> ()
    %scan3A_352 = arith.constant 0 : i32
    %scan3A_353 = arith.constant 0 : i32
    %scan3A_354 = arith.constant 512 : i32
    %scan3A_355 = arith.addi %scan3A_353, %scan3A_354 : i32
    %scan3A_356 = arith.constant 1 : i32
    scf.for %scan3A_448 = %scan3A_353 to %scan3A_355 step %scan3A_356  : i32 {
      %mul3A_449 = arith.constant 16 : i32
      %mul3A_450 = arith.muli %scan3A_448, %mul3A_449 : i32
      %multiple_of3A = tpu.assume_multiple %mul3A_450, 16 : i32
      %get3A = arith.index_cast %multiple_of3A : i32 to index
      %get3A_451 = tpu.vector_load %arg5[%get3A] {strides = array<i32>} : memref<8192xf32, #tpu.memory_space<vmem>>, vector<16xf32>,
      %mul3A_452 = arith.constant 7.35758924 : f32
      %mul3A_453 = vector.broadcast %mul3A_452 : f32 to vector<16xf32>
      %mul3A_454 = arith.mulf %get3A_451, %mul3A_453 : vector<16xf32>
      %min3A = arith.constant 1.900000e+01 : f32
      %min3A_455 = vector.broadcast %min3A : f32 to vector<16xf32>
      %min3A_456 = arith.minimumf %mul3A_454, %min3A_455 : vector<16xf32>
      %convert_element_type3A = arith.fptosi %min3A_456 : vector<16xf32> to vector<16xi32>
      %add3A_457 = arith.constant 416 : i32
      %add3A_458 = vector.broadcast %add3A_457 : i32 to vector<16xi32>
      %add3A_459 = arith.addi %convert_element_type3A, %add3A_458 : vector<16xi32>
      tpu.vector_store_idx %arg6[%add3A_459], %get3A_451 {add = true} : memref<1024xf32, #tpu.memory_space<vmem>>[vector<16xi32>], vector<16xf32>,
    }
    %scan3A_357 = arith.constant 512 : i32
    %mul3A_358 = arith.constant 8192 : i32
    %mul3A_359 = arith.muli %add3A, %mul3A_358 : i32
    %add3A_360 = arith.constant 1835008 : i32
    %add3A_361 = arith.addi %add3A_360, %mul3A_359 : i32
    "tpu.region"() ({
      %run_scoped3A = tpu.sem_alloc : memref<!tpu.dma_semaphore, #tpu.memory_space<semaphore_mem>>
      %dma_start3A = tpu.memref_slice %arg3[%add3A_361] : memref<4194304xf32, #tpu.memory_space<hbm>> -> memref<8192xf32, #tpu.memory_space<hbm>>
      %dma_start3A_448 = tpu.memref_slice %arg3[%add3A_361] : memref<4194304xf32, #tpu.memory_space<hbm>> -> memref<8192xf32, #tpu.memory_space<hbm>>
      tpu.enqueue_dma source(%dma_start3A_448 : memref<8192xf32, #tpu.memory_space<hbm>>) target(%arg5 : memref<8192xf32, #tpu.memory_space<vmem>>) target_semaphore(%run_scoped3A : memref<!tpu.dma_semaphore, #tpu.memory_space<semaphore_mem>>)
      %dma_wait3A = tpu.memref_slice %arg3[%add3A_361] : memref<4194304xf32, #tpu.memory_space<hbm>> -> memref<8192xf32, #tpu.memory_space<hbm>>
      %dma_wait3A_449 = tpu.memref_slice %arg3[%add3A_361] : memref<4194304xf32, #tpu.memory_space<hbm>> -> memref<8192xf32, #tpu.memory_space<hbm>>
      tpu.wait_dma2 semaphore(%run_scoped3A : memref<!tpu.dma_semaphore, #tpu.memory_space<semaphore_mem>>) src(%dma_wait3A_449 : memref<8192xf32, #tpu.memory_space<hbm>>) dst(%arg5 : memref<8192xf32, #tpu.memory_space<vmem>>)
      tpu.yield
    }) : () -> ()
    %scan3A_362 = arith.constant 0 : i32
    %scan3A_363 = arith.constant 0 : i32
    %scan3A_364 = arith.constant 512 : i32
    %scan3A_365 = arith.addi %scan3A_363, %scan3A_364 : i32
    %scan3A_366 = arith.constant 1 : i32
    scf.for %scan3A_448 = %scan3A_363 to %scan3A_365 step %scan3A_366  : i32 {
      %mul3A_449 = arith.constant 16 : i32
      %mul3A_450 = arith.muli %scan3A_448, %mul3A_449 : i32
      %multiple_of3A = tpu.assume_multiple %mul3A_450, 16 : i32
      %get3A = arith.index_cast %multiple_of3A : i32 to index
      %get3A_451 = tpu.vector_load %arg5[%get3A] {strides = array<i32>} : memref<8192xf32, #tpu.memory_space<vmem>>, vector<16xf32>,
      %mul3A_452 = arith.constant 7.35758924 : f32
      %mul3A_453 = vector.broadcast %mul3A_452 : f32 to vector<16xf32>
      %mul3A_454 = arith.mulf %get3A_451, %mul3A_453 : vector<16xf32>
      %min3A = arith.constant 1.900000e+01 : f32
      %min3A_455 = vector.broadcast %min3A : f32 to vector<16xf32>
      %min3A_456 = arith.minimumf %mul3A_454, %min3A_455 : vector<16xf32>
      %convert_element_type3A = arith.fptosi %min3A_456 : vector<16xf32> to vector<16xi32>
      %add3A_457 = arith.constant 480 : i32
      %add3A_458 = vector.broadcast %add3A_457 : i32 to vector<16xi32>
      %add3A_459 = arith.addi %convert_element_type3A, %add3A_458 : vector<16xi32>
      tpu.vector_store_idx %arg6[%add3A_459], %get3A_451 {add = true} : memref<1024xf32, #tpu.memory_space<vmem>>[vector<16xi32>], vector<16xf32>,
    }
    %scan3A_367 = arith.constant 512 : i32
    %mul3A_368 = arith.constant 8192 : i32
    %mul3A_369 = arith.muli %add3A, %mul3A_368 : i32
    %add3A_370 = arith.constant 2097152 : i32
    %add3A_371 = arith.addi %add3A_370, %mul3A_369 : i32
    "tpu.region"() ({
      %run_scoped3A = tpu.sem_alloc : memref<!tpu.dma_semaphore, #tpu.memory_space<semaphore_mem>>
      %dma_start3A = tpu.memref_slice %arg3[%add3A_371] : memref<4194304xf32, #tpu.memory_space<hbm>> -> memref<8192xf32, #tpu.memory_space<hbm>>
      %dma_start3A_448 = tpu.memref_slice %arg3[%add3A_371] : memref<4194304xf32, #tpu.memory_space<hbm>> -> memref<8192xf32, #tpu.memory_space<hbm>>
      tpu.enqueue_dma source(%dma_start3A_448 : memref<8192xf32, #tpu.memory_space<hbm>>) target(%arg5 : memref<8192xf32, #tpu.memory_space<vmem>>) target_semaphore(%run_scoped3A : memref<!tpu.dma_semaphore, #tpu.memory_space<semaphore_mem>>)
      %dma_wait3A = tpu.memref_slice %arg3[%add3A_371] : memref<4194304xf32, #tpu.memory_space<hbm>> -> memref<8192xf32, #tpu.memory_space<hbm>>
      %dma_wait3A_449 = tpu.memref_slice %arg3[%add3A_371] : memref<4194304xf32, #tpu.memory_space<hbm>> -> memref<8192xf32, #tpu.memory_space<hbm>>
      tpu.wait_dma2 semaphore(%run_scoped3A : memref<!tpu.dma_semaphore, #tpu.memory_space<semaphore_mem>>) src(%dma_wait3A_449 : memref<8192xf32, #tpu.memory_space<hbm>>) dst(%arg5 : memref<8192xf32, #tpu.memory_space<vmem>>)
      tpu.yield
    }) : () -> ()
    %scan3A_372 = arith.constant 0 : i32
    %scan3A_373 = arith.constant 0 : i32
    %scan3A_374 = arith.constant 512 : i32
    %scan3A_375 = arith.addi %scan3A_373, %scan3A_374 : i32
    %scan3A_376 = arith.constant 1 : i32
    scf.for %scan3A_448 = %scan3A_373 to %scan3A_375 step %scan3A_376  : i32 {
      %mul3A_449 = arith.constant 16 : i32
      %mul3A_450 = arith.muli %scan3A_448, %mul3A_449 : i32
      %multiple_of3A = tpu.assume_multiple %mul3A_450, 16 : i32
      %get3A = arith.index_cast %multiple_of3A : i32 to index
      %get3A_451 = tpu.vector_load %arg5[%get3A] {strides = array<i32>} : memref<8192xf32, #tpu.memory_space<vmem>>, vector<16xf32>,
      %mul3A_452 = arith.constant 7.35758924 : f32
      %mul3A_453 = vector.broadcast %mul3A_452 : f32 to vector<16xf32>
      %mul3A_454 = arith.mulf %get3A_451, %mul3A_453 : vector<16xf32>
      %min3A = arith.constant 1.900000e+01 : f32
      %min3A_455 = vector.broadcast %min3A : f32 to vector<16xf32>
      %min3A_456 = arith.minimumf %mul3A_454, %min3A_455 : vector<16xf32>
      %convert_element_type3A = arith.fptosi %min3A_456 : vector<16xf32> to vector<16xi32>
      %add3A_457 = arith.constant 544 : i32
      %add3A_458 = vector.broadcast %add3A_457 : i32 to vector<16xi32>
      %add3A_459 = arith.addi %convert_element_type3A, %add3A_458 : vector<16xi32>
      tpu.vector_store_idx %arg6[%add3A_459], %get3A_451 {add = true} : memref<1024xf32, #tpu.memory_space<vmem>>[vector<16xi32>], vector<16xf32>,
    }
    %scan3A_377 = arith.constant 512 : i32
    %mul3A_378 = arith.constant 8192 : i32
    %mul3A_379 = arith.muli %add3A, %mul3A_378 : i32
    %add3A_380 = arith.constant 2359296 : i32
    %add3A_381 = arith.addi %add3A_380, %mul3A_379 : i32
    "tpu.region"() ({
      %run_scoped3A = tpu.sem_alloc : memref<!tpu.dma_semaphore, #tpu.memory_space<semaphore_mem>>
      %dma_start3A = tpu.memref_slice %arg3[%add3A_381] : memref<4194304xf32, #tpu.memory_space<hbm>> -> memref<8192xf32, #tpu.memory_space<hbm>>
      %dma_start3A_448 = tpu.memref_slice %arg3[%add3A_381] : memref<4194304xf32, #tpu.memory_space<hbm>> -> memref<8192xf32, #tpu.memory_space<hbm>>
      tpu.enqueue_dma source(%dma_start3A_448 : memref<8192xf32, #tpu.memory_space<hbm>>) target(%arg5 : memref<8192xf32, #tpu.memory_space<vmem>>) target_semaphore(%run_scoped3A : memref<!tpu.dma_semaphore, #tpu.memory_space<semaphore_mem>>)
      %dma_wait3A = tpu.memref_slice %arg3[%add3A_381] : memref<4194304xf32, #tpu.memory_space<hbm>> -> memref<8192xf32, #tpu.memory_space<hbm>>
      %dma_wait3A_449 = tpu.memref_slice %arg3[%add3A_381] : memref<4194304xf32, #tpu.memory_space<hbm>> -> memref<8192xf32, #tpu.memory_space<hbm>>
      tpu.wait_dma2 semaphore(%run_scoped3A : memref<!tpu.dma_semaphore, #tpu.memory_space<semaphore_mem>>) src(%dma_wait3A_449 : memref<8192xf32, #tpu.memory_space<hbm>>) dst(%arg5 : memref<8192xf32, #tpu.memory_space<vmem>>)
      tpu.yield
    }) : () -> ()
    %scan3A_382 = arith.constant 0 : i32
    %scan3A_383 = arith.constant 0 : i32
    %scan3A_384 = arith.constant 512 : i32
    %scan3A_385 = arith.addi %scan3A_383, %scan3A_384 : i32
    %scan3A_386 = arith.constant 1 : i32
    scf.for %scan3A_448 = %scan3A_383 to %scan3A_385 step %scan3A_386  : i32 {
      %mul3A_449 = arith.constant 16 : i32
      %mul3A_450 = arith.muli %scan3A_448, %mul3A_449 : i32
      %multiple_of3A = tpu.assume_multiple %mul3A_450, 16 : i32
      %get3A = arith.index_cast %multiple_of3A : i32 to index
      %get3A_451 = tpu.vector_load %arg5[%get3A] {strides = array<i32>} : memref<8192xf32, #tpu.memory_space<vmem>>, vector<16xf32>,
      %mul3A_452 = arith.constant 7.35758924 : f32
      %mul3A_453 = vector.broadcast %mul3A_452 : f32 to vector<16xf32>
      %mul3A_454 = arith.mulf %get3A_451, %mul3A_453 : vector<16xf32>
      %min3A = arith.constant 1.900000e+01 : f32
      %min3A_455 = vector.broadcast %min3A : f32 to vector<16xf32>
      %min3A_456 = arith.minimumf %mul3A_454, %min3A_455 : vector<16xf32>
      %convert_element_type3A = arith.fptosi %min3A_456 : vector<16xf32> to vector<16xi32>
      %add3A_457 = arith.constant 608 : i32
      %add3A_458 = vector.broadcast %add3A_457 : i32 to vector<16xi32>
      %add3A_459 = arith.addi %convert_element_type3A, %add3A_458 : vector<16xi32>
      tpu.vector_store_idx %arg6[%add3A_459], %get3A_451 {add = true} : memref<1024xf32, #tpu.memory_space<vmem>>[vector<16xi32>], vector<16xf32>,
    }
    %scan3A_387 = arith.constant 512 : i32
    %mul3A_388 = arith.constant 8192 : i32
    %mul3A_389 = arith.muli %add3A, %mul3A_388 : i32
    %add3A_390 = arith.constant 2621440 : i32
    %add3A_391 = arith.addi %add3A_390, %mul3A_389 : i32
    "tpu.region"() ({
      %run_scoped3A = tpu.sem_alloc : memref<!tpu.dma_semaphore, #tpu.memory_space<semaphore_mem>>
      %dma_start3A = tpu.memref_slice %arg3[%add3A_391] : memref<4194304xf32, #tpu.memory_space<hbm>> -> memref<8192xf32, #tpu.memory_space<hbm>>
      %dma_start3A_448 = tpu.memref_slice %arg3[%add3A_391] : memref<4194304xf32, #tpu.memory_space<hbm>> -> memref<8192xf32, #tpu.memory_space<hbm>>
      tpu.enqueue_dma source(%dma_start3A_448 : memref<8192xf32, #tpu.memory_space<hbm>>) target(%arg5 : memref<8192xf32, #tpu.memory_space<vmem>>) target_semaphore(%run_scoped3A : memref<!tpu.dma_semaphore, #tpu.memory_space<semaphore_mem>>)
      %dma_wait3A = tpu.memref_slice %arg3[%add3A_391] : memref<4194304xf32, #tpu.memory_space<hbm>> -> memref<8192xf32, #tpu.memory_space<hbm>>
      %dma_wait3A_449 = tpu.memref_slice %arg3[%add3A_391] : memref<4194304xf32, #tpu.memory_space<hbm>> -> memref<8192xf32, #tpu.memory_space<hbm>>
      tpu.wait_dma2 semaphore(%run_scoped3A : memref<!tpu.dma_semaphore, #tpu.memory_space<semaphore_mem>>) src(%dma_wait3A_449 : memref<8192xf32, #tpu.memory_space<hbm>>) dst(%arg5 : memref<8192xf32, #tpu.memory_space<vmem>>)
      tpu.yield
    }) : () -> ()
    %scan3A_392 = arith.constant 0 : i32
    %scan3A_393 = arith.constant 0 : i32
    %scan3A_394 = arith.constant 512 : i32
    %scan3A_395 = arith.addi %scan3A_393, %scan3A_394 : i32
    %scan3A_396 = arith.constant 1 : i32
    scf.for %scan3A_448 = %scan3A_393 to %scan3A_395 step %scan3A_396  : i32 {
      %mul3A_449 = arith.constant 16 : i32
      %mul3A_450 = arith.muli %scan3A_448, %mul3A_449 : i32
      %multiple_of3A = tpu.assume_multiple %mul3A_450, 16 : i32
      %get3A = arith.index_cast %multiple_of3A : i32 to index
      %get3A_451 = tpu.vector_load %arg5[%get3A] {strides = array<i32>} : memref<8192xf32, #tpu.memory_space<vmem>>, vector<16xf32>,
      %mul3A_452 = arith.constant 7.35758924 : f32
      %mul3A_453 = vector.broadcast %mul3A_452 : f32 to vector<16xf32>
      %mul3A_454 = arith.mulf %get3A_451, %mul3A_453 : vector<16xf32>
      %min3A = arith.constant 1.900000e+01 : f32
      %min3A_455 = vector.broadcast %min3A : f32 to vector<16xf32>
      %min3A_456 = arith.minimumf %mul3A_454, %min3A_455 : vector<16xf32>
      %convert_element_type3A = arith.fptosi %min3A_456 : vector<16xf32> to vector<16xi32>
      %add3A_457 = arith.constant 672 : i32
      %add3A_458 = vector.broadcast %add3A_457 : i32 to vector<16xi32>
      %add3A_459 = arith.addi %convert_element_type3A, %add3A_458 : vector<16xi32>
      tpu.vector_store_idx %arg6[%add3A_459], %get3A_451 {add = true} : memref<1024xf32, #tpu.memory_space<vmem>>[vector<16xi32>], vector<16xf32>,
    }
    %scan3A_397 = arith.constant 512 : i32
    %mul3A_398 = arith.constant 8192 : i32
    %mul3A_399 = arith.muli %add3A, %mul3A_398 : i32
    %add3A_400 = arith.constant 2883584 : i32
    %add3A_401 = arith.addi %add3A_400, %mul3A_399 : i32
    "tpu.region"() ({
      %run_scoped3A = tpu.sem_alloc : memref<!tpu.dma_semaphore, #tpu.memory_space<semaphore_mem>>
      %dma_start3A = tpu.memref_slice %arg3[%add3A_401] : memref<4194304xf32, #tpu.memory_space<hbm>> -> memref<8192xf32, #tpu.memory_space<hbm>>
      %dma_start3A_448 = tpu.memref_slice %arg3[%add3A_401] : memref<4194304xf32, #tpu.memory_space<hbm>> -> memref<8192xf32, #tpu.memory_space<hbm>>
      tpu.enqueue_dma source(%dma_start3A_448 : memref<8192xf32, #tpu.memory_space<hbm>>) target(%arg5 : memref<8192xf32, #tpu.memory_space<vmem>>) target_semaphore(%run_scoped3A : memref<!tpu.dma_semaphore, #tpu.memory_space<semaphore_mem>>)
      %dma_wait3A = tpu.memref_slice %arg3[%add3A_401] : memref<4194304xf32, #tpu.memory_space<hbm>> -> memref<8192xf32, #tpu.memory_space<hbm>>
      %dma_wait3A_449 = tpu.memref_slice %arg3[%add3A_401] : memref<4194304xf32, #tpu.memory_space<hbm>> -> memref<8192xf32, #tpu.memory_space<hbm>>
      tpu.wait_dma2 semaphore(%run_scoped3A : memref<!tpu.dma_semaphore, #tpu.memory_space<semaphore_mem>>) src(%dma_wait3A_449 : memref<8192xf32, #tpu.memory_space<hbm>>) dst(%arg5 : memref<8192xf32, #tpu.memory_space<vmem>>)
      tpu.yield
    }) : () -> ()
    %scan3A_402 = arith.constant 0 : i32
    %scan3A_403 = arith.constant 0 : i32
    %scan3A_404 = arith.constant 512 : i32
    %scan3A_405 = arith.addi %scan3A_403, %scan3A_404 : i32
    %scan3A_406 = arith.constant 1 : i32
    scf.for %scan3A_448 = %scan3A_403 to %scan3A_405 step %scan3A_406  : i32 {
      %mul3A_449 = arith.constant 16 : i32
      %mul3A_450 = arith.muli %scan3A_448, %mul3A_449 : i32
      %multiple_of3A = tpu.assume_multiple %mul3A_450, 16 : i32
      %get3A = arith.index_cast %multiple_of3A : i32 to index
      %get3A_451 = tpu.vector_load %arg5[%get3A] {strides = array<i32>} : memref<8192xf32, #tpu.memory_space<vmem>>, vector<16xf32>,
      %mul3A_452 = arith.constant 7.35758924 : f32
      %mul3A_453 = vector.broadcast %mul3A_452 : f32 to vector<16xf32>
      %mul3A_454 = arith.mulf %get3A_451, %mul3A_453 : vector<16xf32>
      %min3A = arith.constant 1.900000e+01 : f32
      %min3A_455 = vector.broadcast %min3A : f32 to vector<16xf32>
      %min3A_456 = arith.minimumf %mul3A_454, %min3A_455 : vector<16xf32>
      %convert_element_type3A = arith.fptosi %min3A_456 : vector<16xf32> to vector<16xi32>
      %add3A_457 = arith.constant 736 : i32
      %add3A_458 = vector.broadcast %add3A_457 : i32 to vector<16xi32>
      %add3A_459 = arith.addi %convert_element_type3A, %add3A_458 : vector<16xi32>
      tpu.vector_store_idx %arg6[%add3A_459], %get3A_451 {add = true} : memref<1024xf32, #tpu.memory_space<vmem>>[vector<16xi32>], vector<16xf32>,
    }
    %scan3A_407 = arith.constant 512 : i32
    %mul3A_408 = arith.constant 8192 : i32
    %mul3A_409 = arith.muli %add3A, %mul3A_408 : i32
    %add3A_410 = arith.constant 3145728 : i32
    %add3A_411 = arith.addi %add3A_410, %mul3A_409 : i32
    "tpu.region"() ({
      %run_scoped3A = tpu.sem_alloc : memref<!tpu.dma_semaphore, #tpu.memory_space<semaphore_mem>>
      %dma_start3A = tpu.memref_slice %arg3[%add3A_411] : memref<4194304xf32, #tpu.memory_space<hbm>> -> memref<8192xf32, #tpu.memory_space<hbm>>
      %dma_start3A_448 = tpu.memref_slice %arg3[%add3A_411] : memref<4194304xf32, #tpu.memory_space<hbm>> -> memref<8192xf32, #tpu.memory_space<hbm>>
      tpu.enqueue_dma source(%dma_start3A_448 : memref<8192xf32, #tpu.memory_space<hbm>>) target(%arg5 : memref<8192xf32, #tpu.memory_space<vmem>>) target_semaphore(%run_scoped3A : memref<!tpu.dma_semaphore, #tpu.memory_space<semaphore_mem>>)
      %dma_wait3A = tpu.memref_slice %arg3[%add3A_411] : memref<4194304xf32, #tpu.memory_space<hbm>> -> memref<8192xf32, #tpu.memory_space<hbm>>
      %dma_wait3A_449 = tpu.memref_slice %arg3[%add3A_411] : memref<4194304xf32, #tpu.memory_space<hbm>> -> memref<8192xf32, #tpu.memory_space<hbm>>
      tpu.wait_dma2 semaphore(%run_scoped3A : memref<!tpu.dma_semaphore, #tpu.memory_space<semaphore_mem>>) src(%dma_wait3A_449 : memref<8192xf32, #tpu.memory_space<hbm>>) dst(%arg5 : memref<8192xf32, #tpu.memory_space<vmem>>)
      tpu.yield
    }) : () -> ()
    %scan3A_412 = arith.constant 0 : i32
    %scan3A_413 = arith.constant 0 : i32
    %scan3A_414 = arith.constant 512 : i32
    %scan3A_415 = arith.addi %scan3A_413, %scan3A_414 : i32
    %scan3A_416 = arith.constant 1 : i32
    scf.for %scan3A_448 = %scan3A_413 to %scan3A_415 step %scan3A_416  : i32 {
      %mul3A_449 = arith.constant 16 : i32
      %mul3A_450 = arith.muli %scan3A_448, %mul3A_449 : i32
      %multiple_of3A = tpu.assume_multiple %mul3A_450, 16 : i32
      %get3A = arith.index_cast %multiple_of3A : i32 to index
      %get3A_451 = tpu.vector_load %arg5[%get3A] {strides = array<i32>} : memref<8192xf32, #tpu.memory_space<vmem>>, vector<16xf32>,
      %mul3A_452 = arith.constant 7.35758924 : f32
      %mul3A_453 = vector.broadcast %mul3A_452 : f32 to vector<16xf32>
      %mul3A_454 = arith.mulf %get3A_451, %mul3A_453 : vector<16xf32>
      %min3A = arith.constant 1.900000e+01 : f32
      %min3A_455 = vector.broadcast %min3A : f32 to vector<16xf32>
      %min3A_456 = arith.minimumf %mul3A_454, %min3A_455 : vector<16xf32>
      %convert_element_type3A = arith.fptosi %min3A_456 : vector<16xf32> to vector<16xi32>
      %add3A_457 = arith.constant 800 : i32
      %add3A_458 = vector.broadcast %add3A_457 : i32 to vector<16xi32>
      %add3A_459 = arith.addi %convert_element_type3A, %add3A_458 : vector<16xi32>
      tpu.vector_store_idx %arg6[%add3A_459], %get3A_451 {add = true} : memref<1024xf32, #tpu.memory_space<vmem>>[vector<16xi32>], vector<16xf32>,
    }
    %scan3A_417 = arith.constant 512 : i32
    %mul3A_418 = arith.constant 8192 : i32
    %mul3A_419 = arith.muli %add3A, %mul3A_418 : i32
    %add3A_420 = arith.constant 3407872 : i32
    %add3A_421 = arith.addi %add3A_420, %mul3A_419 : i32
    "tpu.region"() ({
      %run_scoped3A = tpu.sem_alloc : memref<!tpu.dma_semaphore, #tpu.memory_space<semaphore_mem>>
      %dma_start3A = tpu.memref_slice %arg3[%add3A_421] : memref<4194304xf32, #tpu.memory_space<hbm>> -> memref<8192xf32, #tpu.memory_space<hbm>>
      %dma_start3A_448 = tpu.memref_slice %arg3[%add3A_421] : memref<4194304xf32, #tpu.memory_space<hbm>> -> memref<8192xf32, #tpu.memory_space<hbm>>
      tpu.enqueue_dma source(%dma_start3A_448 : memref<8192xf32, #tpu.memory_space<hbm>>) target(%arg5 : memref<8192xf32, #tpu.memory_space<vmem>>) target_semaphore(%run_scoped3A : memref<!tpu.dma_semaphore, #tpu.memory_space<semaphore_mem>>)
      %dma_wait3A = tpu.memref_slice %arg3[%add3A_421] : memref<4194304xf32, #tpu.memory_space<hbm>> -> memref<8192xf32, #tpu.memory_space<hbm>>
      %dma_wait3A_449 = tpu.memref_slice %arg3[%add3A_421] : memref<4194304xf32, #tpu.memory_space<hbm>> -> memref<8192xf32, #tpu.memory_space<hbm>>
      tpu.wait_dma2 semaphore(%run_scoped3A : memref<!tpu.dma_semaphore, #tpu.memory_space<semaphore_mem>>) src(%dma_wait3A_449 : memref<8192xf32, #tpu.memory_space<hbm>>) dst(%arg5 : memref<8192xf32, #tpu.memory_space<vmem>>)
      tpu.yield
    }) : () -> ()
    %scan3A_422 = arith.constant 0 : i32
    %scan3A_423 = arith.constant 0 : i32
    %scan3A_424 = arith.constant 512 : i32
    %scan3A_425 = arith.addi %scan3A_423, %scan3A_424 : i32
    %scan3A_426 = arith.constant 1 : i32
    scf.for %scan3A_448 = %scan3A_423 to %scan3A_425 step %scan3A_426  : i32 {
      %mul3A_449 = arith.constant 16 : i32
      %mul3A_450 = arith.muli %scan3A_448, %mul3A_449 : i32
      %multiple_of3A = tpu.assume_multiple %mul3A_450, 16 : i32
      %get3A = arith.index_cast %multiple_of3A : i32 to index
      %get3A_451 = tpu.vector_load %arg5[%get3A] {strides = array<i32>} : memref<8192xf32, #tpu.memory_space<vmem>>, vector<16xf32>,
      %mul3A_452 = arith.constant 7.35758924 : f32
      %mul3A_453 = vector.broadcast %mul3A_452 : f32 to vector<16xf32>
      %mul3A_454 = arith.mulf %get3A_451, %mul3A_453 : vector<16xf32>
      %min3A = arith.constant 1.900000e+01 : f32
      %min3A_455 = vector.broadcast %min3A : f32 to vector<16xf32>
      %min3A_456 = arith.minimumf %mul3A_454, %min3A_455 : vector<16xf32>
      %convert_element_type3A = arith.fptosi %min3A_456 : vector<16xf32> to vector<16xi32>
      %add3A_457 = arith.constant 864 : i32
      %add3A_458 = vector.broadcast %add3A_457 : i32 to vector<16xi32>
      %add3A_459 = arith.addi %convert_element_type3A, %add3A_458 : vector<16xi32>
      tpu.vector_store_idx %arg6[%add3A_459], %get3A_451 {add = true} : memref<1024xf32, #tpu.memory_space<vmem>>[vector<16xi32>], vector<16xf32>,
    }
    %scan3A_427 = arith.constant 512 : i32
    %mul3A_428 = arith.constant 8192 : i32
    %mul3A_429 = arith.muli %add3A, %mul3A_428 : i32
    %add3A_430 = arith.constant 3670016 : i32
    %add3A_431 = arith.addi %add3A_430, %mul3A_429 : i32
    "tpu.region"() ({
      %run_scoped3A = tpu.sem_alloc : memref<!tpu.dma_semaphore, #tpu.memory_space<semaphore_mem>>
      %dma_start3A = tpu.memref_slice %arg3[%add3A_431] : memref<4194304xf32, #tpu.memory_space<hbm>> -> memref<8192xf32, #tpu.memory_space<hbm>>
      %dma_start3A_448 = tpu.memref_slice %arg3[%add3A_431] : memref<4194304xf32, #tpu.memory_space<hbm>> -> memref<8192xf32, #tpu.memory_space<hbm>>
      tpu.enqueue_dma source(%dma_start3A_448 : memref<8192xf32, #tpu.memory_space<hbm>>) target(%arg5 : memref<8192xf32, #tpu.memory_space<vmem>>) target_semaphore(%run_scoped3A : memref<!tpu.dma_semaphore, #tpu.memory_space<semaphore_mem>>)
      %dma_wait3A = tpu.memref_slice %arg3[%add3A_431] : memref<4194304xf32, #tpu.memory_space<hbm>> -> memref<8192xf32, #tpu.memory_space<hbm>>
      %dma_wait3A_449 = tpu.memref_slice %arg3[%add3A_431] : memref<4194304xf32, #tpu.memory_space<hbm>> -> memref<8192xf32, #tpu.memory_space<hbm>>
      tpu.wait_dma2 semaphore(%run_scoped3A : memref<!tpu.dma_semaphore, #tpu.memory_space<semaphore_mem>>) src(%dma_wait3A_449 : memref<8192xf32, #tpu.memory_space<hbm>>) dst(%arg5 : memref<8192xf32, #tpu.memory_space<vmem>>)
      tpu.yield
    }) : () -> ()
    %scan3A_432 = arith.constant 0 : i32
    %scan3A_433 = arith.constant 0 : i32
    %scan3A_434 = arith.constant 512 : i32
    %scan3A_435 = arith.addi %scan3A_433, %scan3A_434 : i32
    %scan3A_436 = arith.constant 1 : i32
    scf.for %scan3A_448 = %scan3A_433 to %scan3A_435 step %scan3A_436  : i32 {
      %mul3A_449 = arith.constant 16 : i32
      %mul3A_450 = arith.muli %scan3A_448, %mul3A_449 : i32
      %multiple_of3A = tpu.assume_multiple %mul3A_450, 16 : i32
      %get3A = arith.index_cast %multiple_of3A : i32 to index
      %get3A_451 = tpu.vector_load %arg5[%get3A] {strides = array<i32>} : memref<8192xf32, #tpu.memory_space<vmem>>, vector<16xf32>,
      %mul3A_452 = arith.constant 7.35758924 : f32
      %mul3A_453 = vector.broadcast %mul3A_452 : f32 to vector<16xf32>
      %mul3A_454 = arith.mulf %get3A_451, %mul3A_453 : vector<16xf32>
      %min3A = arith.constant 1.900000e+01 : f32
      %min3A_455 = vector.broadcast %min3A : f32 to vector<16xf32>
      %min3A_456 = arith.minimumf %mul3A_454, %min3A_455 : vector<16xf32>
      %convert_element_type3A = arith.fptosi %min3A_456 : vector<16xf32> to vector<16xi32>
      %add3A_457 = arith.constant 928 : i32
      %add3A_458 = vector.broadcast %add3A_457 : i32 to vector<16xi32>
      %add3A_459 = arith.addi %convert_element_type3A, %add3A_458 : vector<16xi32>
      tpu.vector_store_idx %arg6[%add3A_459], %get3A_451 {add = true} : memref<1024xf32, #tpu.memory_space<vmem>>[vector<16xi32>], vector<16xf32>,
    }
    %scan3A_437 = arith.constant 512 : i32
    %mul3A_438 = arith.constant 8192 : i32
    %mul3A_439 = arith.muli %add3A, %mul3A_438 : i32
    %add3A_440 = arith.constant 3932160 : i32
    %add3A_441 = arith.addi %add3A_440, %mul3A_439 : i32
    "tpu.region"() ({
      %run_scoped3A = tpu.sem_alloc : memref<!tpu.dma_semaphore, #tpu.memory_space<semaphore_mem>>
      %dma_start3A = tpu.memref_slice %arg3[%add3A_441] : memref<4194304xf32, #tpu.memory_space<hbm>> -> memref<8192xf32, #tpu.memory_space<hbm>>
      %dma_start3A_448 = tpu.memref_slice %arg3[%add3A_441] : memref<4194304xf32, #tpu.memory_space<hbm>> -> memref<8192xf32, #tpu.memory_space<hbm>>
      tpu.enqueue_dma source(%dma_start3A_448 : memref<8192xf32, #tpu.memory_space<hbm>>) target(%arg5 : memref<8192xf32, #tpu.memory_space<vmem>>) target_semaphore(%run_scoped3A : memref<!tpu.dma_semaphore, #tpu.memory_space<semaphore_mem>>)
      %dma_wait3A = tpu.memref_slice %arg3[%add3A_441] : memref<4194304xf32, #tpu.memory_space<hbm>> -> memref<8192xf32, #tpu.memory_space<hbm>>
      %dma_wait3A_449 = tpu.memref_slice %arg3[%add3A_441] : memref<4194304xf32, #tpu.memory_space<hbm>> -> memref<8192xf32, #tpu.memory_space<hbm>>
      tpu.wait_dma2 semaphore(%run_scoped3A : memref<!tpu.dma_semaphore, #tpu.memory_space<semaphore_mem>>) src(%dma_wait3A_449 : memref<8192xf32, #tpu.memory_space<hbm>>) dst(%arg5 : memref<8192xf32, #tpu.memory_space<vmem>>)
      tpu.yield
    }) : () -> ()
    %scan3A_442 = arith.constant 0 : i32
    %scan3A_443 = arith.constant 0 : i32
    %scan3A_444 = arith.constant 512 : i32
    %scan3A_445 = arith.addi %scan3A_443, %scan3A_444 : i32
    %scan3A_446 = arith.constant 1 : i32
    scf.for %scan3A_448 = %scan3A_443 to %scan3A_445 step %scan3A_446  : i32 {
      %mul3A_449 = arith.constant 16 : i32
      %mul3A_450 = arith.muli %scan3A_448, %mul3A_449 : i32
      %multiple_of3A = tpu.assume_multiple %mul3A_450, 16 : i32
      %get3A = arith.index_cast %multiple_of3A : i32 to index
      %get3A_451 = tpu.vector_load %arg5[%get3A] {strides = array<i32>} : memref<8192xf32, #tpu.memory_space<vmem>>, vector<16xf32>,
      %mul3A_452 = arith.constant 7.35758924 : f32
      %mul3A_453 = vector.broadcast %mul3A_452 : f32 to vector<16xf32>
      %mul3A_454 = arith.mulf %get3A_451, %mul3A_453 : vector<16xf32>
      %min3A = arith.constant 1.900000e+01 : f32
      %min3A_455 = vector.broadcast %min3A : f32 to vector<16xf32>
      %min3A_456 = arith.minimumf %mul3A_454, %min3A_455 : vector<16xf32>
      %convert_element_type3A = arith.fptosi %min3A_456 : vector<16xf32> to vector<16xi32>
      %add3A_457 = arith.constant 992 : i32
      %add3A_458 = vector.broadcast %add3A_457 : i32 to vector<16xi32>
      %add3A_459 = arith.addi %convert_element_type3A, %add3A_458 : vector<16xi32>
      tpu.vector_store_idx %arg6[%add3A_459], %get3A_451 {add = true} : memref<1024xf32, #tpu.memory_space<vmem>>[vector<16xi32>], vector<16xf32>,
    }
    %scan3A_447 = arith.constant 512 : i32
    "tpu.region"() ({
      %run_scoped3A = tpu.sem_alloc : memref<!tpu.dma_semaphore, #tpu.memory_space<semaphore_mem>>
      %dma_start3A = arith.constant 0 : i32
      %dma_start3A_448 = tpu.memref_slice %arg4[%add3A, %dma_start3A] : memref<32x1024xf32, #tpu.memory_space<hbm>> -> memref<1x1024xf32, #tpu.memory_space<hbm>>
      %dma_start3A_449 = tpu.memref_squeeze %dma_start3A_448 : memref<1x1024xf32, #tpu.memory_space<hbm>> -> memref<1024xf32, #tpu.memory_space<hbm>>
      %dma_start3A_450 = arith.constant 0 : i32
      %dma_start3A_451 = tpu.memref_slice %arg4[%add3A, %dma_start3A_450] : memref<32x1024xf32, #tpu.memory_space<hbm>> -> memref<1x1024xf32, #tpu.memory_space<hbm>>
      %dma_start3A_452 = tpu.memref_squeeze %dma_start3A_451 : memref<1x1024xf32, #tpu.memory_space<hbm>> -> memref<1024xf32, #tpu.memory_space<hbm>>
      tpu.enqueue_dma source(%arg6 : memref<1024xf32, #tpu.memory_space<vmem>>) target(%dma_start3A_452 : memref<1024xf32, #tpu.memory_space<hbm>>) target_semaphore(%run_scoped3A : memref<!tpu.dma_semaphore, #tpu.memory_space<semaphore_mem>>)
      %dma_wait3A = arith.constant 0 : i32
      %dma_wait3A_453 = tpu.memref_slice %arg4[%add3A, %dma_wait3A] : memref<32x1024xf32, #tpu.memory_space<hbm>> -> memref<1x1024xf32, #tpu.memory_space<hbm>>
      %dma_wait3A_454 = tpu.memref_squeeze %dma_wait3A_453 : memref<1x1024xf32, #tpu.memory_space<hbm>> -> memref<1024xf32, #tpu.memory_space<hbm>>
      %dma_wait3A_455 = arith.constant 0 : i32
      %dma_wait3A_456 = tpu.memref_slice %arg4[%add3A, %dma_wait3A_455] : memref<32x1024xf32, #tpu.memory_space<hbm>> -> memref<1x1024xf32, #tpu.memory_space<hbm>>
      %dma_wait3A_457 = tpu.memref_squeeze %dma_wait3A_456 : memref<1x1024xf32, #tpu.memory_space<hbm>> -> memref<1024xf32, #tpu.memory_space<hbm>>
      tpu.wait_dma2 semaphore(%run_scoped3A : memref<!tpu.dma_semaphore, #tpu.memory_space<semaphore_mem>>) src(%arg6 : memref<1024xf32, #tpu.memory_space<vmem>>) dst(%dma_wait3A_457 : memref<1024xf32, #tpu.memory_space<hbm>>)
      tpu.yield
    }) : () -> ()
    return
  }
}

module attributes {stable_mosaic.version = 14 : i64} {
  func.func @_combine_kernel(%arg0: memref<16x8x512xf32, #tpu.memory_space<vmem>>, %arg1: memref<16x8x512xf32, #tpu.memory_space<vmem>>, %arg2: memref<32x16x64xf32, #tpu.memory_space<vmem>>, %arg3: memref<1x1xf32, #tpu.memory_space<vmem>>) attributes {dimension_semantics = [], scalar_prefetch = 0 : i64, scratch_operands = 0 : i64, tpu.core_type = #tpu.core_type<tc>} {
    %get3A = arith.constant 0 : index
    %get3A_0 = arith.constant 0 : index
    %get3A_1 = arith.constant 0 : index
    %get3A_2 = vector.load %arg2[%get3A, %get3A_0, %get3A_1] : memref<32x16x64xf32, #tpu.memory_space<vmem>>, vector<32x16x64xf32>
    %reduce_sum3A = arith.constant dense<0.000000e+00> : vector<16x64xf32>
    %reduce_sum3A_3 = vector.multi_reduction <add>, %get3A_2, %reduce_sum3A [0] : vector<32x16x64xf32> to vector<16x64xf32>
    %slice3A = vector.extract_strided_slice %reduce_sum3A_3 {offsets = [0, 0], sizes = [16, 20], strides = [1, 1]} : vector<16x64xf32> to vector<16x20xf32>
    %slice3A_4 = vector.extract_strided_slice %reduce_sum3A_3 {offsets = [0, 32], sizes = [16, 20], strides = [1, 1]} : vector<16x64xf32> to vector<16x20xf32>
    %sub3A = arith.subf %slice3A, %slice3A_4 : vector<16x20xf32>
    %mul3A = arith.constant 3.81469727E-6 : f32
    %mul3A_5 = vector.broadcast %mul3A : f32 to vector<16x20xf32>
    %mul3A_6 = arith.mulf %sub3A, %mul3A_5 : vector<16x20xf32>
    %mul3A_7 = arith.mulf %mul3A_6, %mul3A_6 : vector<16x20xf32>
    %reduce_sum3A_8 = arith.constant dense<0.000000e+00> : vector<16xf32>
    %reduce_sum3A_9 = vector.multi_reduction <add>, %mul3A_7, %reduce_sum3A_8 [1] : vector<16x20xf32> to vector<16xf32>
    %broadcast_in_dim3A = vector.shape_cast %reduce_sum3A_9 : vector<16xf32> to vector<16x1xf32>
    %div3A = arith.constant 1.600000e+01 : f32
    %div3A_10 = vector.broadcast %div3A : f32 to vector<16x1xf32>
    %div3A_11 = arith.divf %broadcast_in_dim3A, %div3A_10 : vector<16x1xf32>
    %get3A_12 = arith.constant 0 : index
    %get3A_13 = arith.constant 0 : index
    %get3A_14 = arith.constant 0 : index
    %get3A_15 = vector.load %arg0[%get3A_12, %get3A_13, %get3A_14] : memref<16x8x512xf32, #tpu.memory_space<vmem>>, vector<16x8x512xf32>
    %get3A_16 = arith.constant 0 : index
    %get3A_17 = arith.constant 0 : index
    %get3A_18 = arith.constant 0 : index
    %get3A_19 = vector.load %arg1[%get3A_16, %get3A_17, %get3A_18] : memref<16x8x512xf32, #tpu.memory_space<vmem>>, vector<16x8x512xf32>
    %slice3A_20 = vector.extract_strided_slice %get3A_15 {offsets = [0, 0, 0], sizes = [16, 4, 512], strides = [1, 1, 1]} : vector<16x8x512xf32> to vector<16x4x512xf32>
    %reduce_sum3A_21 = arith.constant dense<0.000000e+00> : vector<16x4xf32>
    %reduce_sum3A_22 = vector.multi_reduction <add>, %slice3A_20, %reduce_sum3A_21 [2] : vector<16x4x512xf32> to vector<16x4xf32>
    %reduce_sum3A_23 = arith.constant dense<0.000000e+00> : vector<16xf32>
    %reduce_sum3A_24 = vector.multi_reduction <add>, %reduce_sum3A_22, %reduce_sum3A_23 [1] : vector<16x4xf32> to vector<16xf32>
    %broadcast_in_dim3A_25 = vector.shape_cast %reduce_sum3A_24 : vector<16xf32> to vector<16x1xf32>
    %slice3A_26 = vector.extract_strided_slice %get3A_19 {offsets = [0, 0, 0], sizes = [16, 4, 512], strides = [1, 1, 1]} : vector<16x8x512xf32> to vector<16x4x512xf32>
    %reduce_sum3A_27 = arith.constant dense<0.000000e+00> : vector<16x4xf32>
    %reduce_sum3A_28 = vector.multi_reduction <add>, %slice3A_26, %reduce_sum3A_27 [2] : vector<16x4x512xf32> to vector<16x4xf32>
    %reduce_sum3A_29 = arith.constant dense<0.000000e+00> : vector<16xf32>
    %reduce_sum3A_30 = vector.multi_reduction <add>, %reduce_sum3A_28, %reduce_sum3A_29 [1] : vector<16x4xf32> to vector<16xf32>
    %broadcast_in_dim3A_31 = vector.shape_cast %reduce_sum3A_30 : vector<16xf32> to vector<16x1xf32>
    %sub3A_32 = arith.subf %broadcast_in_dim3A_25, %broadcast_in_dim3A_31 : vector<16x1xf32>
    %mul3A_33 = arith.constant 3.81469727E-6 : f32
    %mul3A_34 = vector.broadcast %mul3A_33 : f32 to vector<16x1xf32>
    %mul3A_35 = arith.mulf %sub3A_32, %mul3A_34 : vector<16x1xf32>
    %mul3A_36 = arith.mulf %mul3A_35, %mul3A_35 : vector<16x1xf32>
    %mul3A_37 = arith.constant -4.000000e-01 : f32
    %mul3A_38 = vector.broadcast %mul3A_37 : f32 to vector<16x1xf32>
    %mul3A_39 = arith.mulf %broadcast_in_dim3A_31, %mul3A_38 : vector<16x1xf32>
    %ge3A = arith.cmpf oge, %sub3A_32, %mul3A_39 : vector<16x1xf32>
    %mul3A_40 = arith.constant 4.000000e-01 : f32
    %mul3A_41 = vector.broadcast %mul3A_40 : f32 to vector<16x1xf32>
    %mul3A_42 = arith.mulf %broadcast_in_dim3A_31, %mul3A_41 : vector<16x1xf32>
    %le3A = arith.cmpf ole, %sub3A_32, %mul3A_42 : vector<16x1xf32>
    %and3A = arith.andi %ge3A, %le3A : vector<16x1xi1>
    %add3A = arith.addf %mul3A_36, %div3A_11 : vector<16x1xf32>
    %select_n3A = arith.select %and3A, %div3A_11, %add3A : vector<16x1xi1>, vector<16x1xf32>
    %reduce_sum3A_43 = vector.shape_cast %select_n3A : vector<16x1xf32> to vector<1x16x1xf32>
    %reduce_sum3A_44 = arith.constant dense<0.000000e+00> : vector<1xf32>
    %reduce_sum3A_45 = vector.multi_reduction <add>, %reduce_sum3A_43, %reduce_sum3A_44 [1, 2] : vector<1x16x1xf32> to vector<1xf32>
    %reduce_sum3A_46 = vector.shape_cast %reduce_sum3A_45 : vector<1xf32> to vector<1x1x1xf32>
    %reduce_sum3A_47 = vector.extract %reduce_sum3A_46[0, 0, 0] : f32 from vector<1x1x1xf32>
    %slice3A_48 = vector.extract_strided_slice %get3A_15 {offsets = [0, 0, 0], sizes = [16, 4, 512], strides = [1, 1, 1]} : vector<16x8x512xf32> to vector<16x4x512xf32>
    %slice3A_49 = vector.extract_strided_slice %get3A_19 {offsets = [0, 0, 0], sizes = [16, 4, 512], strides = [1, 1, 1]} : vector<16x8x512xf32> to vector<16x4x512xf32>
    %sub3A_50 = arith.subf %slice3A_48, %slice3A_49 : vector<16x4x512xf32>
    %mul3A_51 = arith.constant 6.10351563E-5 : f32
    %mul3A_52 = vector.broadcast %mul3A_51 : f32 to vector<16x4x512xf32>
    %mul3A_53 = arith.mulf %sub3A_50, %mul3A_52 : vector<16x4x512xf32>
    %slice3A_54 = vector.extract_strided_slice %mul3A_53 {offsets = [0, 0, 0], sizes = [16, 4, 128], strides = [1, 1, 1]} : vector<16x4x512xf32> to vector<16x4x128xf32>
    %reduce_sum3A_55 = arith.constant dense<0.000000e+00> : vector<16x4xf32>
    %reduce_sum3A_56 = vector.multi_reduction <add>, %slice3A_54, %reduce_sum3A_55 [2] : vector<16x4x128xf32> to vector<16x4xf32>
    %mul3A_57 = arith.mulf %reduce_sum3A_56, %reduce_sum3A_56 : vector<16x4xf32>
    %reduce_sum3A_58 = vector.shape_cast %mul3A_57 : vector<16x4xf32> to vector<1x16x4xf32>
    %reduce_sum3A_59 = arith.constant dense<0.000000e+00> : vector<1xf32>
    %reduce_sum3A_60 = vector.multi_reduction <add>, %reduce_sum3A_58, %reduce_sum3A_59 [1, 2] : vector<1x16x4xf32> to vector<1xf32>
    %reduce_sum3A_61 = vector.shape_cast %reduce_sum3A_60 : vector<1xf32> to vector<1x1x1xf32>
    %reduce_sum3A_62 = vector.extract %reduce_sum3A_61[0, 0, 0] : f32 from vector<1x1x1xf32>
    %add3A_63 = arith.constant 0.000000e+00 : f32
    %add3A_64 = arith.addf %add3A_63, %reduce_sum3A_62 : f32
    %slice3A_65 = vector.extract_strided_slice %mul3A_53 {offsets = [0, 0, 128], sizes = [16, 4, 128], strides = [1, 1, 1]} : vector<16x4x512xf32> to vector<16x4x128xf32>
    %reduce_sum3A_66 = arith.constant dense<0.000000e+00> : vector<16x4xf32>
    %reduce_sum3A_67 = vector.multi_reduction <add>, %slice3A_65, %reduce_sum3A_66 [2] : vector<16x4x128xf32> to vector<16x4xf32>
    %mul3A_68 = arith.mulf %reduce_sum3A_67, %reduce_sum3A_67 : vector<16x4xf32>
    %reduce_sum3A_69 = vector.shape_cast %mul3A_68 : vector<16x4xf32> to vector<1x16x4xf32>
    %reduce_sum3A_70 = arith.constant dense<0.000000e+00> : vector<1xf32>
    %reduce_sum3A_71 = vector.multi_reduction <add>, %reduce_sum3A_69, %reduce_sum3A_70 [1, 2] : vector<1x16x4xf32> to vector<1xf32>
    %reduce_sum3A_72 = vector.shape_cast %reduce_sum3A_71 : vector<1xf32> to vector<1x1x1xf32>
    %reduce_sum3A_73 = vector.extract %reduce_sum3A_72[0, 0, 0] : f32 from vector<1x1x1xf32>
    %add3A_74 = arith.addf %add3A_64, %reduce_sum3A_73 : f32
    %slice3A_75 = vector.extract_strided_slice %mul3A_53 {offsets = [0, 0, 256], sizes = [16, 4, 128], strides = [1, 1, 1]} : vector<16x4x512xf32> to vector<16x4x128xf32>
    %reduce_sum3A_76 = arith.constant dense<0.000000e+00> : vector<16x4xf32>
    %reduce_sum3A_77 = vector.multi_reduction <add>, %slice3A_75, %reduce_sum3A_76 [2] : vector<16x4x128xf32> to vector<16x4xf32>
    %mul3A_78 = arith.mulf %reduce_sum3A_77, %reduce_sum3A_77 : vector<16x4xf32>
    %reduce_sum3A_79 = vector.shape_cast %mul3A_78 : vector<16x4xf32> to vector<1x16x4xf32>
    %reduce_sum3A_80 = arith.constant dense<0.000000e+00> : vector<1xf32>
    %reduce_sum3A_81 = vector.multi_reduction <add>, %reduce_sum3A_79, %reduce_sum3A_80 [1, 2] : vector<1x16x4xf32> to vector<1xf32>
    %reduce_sum3A_82 = vector.shape_cast %reduce_sum3A_81 : vector<1xf32> to vector<1x1x1xf32>
    %reduce_sum3A_83 = vector.extract %reduce_sum3A_82[0, 0, 0] : f32 from vector<1x1x1xf32>
    %add3A_84 = arith.addf %add3A_74, %reduce_sum3A_83 : f32
    %slice3A_85 = vector.extract_strided_slice %mul3A_53 {offsets = [0, 0, 384], sizes = [16, 4, 128], strides = [1, 1, 1]} : vector<16x4x512xf32> to vector<16x4x128xf32>
    %reduce_sum3A_86 = arith.constant dense<0.000000e+00> : vector<16x4xf32>
    %reduce_sum3A_87 = vector.multi_reduction <add>, %slice3A_85, %reduce_sum3A_86 [2] : vector<16x4x128xf32> to vector<16x4xf32>
    %mul3A_88 = arith.mulf %reduce_sum3A_87, %reduce_sum3A_87 : vector<16x4xf32>
    %reduce_sum3A_89 = vector.shape_cast %mul3A_88 : vector<16x4xf32> to vector<1x16x4xf32>
    %reduce_sum3A_90 = arith.constant dense<0.000000e+00> : vector<1xf32>
    %reduce_sum3A_91 = vector.multi_reduction <add>, %reduce_sum3A_89, %reduce_sum3A_90 [1, 2] : vector<1x16x4xf32> to vector<1xf32>
    %reduce_sum3A_92 = vector.shape_cast %reduce_sum3A_91 : vector<1xf32> to vector<1x1x1xf32>
    %reduce_sum3A_93 = vector.extract %reduce_sum3A_92[0, 0, 0] : f32 from vector<1x1x1xf32>
    %add3A_94 = arith.addf %add3A_84, %reduce_sum3A_93 : f32
    %div3A_95 = arith.constant 2.560000e+02 : f32
    %div3A_96 = arith.divf %add3A_94, %div3A_95 : f32
    %add3A_97 = arith.addf %reduce_sum3A_47, %div3A_96 : f32
    %broadcast_in_dim3A_98 = vector.broadcast %add3A_97 : f32 to vector<1x1xf32>
    %swap3A = arith.constant 0 : index
    %swap3A_99 = arith.constant 0 : index
    %swap3A_100 = vector.load %arg3[%swap3A, %swap3A_99] : memref<1x1xf32, #tpu.memory_space<vmem>>, vector<1x1xf32>
    tpu.vector_store %arg3[%swap3A, %swap3A_99], %broadcast_in_dim3A_98 {strides = array<i32>} : memref<1x1xf32, #tpu.memory_space<vmem>>, vector<1x1xf32>,
    return
  }
}

module attributes {stable_mosaic.version = 14 : i64} {
  func.func @_tc_kernel(%arg0: i32, %arg1: memref<1x3x512x512xf32, #tpu.memory_space<vmem>>, %arg2: memref<1x3x512x512xf32, #tpu.memory_space<vmem>>, %arg3: memref<1x512x512xf32, #tpu.memory_space<vmem>>, %arg4: memref<1x512x512xf32, #tpu.memory_space<vmem>>, %arg5: memref<1x512x512xf32, #tpu.memory_space<vmem>>, %arg6: memref<1x512x512xf32, #tpu.memory_space<vmem>>, %arg7: memref<16x8x512xf32, #tpu.memory_space<vmem>>, %arg8: memref<16x8x512xf32, #tpu.memory_space<vmem>>) attributes {dimension_semantics = [#tpu.dimension_semantics<arbitrary>], iteration_bounds = array<i64: 16>, scalar_prefetch = 0 : i64, scratch_operands = 0 : i64, tpu.core_type = #tpu.core_type<tc>, window_params = [{transform_indices = @transform_0, window_bounds = array<i64: 1, 3, 512, 512>}, {transform_indices = @transform_1, window_bounds = array<i64: 1, 3, 512, 512>}, {transform_indices = @transform_2, window_bounds = array<i64: 1, 512, 512>}, {transform_indices = @transform_3, window_bounds = array<i64: 1, 512, 512>}, {transform_indices = @transform_4, window_bounds = array<i64: 1, 512, 512>}, {transform_indices = @transform_5, window_bounds = array<i64: 1, 512, 512>}, {pipeline_mode = #tpu.pipeline_mode<synchronous>, transform_indices = @transform_6, window_bounds = array<i64: 16, 8, 512>}, {pipeline_mode = #tpu.pipeline_mode<synchronous>, transform_indices = @transform_7, window_bounds = array<i64: 16, 8, 512>}]} {
    %get3A = arith.constant 0 : index
    %get3A_0 = arith.constant 0 : index
    %get3A_1 = arith.constant 0 : index
    %get3A_2 = arith.constant 0 : index
    %get3A_3 = vector.load %arg1[%get3A, %get3A_0, %get3A_1, %get3A_2] : memref<1x3x512x512xf32, #tpu.memory_space<vmem>>, vector<1x3x512x512xf32>
    %get3A_4 = vector.shape_cast %get3A_3 : vector<1x3x512x512xf32> to vector<3x512x512xf32>
    %slice3A = vector.extract_strided_slice %get3A_4 {offsets = [0, 0, 0], sizes = [1, 512, 512], strides = [1, 1, 1]} : vector<3x512x512xf32> to vector<1x512x512xf32>
    %squeeze3A = vector.shape_cast %slice3A : vector<1x512x512xf32> to vector<512x512xf32>
    %max3A = arith.constant 9.99999997E-7 : f32
    %max3A_5 = vector.broadcast %max3A : f32 to vector<512x512xf32>
    %max3A_6 = arith.maximumf %squeeze3A, %max3A_5 : vector<512x512xf32>
    %slice3A_7 = vector.extract_strided_slice %get3A_4 {offsets = [1, 0, 0], sizes = [1, 512, 512], strides = [1, 1, 1]} : vector<3x512x512xf32> to vector<1x512x512xf32>
    %squeeze3A_8 = vector.shape_cast %slice3A_7 : vector<1x512x512xf32> to vector<512x512xf32>
    %max3A_9 = arith.constant 9.99999997E-7 : f32
    %max3A_10 = vector.broadcast %max3A_9 : f32 to vector<512x512xf32>
    %max3A_11 = arith.maximumf %squeeze3A_8, %max3A_10 : vector<512x512xf32>
    %slice3A_12 = vector.extract_strided_slice %get3A_4 {offsets = [2, 0, 0], sizes = [1, 512, 512], strides = [1, 1, 1]} : vector<3x512x512xf32> to vector<1x512x512xf32>
    %squeeze3A_13 = vector.shape_cast %slice3A_12 : vector<1x512x512xf32> to vector<512x512xf32>
    %max3A_14 = arith.constant 9.99999997E-7 : f32
    %max3A_15 = vector.broadcast %max3A_14 : f32 to vector<512x512xf32>
    %max3A_16 = arith.maximumf %squeeze3A_13, %max3A_15 : vector<512x512xf32>
    %log3A = math.log %max3A_6 : vector<512x512xf32>
    %div3A = arith.constant -13.8155107 : f32
    %div3A_17 = vector.broadcast %div3A : f32 to vector<512x512xf32>
    %div3A_18 = arith.divf %log3A, %div3A_17 : vector<512x512xf32>
    %bitcast_convert_type3A = tpu.bitcast %div3A_18 : vector<512x512xf32> -> vector<512x512xi32>
    %add3A = arith.constant 32767 : i32
    %add3A_19 = vector.broadcast %add3A : i32 to vector<512x512xi32>
    %add3A_20 = arith.addi %bitcast_convert_type3A, %add3A_19 : vector<512x512xi32>
    %shift_right_logical3A = arith.constant 16 : i32
    %shift_right_logical3A_21 = vector.broadcast %shift_right_logical3A : i32 to vector<512x512xi32>
    %shift_right_logical3A_22 = arith.shrui %bitcast_convert_type3A, %shift_right_logical3A_21 : vector<512x512xi32>
    %and3A = arith.constant 1 : i32
    %and3A_23 = vector.broadcast %and3A : i32 to vector<512x512xi32>
    %and3A_24 = arith.andi %shift_right_logical3A_22, %and3A_23 : vector<512x512xi32>
    %add3A_25 = arith.addi %add3A_20, %and3A_24 : vector<512x512xi32>
    %and3A_26 = arith.constant -65536 : i32
    %and3A_27 = vector.broadcast %and3A_26 : i32 to vector<512x512xi32>
    %and3A_28 = arith.andi %add3A_25, %and3A_27 : vector<512x512xi32>
    %bitcast_convert_type3A_29 = tpu.bitcast %and3A_28 : vector<512x512xi32> -> vector<512x512xf32>
    %log3A_30 = math.log %max3A_11 : vector<512x512xf32>
    %div3A_31 = arith.constant -13.8155107 : f32
    %div3A_32 = vector.broadcast %div3A_31 : f32 to vector<512x512xf32>
    %div3A_33 = arith.divf %log3A_30, %div3A_32 : vector<512x512xf32>
    %bitcast_convert_type3A_34 = tpu.bitcast %div3A_33 : vector<512x512xf32> -> vector<512x512xi32>
    %add3A_35 = arith.constant 32767 : i32
    %add3A_36 = vector.broadcast %add3A_35 : i32 to vector<512x512xi32>
    %add3A_37 = arith.addi %bitcast_convert_type3A_34, %add3A_36 : vector<512x512xi32>
    %shift_right_logical3A_38 = arith.constant 16 : i32
    %shift_right_logical3A_39 = vector.broadcast %shift_right_logical3A_38 : i32 to vector<512x512xi32>
    %shift_right_logical3A_40 = arith.shrui %bitcast_convert_type3A_34, %shift_right_logical3A_39 : vector<512x512xi32>
    %and3A_41 = arith.constant 1 : i32
    %and3A_42 = vector.broadcast %and3A_41 : i32 to vector<512x512xi32>
    %and3A_43 = arith.andi %shift_right_logical3A_40, %and3A_42 : vector<512x512xi32>
    %add3A_44 = arith.addi %add3A_37, %and3A_43 : vector<512x512xi32>
    %and3A_45 = arith.constant -65536 : i32
    %and3A_46 = vector.broadcast %and3A_45 : i32 to vector<512x512xi32>
    %and3A_47 = arith.andi %add3A_44, %and3A_46 : vector<512x512xi32>
    %bitcast_convert_type3A_48 = tpu.bitcast %and3A_47 : vector<512x512xi32> -> vector<512x512xf32>
    %log3A_49 = math.log %max3A_16 : vector<512x512xf32>
    %div3A_50 = arith.constant -13.8155107 : f32
    %div3A_51 = vector.broadcast %div3A_50 : f32 to vector<512x512xf32>
    %div3A_52 = arith.divf %log3A_49, %div3A_51 : vector<512x512xf32>
    %bitcast_convert_type3A_53 = tpu.bitcast %div3A_52 : vector<512x512xf32> -> vector<512x512xi32>
    %add3A_54 = arith.constant 32767 : i32
    %add3A_55 = vector.broadcast %add3A_54 : i32 to vector<512x512xi32>
    %add3A_56 = arith.addi %bitcast_convert_type3A_53, %add3A_55 : vector<512x512xi32>
    %shift_right_logical3A_57 = arith.constant 16 : i32
    %shift_right_logical3A_58 = vector.broadcast %shift_right_logical3A_57 : i32 to vector<512x512xi32>
    %shift_right_logical3A_59 = arith.shrui %bitcast_convert_type3A_53, %shift_right_logical3A_58 : vector<512x512xi32>
    %and3A_60 = arith.constant 1 : i32
    %and3A_61 = vector.broadcast %and3A_60 : i32 to vector<512x512xi32>
    %and3A_62 = arith.andi %shift_right_logical3A_59, %and3A_61 : vector<512x512xi32>
    %add3A_63 = arith.addi %add3A_56, %and3A_62 : vector<512x512xi32>
    %and3A_64 = arith.constant -65536 : i32
    %and3A_65 = vector.broadcast %and3A_64 : i32 to vector<512x512xi32>
    %and3A_66 = arith.andi %add3A_63, %and3A_65 : vector<512x512xi32>
    %bitcast_convert_type3A_67 = tpu.bitcast %and3A_66 : vector<512x512xi32> -> vector<512x512xf32>
    %mul3A = arith.constant -0.5546875 : f32
    %mul3A_68 = vector.broadcast %mul3A : f32 to vector<512x512xf32>
    %mul3A_69 = arith.mulf %bitcast_convert_type3A_29, %mul3A_68 : vector<512x512xf32>
    %mul3A_70 = arith.constant -0.135742188 : f32
    %mul3A_71 = vector.broadcast %mul3A_70 : f32 to vector<512x512xf32>
    %mul3A_72 = arith.mulf %bitcast_convert_type3A_48, %mul3A_71 : vector<512x512xf32>
    %add3A_73 = arith.addf %mul3A_69, %mul3A_72 : vector<512x512xf32>
    %mul3A_74 = arith.constant 1.5703125 : f32
    %mul3A_75 = vector.broadcast %mul3A_74 : f32 to vector<512x512xf32>
    %mul3A_76 = arith.mulf %bitcast_convert_type3A_67, %mul3A_75 : vector<512x512xf32>
    %add3A_77 = arith.addf %add3A_73, %mul3A_76 : vector<512x512xf32>
    %max3A_78 = arith.constant 0.000000e+00 : f32
    %max3A_79 = vector.broadcast %max3A_78 : f32 to vector<512x512xf32>
    %max3A_80 = arith.maximumf %add3A_77, %max3A_79 : vector<512x512xf32>
    %mul3A_81 = arith.constant 13.8155107 : f32
    %mul3A_82 = vector.broadcast %mul3A_81 : f32 to vector<512x512xf32>
    %mul3A_83 = arith.mulf %max3A_80, %mul3A_82 : vector<512x512xf32>
    %bitcast_convert_type3A_84 = tpu.bitcast %mul3A_83 : vector<512x512xf32> -> vector<512x512xi32>
    %add3A_85 = arith.constant 32767 : i32
    %add3A_86 = vector.broadcast %add3A_85 : i32 to vector<512x512xi32>
    %add3A_87 = arith.addi %bitcast_convert_type3A_84, %add3A_86 : vector<512x512xi32>
    %shift_right_logical3A_88 = arith.constant 16 : i32
    %shift_right_logical3A_89 = vector.broadcast %shift_right_logical3A_88 : i32 to vector<512x512xi32>
    %shift_right_logical3A_90 = arith.shrui %bitcast_convert_type3A_84, %shift_right_logical3A_89 : vector<512x512xi32>
    %and3A_91 = arith.constant 1 : i32
    %and3A_92 = vector.broadcast %and3A_91 : i32 to vector<512x512xi32>
    %and3A_93 = arith.andi %shift_right_logical3A_90, %and3A_92 : vector<512x512xi32>
    %add3A_94 = arith.addi %add3A_87, %and3A_93 : vector<512x512xi32>
    %and3A_95 = arith.constant -65536 : i32
    %and3A_96 = vector.broadcast %and3A_95 : i32 to vector<512x512xi32>
    %and3A_97 = arith.andi %add3A_94, %and3A_96 : vector<512x512xi32>
    %bitcast_convert_type3A_98 = tpu.bitcast %and3A_97 : vector<512x512xi32> -> vector<512x512xf32>
    %mul3A_99 = arith.constant 0.26953125 : f32
    %mul3A_100 = vector.broadcast %mul3A_99 : f32 to vector<512x512xf32>
    %mul3A_101 = arith.mulf %bitcast_convert_type3A_98, %mul3A_100 : vector<512x512xf32>
    %neg3A = arith.constant 0.000000e+00 : f32
    %neg3A_102 = vector.broadcast %neg3A : f32 to vector<512x512xf32>
    %neg3A_103 = arith.subf %neg3A_102, %mul3A_101 : vector<512x512xf32>
    %exp3A = math.exp %neg3A_103 : vector<512x512xf32>
    %mul3A_104 = arith.constant 0.5703125 : f32
    %mul3A_105 = vector.broadcast %mul3A_104 : f32 to vector<512x512xf32>
    %mul3A_106 = arith.mulf %bitcast_convert_type3A_98, %mul3A_105 : vector<512x512xf32>
    %neg3A_107 = arith.constant 0.000000e+00 : f32
    %neg3A_108 = vector.broadcast %neg3A_107 : f32 to vector<512x512xf32>
    %neg3A_109 = arith.subf %neg3A_108, %mul3A_106 : vector<512x512xf32>
    %exp3A_110 = math.exp %neg3A_109 : vector<512x512xf32>
    %mul3A_111 = arith.constant 7.812500e-01 : f32
    %mul3A_112 = vector.broadcast %mul3A_111 : f32 to vector<512x512xf32>
    %mul3A_113 = arith.mulf %bitcast_convert_type3A_98, %mul3A_112 : vector<512x512xf32>
    %neg3A_114 = arith.constant 0.000000e+00 : f32
    %neg3A_115 = vector.broadcast %neg3A_114 : f32 to vector<512x512xf32>
    %neg3A_116 = arith.subf %neg3A_115, %mul3A_113 : vector<512x512xf32>
    %exp3A_117 = math.exp %neg3A_116 : vector<512x512xf32>
    %bitcast_convert_type3A_118 = tpu.bitcast %exp3A : vector<512x512xf32> -> vector<512x512xi32>
    %add3A_119 = arith.constant 32767 : i32
    %add3A_120 = vector.broadcast %add3A_119 : i32 to vector<512x512xi32>
    %add3A_121 = arith.addi %bitcast_convert_type3A_118, %add3A_120 : vector<512x512xi32>
    %shift_right_logical3A_122 = arith.constant 16 : i32
    %shift_right_logical3A_123 = vector.broadcast %shift_right_logical3A_122 : i32 to vector<512x512xi32>
    %shift_right_logical3A_124 = arith.shrui %bitcast_convert_type3A_118, %shift_right_logical3A_123 : vector<512x512xi32>
    %and3A_125 = arith.constant 1 : i32
    %and3A_126 = vector.broadcast %and3A_125 : i32 to vector<512x512xi32>
    %and3A_127 = arith.andi %shift_right_logical3A_124, %and3A_126 : vector<512x512xi32>
    %add3A_128 = arith.addi %add3A_121, %and3A_127 : vector<512x512xi32>
    %and3A_129 = arith.constant -65536 : i32
    %and3A_130 = vector.broadcast %and3A_129 : i32 to vector<512x512xi32>
    %and3A_131 = arith.andi %add3A_128, %and3A_130 : vector<512x512xi32>
    %bitcast_convert_type3A_132 = tpu.bitcast %and3A_131 : vector<512x512xi32> -> vector<512x512xf32>
    %mul3A_133 = arith.constant 0.212890625 : f32
    %mul3A_134 = vector.broadcast %mul3A_133 : f32 to vector<512x512xf32>
    %mul3A_135 = arith.mulf %bitcast_convert_type3A_132, %mul3A_134 : vector<512x512xf32>
    %bitcast_convert_type3A_136 = tpu.bitcast %exp3A_110 : vector<512x512xf32> -> vector<512x512xi32>
    %add3A_137 = arith.constant 32767 : i32
    %add3A_138 = vector.broadcast %add3A_137 : i32 to vector<512x512xi32>
    %add3A_139 = arith.addi %bitcast_convert_type3A_136, %add3A_138 : vector<512x512xi32>
    %shift_right_logical3A_140 = arith.constant 16 : i32
    %shift_right_logical3A_141 = vector.broadcast %shift_right_logical3A_140 : i32 to vector<512x512xi32>
    %shift_right_logical3A_142 = arith.shrui %bitcast_convert_type3A_136, %shift_right_logical3A_141 : vector<512x512xi32>
    %and3A_143 = arith.constant 1 : i32
    %and3A_144 = vector.broadcast %and3A_143 : i32 to vector<512x512xi32>
    %and3A_145 = arith.andi %shift_right_logical3A_142, %and3A_144 : vector<512x512xi32>
    %add3A_146 = arith.addi %add3A_139, %and3A_145 : vector<512x512xi32>
    %and3A_147 = arith.constant -65536 : i32
    %and3A_148 = vector.broadcast %and3A_147 : i32 to vector<512x512xi32>
    %and3A_149 = arith.andi %add3A_146, %and3A_148 : vector<512x512xi32>
    %bitcast_convert_type3A_150 = tpu.bitcast %and3A_149 : vector<512x512xi32> -> vector<512x512xf32>
    %mul3A_151 = arith.constant 0.71484375 : f32
    %mul3A_152 = vector.broadcast %mul3A_151 : f32 to vector<512x512xf32>
    %mul3A_153 = arith.mulf %bitcast_convert_type3A_150, %mul3A_152 : vector<512x512xf32>
    %add3A_154 = arith.addf %mul3A_135, %mul3A_153 : vector<512x512xf32>
    %bitcast_convert_type3A_155 = tpu.bitcast %exp3A_117 : vector<512x512xf32> -> vector<512x512xi32>
    %add3A_156 = arith.constant 32767 : i32
    %add3A_157 = vector.broadcast %add3A_156 : i32 to vector<512x512xi32>
    %add3A_158 = arith.addi %bitcast_convert_type3A_155, %add3A_157 : vector<512x512xi32>
    %shift_right_logical3A_159 = arith.constant 16 : i32
    %shift_right_logical3A_160 = vector.broadcast %shift_right_logical3A_159 : i32 to vector<512x512xi32>
    %shift_right_logical3A_161 = arith.shrui %bitcast_convert_type3A_155, %shift_right_logical3A_160 : vector<512x512xi32>
    %and3A_162 = arith.constant 1 : i32
    %and3A_163 = vector.broadcast %and3A_162 : i32 to vector<512x512xi32>
    %and3A_164 = arith.andi %shift_right_logical3A_161, %and3A_163 : vector<512x512xi32>
    %add3A_165 = arith.addi %add3A_158, %and3A_164 : vector<512x512xi32>
    %and3A_166 = arith.constant -65536 : i32
    %and3A_167 = vector.broadcast %and3A_166 : i32 to vector<512x512xi32>
    %and3A_168 = arith.andi %add3A_165, %and3A_167 : vector<512x512xi32>
    %bitcast_convert_type3A_169 = tpu.bitcast %and3A_168 : vector<512x512xi32> -> vector<512x512xf32>
    %mul3A_170 = arith.constant 0.072265625 : f32
    %mul3A_171 = vector.broadcast %mul3A_170 : f32 to vector<512x512xf32>
    %mul3A_172 = arith.mulf %bitcast_convert_type3A_169, %mul3A_171 : vector<512x512xf32>
    %add3A_173 = arith.addf %add3A_154, %mul3A_172 : vector<512x512xf32>
    %add3A_174 = arith.constant 0.0180755276 : f32
    %add3A_175 = vector.broadcast %add3A_174 : f32 to vector<512x512xf32>
    %add3A_176 = arith.addf %add3A_173, %add3A_175 : vector<512x512xf32>
    %div3A_177 = arith.constant 1.000000e+00 : f32
    %div3A_178 = vector.broadcast %div3A_177 : f32 to vector<512x512xf32>
    %div3A_179 = arith.divf %div3A_178, %add3A_176 : vector<512x512xf32>
    %log3A_180 = math.log %div3A_179 : vector<512x512xf32>
    %mul3A_181 = arith.constant 0.434294492 : f32
    %mul3A_182 = vector.broadcast %mul3A_181 : f32 to vector<512x512xf32>
    %mul3A_183 = arith.mulf %log3A_180, %mul3A_182 : vector<512x512xf32>
    %lt3A = arith.constant 0.000000e+00 : f32
    %lt3A_184 = vector.broadcast %lt3A : f32 to vector<512x512xf32>
    %lt3A_185 = arith.cmpf olt, %mul3A_183, %lt3A_184 : vector<512x512xf32>
    %jit3A = arith.constant 0.000000e+00 : f32
    %broadcast_in_dim3A = vector.broadcast %jit3A : f32 to vector<512x512xf32>
    %select_n3A = arith.select %lt3A_185, %broadcast_in_dim3A, %mul3A_183 : vector<512x512xi1>, vector<512x512xf32>
    %gt3A = arith.constant 0.000000e+00 : f32
    %gt3A_186 = vector.broadcast %gt3A : f32 to vector<512x512xf32>
    %gt3A_187 = arith.cmpf ogt, %select_n3A, %gt3A_186 : vector<512x512xf32>
    %max3A_188 = arith.constant 9.99999991E-38 : f32
    %max3A_189 = vector.broadcast %max3A_188 : f32 to vector<512x512xf32>
    %max3A_190 = arith.maximumf %select_n3A, %max3A_189 : vector<512x512xf32>
    %log3A_191 = math.log %max3A_190 : vector<512x512xf32>
    %mul3A_192 = arith.constant 1.800000e+00 : f32
    %mul3A_193 = vector.broadcast %mul3A_192 : f32 to vector<512x512xf32>
    %mul3A_194 = arith.mulf %mul3A_193, %log3A_191 : vector<512x512xf32>
    %exp3A_195 = math.exp %mul3A_194 : vector<512x512xf32>
    %jit3A_196 = arith.constant 0.000000e+00 : f32
    %broadcast_in_dim3A_197 = vector.broadcast %jit3A_196 : f32 to vector<512x512xf32>
    %select_n3A_198 = arith.select %gt3A_187, %exp3A_195, %broadcast_in_dim3A_197 : vector<512x512xi1>, vector<512x512xf32>
    %lt3A_199 = arith.constant 6.800000e-01 : f32
    %lt3A_200 = vector.broadcast %lt3A_199 : f32 to vector<512x512xf32>
    %lt3A_201 = arith.cmpf olt, %select_n3A_198, %lt3A_200 : vector<512x512xf32>
    %jit3A_202 = arith.constant 0.000000e+00 : f32
    %jit3A_203 = arith.constant 1.000000e+00 : f32
    %broadcast_in_dim3A_204 = vector.broadcast %jit3A_202 : f32 to vector<512x512xf32>
    %broadcast_in_dim3A_205 = vector.broadcast %jit3A_203 : f32 to vector<512x512xf32>
    %select_n3A_206 = arith.select %lt3A_201, %broadcast_in_dim3A_204, %broadcast_in_dim3A_205 : vector<512x512xi1>, vector<512x512xf32>
    %lt3A_207 = arith.constant 1.500000e-01 : f32
    %lt3A_208 = vector.broadcast %lt3A_207 : f32 to vector<512x512xf32>
    %lt3A_209 = arith.cmpf olt, %select_n3A_198, %lt3A_208 : vector<512x512xf32>
    %jit3A_210 = arith.constant 0.000000e+00 : f32
    %broadcast_in_dim3A_211 = vector.broadcast %jit3A_210 : f32 to vector<512x512xf32>
    %select_n3A_212 = arith.select %lt3A_209, %broadcast_in_dim3A_211, %select_n3A_198 : vector<512x512xi1>, vector<512x512xf32>
    %reshape3A = vector.shape_cast %select_n3A_212 : vector<512x512xf32> to vector<4x128x512xf32>
    %reduce_sum3A = arith.constant dense<0.000000e+00> : vector<4x512xf32>
    %reduce_sum3A_213 = vector.multi_reduction <add>, %reshape3A, %reduce_sum3A [1] : vector<4x128x512xf32> to vector<4x512xf32>
    %get3A_214 = arith.constant 0 : index
    %get3A_215 = arith.constant 0 : index
    %get3A_216 = arith.constant 0 : index
    %get3A_217 = arith.constant 0 : index
    %get3A_218 = vector.load %arg2[%get3A_214, %get3A_215, %get3A_216, %get3A_217] : memref<1x3x512x512xf32, #tpu.memory_space<vmem>>, vector<1x3x512x512xf32>
    %get3A_219 = vector.shape_cast %get3A_218 : vector<1x3x512x512xf32> to vector<3x512x512xf32>
    %slice3A_220 = vector.extract_strided_slice %get3A_219 {offsets = [0, 0, 0], sizes = [1, 512, 512], strides = [1, 1, 1]} : vector<3x512x512xf32> to vector<1x512x512xf32>
    %squeeze3A_221 = vector.shape_cast %slice3A_220 : vector<1x512x512xf32> to vector<512x512xf32>
    %max3A_222 = arith.constant 9.99999997E-7 : f32
    %max3A_223 = vector.broadcast %max3A_222 : f32 to vector<512x512xf32>
    %max3A_224 = arith.maximumf %squeeze3A_221, %max3A_223 : vector<512x512xf32>
    %slice3A_225 = vector.extract_strided_slice %get3A_219 {offsets = [1, 0, 0], sizes = [1, 512, 512], strides = [1, 1, 1]} : vector<3x512x512xf32> to vector<1x512x512xf32>
    %squeeze3A_226 = vector.shape_cast %slice3A_225 : vector<1x512x512xf32> to vector<512x512xf32>
    %max3A_227 = arith.constant 9.99999997E-7 : f32
    %max3A_228 = vector.broadcast %max3A_227 : f32 to vector<512x512xf32>
    %max3A_229 = arith.maximumf %squeeze3A_226, %max3A_228 : vector<512x512xf32>
    %slice3A_230 = vector.extract_strided_slice %get3A_219 {offsets = [2, 0, 0], sizes = [1, 512, 512], strides = [1, 1, 1]} : vector<3x512x512xf32> to vector<1x512x512xf32>
    %squeeze3A_231 = vector.shape_cast %slice3A_230 : vector<1x512x512xf32> to vector<512x512xf32>
    %max3A_232 = arith.constant 9.99999997E-7 : f32
    %max3A_233 = vector.broadcast %max3A_232 : f32 to vector<512x512xf32>
    %max3A_234 = arith.maximumf %squeeze3A_231, %max3A_233 : vector<512x512xf32>
    %log3A_235 = math.log %max3A_224 : vector<512x512xf32>
    %div3A_236 = arith.constant -13.8155107 : f32
    %div3A_237 = vector.broadcast %div3A_236 : f32 to vector<512x512xf32>
    %div3A_238 = arith.divf %log3A_235, %div3A_237 : vector<512x512xf32>
    %bitcast_convert_type3A_239 = tpu.bitcast %div3A_238 : vector<512x512xf32> -> vector<512x512xi32>
    %add3A_240 = arith.constant 32767 : i32
    %add3A_241 = vector.broadcast %add3A_240 : i32 to vector<512x512xi32>
    %add3A_242 = arith.addi %bitcast_convert_type3A_239, %add3A_241 : vector<512x512xi32>
    %shift_right_logical3A_243 = arith.constant 16 : i32
    %shift_right_logical3A_244 = vector.broadcast %shift_right_logical3A_243 : i32 to vector<512x512xi32>
    %shift_right_logical3A_245 = arith.shrui %bitcast_convert_type3A_239, %shift_right_logical3A_244 : vector<512x512xi32>
    %and3A_246 = arith.constant 1 : i32
    %and3A_247 = vector.broadcast %and3A_246 : i32 to vector<512x512xi32>
    %and3A_248 = arith.andi %shift_right_logical3A_245, %and3A_247 : vector<512x512xi32>
    %add3A_249 = arith.addi %add3A_242, %and3A_248 : vector<512x512xi32>
    %and3A_250 = arith.constant -65536 : i32
    %and3A_251 = vector.broadcast %and3A_250 : i32 to vector<512x512xi32>
    %and3A_252 = arith.andi %add3A_249, %and3A_251 : vector<512x512xi32>
    %bitcast_convert_type3A_253 = tpu.bitcast %and3A_252 : vector<512x512xi32> -> vector<512x512xf32>
    %log3A_254 = math.log %max3A_229 : vector<512x512xf32>
    %div3A_255 = arith.constant -13.8155107 : f32
    %div3A_256 = vector.broadcast %div3A_255 : f32 to vector<512x512xf32>
    %div3A_257 = arith.divf %log3A_254, %div3A_256 : vector<512x512xf32>
    %bitcast_convert_type3A_258 = tpu.bitcast %div3A_257 : vector<512x512xf32> -> vector<512x512xi32>
    %add3A_259 = arith.constant 32767 : i32
    %add3A_260 = vector.broadcast %add3A_259 : i32 to vector<512x512xi32>
    %add3A_261 = arith.addi %bitcast_convert_type3A_258, %add3A_260 : vector<512x512xi32>
    %shift_right_logical3A_262 = arith.constant 16 : i32
    %shift_right_logical3A_263 = vector.broadcast %shift_right_logical3A_262 : i32 to vector<512x512xi32>
    %shift_right_logical3A_264 = arith.shrui %bitcast_convert_type3A_258, %shift_right_logical3A_263 : vector<512x512xi32>
    %and3A_265 = arith.constant 1 : i32
    %and3A_266 = vector.broadcast %and3A_265 : i32 to vector<512x512xi32>
    %and3A_267 = arith.andi %shift_right_logical3A_264, %and3A_266 : vector<512x512xi32>
    %add3A_268 = arith.addi %add3A_261, %and3A_267 : vector<512x512xi32>
    %and3A_269 = arith.constant -65536 : i32
    %and3A_270 = vector.broadcast %and3A_269 : i32 to vector<512x512xi32>
    %and3A_271 = arith.andi %add3A_268, %and3A_270 : vector<512x512xi32>
    %bitcast_convert_type3A_272 = tpu.bitcast %and3A_271 : vector<512x512xi32> -> vector<512x512xf32>
    %log3A_273 = math.log %max3A_234 : vector<512x512xf32>
    %div3A_274 = arith.constant -13.8155107 : f32
    %div3A_275 = vector.broadcast %div3A_274 : f32 to vector<512x512xf32>
    %div3A_276 = arith.divf %log3A_273, %div3A_275 : vector<512x512xf32>
    %bitcast_convert_type3A_277 = tpu.bitcast %div3A_276 : vector<512x512xf32> -> vector<512x512xi32>
    %add3A_278 = arith.constant 32767 : i32
    %add3A_279 = vector.broadcast %add3A_278 : i32 to vector<512x512xi32>
    %add3A_280 = arith.addi %bitcast_convert_type3A_277, %add3A_279 : vector<512x512xi32>
    %shift_right_logical3A_281 = arith.constant 16 : i32
    %shift_right_logical3A_282 = vector.broadcast %shift_right_logical3A_281 : i32 to vector<512x512xi32>
    %shift_right_logical3A_283 = arith.shrui %bitcast_convert_type3A_277, %shift_right_logical3A_282 : vector<512x512xi32>
    %and3A_284 = arith.constant 1 : i32
    %and3A_285 = vector.broadcast %and3A_284 : i32 to vector<512x512xi32>
    %and3A_286 = arith.andi %shift_right_logical3A_283, %and3A_285 : vector<512x512xi32>
    %add3A_287 = arith.addi %add3A_280, %and3A_286 : vector<512x512xi32>
    %and3A_288 = arith.constant -65536 : i32
    %and3A_289 = vector.broadcast %and3A_288 : i32 to vector<512x512xi32>
    %and3A_290 = arith.andi %add3A_287, %and3A_289 : vector<512x512xi32>
    %bitcast_convert_type3A_291 = tpu.bitcast %and3A_290 : vector<512x512xi32> -> vector<512x512xf32>
    %mul3A_292 = arith.constant -0.5546875 : f32
    %mul3A_293 = vector.broadcast %mul3A_292 : f32 to vector<512x512xf32>
    %mul3A_294 = arith.mulf %bitcast_convert_type3A_253, %mul3A_293 : vector<512x512xf32>
    %mul3A_295 = arith.constant -0.135742188 : f32
    %mul3A_296 = vector.broadcast %mul3A_295 : f32 to vector<512x512xf32>
    %mul3A_297 = arith.mulf %bitcast_convert_type3A_272, %mul3A_296 : vector<512x512xf32>
    %add3A_298 = arith.addf %mul3A_294, %mul3A_297 : vector<512x512xf32>
    %mul3A_299 = arith.constant 1.5703125 : f32
    %mul3A_300 = vector.broadcast %mul3A_299 : f32 to vector<512x512xf32>
    %mul3A_301 = arith.mulf %bitcast_convert_type3A_291, %mul3A_300 : vector<512x512xf32>
    %add3A_302 = arith.addf %add3A_298, %mul3A_301 : vector<512x512xf32>
    %max3A_303 = arith.constant 0.000000e+00 : f32
    %max3A_304 = vector.broadcast %max3A_303 : f32 to vector<512x512xf32>
    %max3A_305 = arith.maximumf %add3A_302, %max3A_304 : vector<512x512xf32>
    %mul3A_306 = arith.constant 13.8155107 : f32
    %mul3A_307 = vector.broadcast %mul3A_306 : f32 to vector<512x512xf32>
    %mul3A_308 = arith.mulf %max3A_305, %mul3A_307 : vector<512x512xf32>
    %bitcast_convert_type3A_309 = tpu.bitcast %mul3A_308 : vector<512x512xf32> -> vector<512x512xi32>
    %add3A_310 = arith.constant 32767 : i32
    %add3A_311 = vector.broadcast %add3A_310 : i32 to vector<512x512xi32>
    %add3A_312 = arith.addi %bitcast_convert_type3A_309, %add3A_311 : vector<512x512xi32>
    %shift_right_logical3A_313 = arith.constant 16 : i32
    %shift_right_logical3A_314 = vector.broadcast %shift_right_logical3A_313 : i32 to vector<512x512xi32>
    %shift_right_logical3A_315 = arith.shrui %bitcast_convert_type3A_309, %shift_right_logical3A_314 : vector<512x512xi32>
    %and3A_316 = arith.constant 1 : i32
    %and3A_317 = vector.broadcast %and3A_316 : i32 to vector<512x512xi32>
    %and3A_318 = arith.andi %shift_right_logical3A_315, %and3A_317 : vector<512x512xi32>
    %add3A_319 = arith.addi %add3A_312, %and3A_318 : vector<512x512xi32>
    %and3A_320 = arith.constant -65536 : i32
    %and3A_321 = vector.broadcast %and3A_320 : i32 to vector<512x512xi32>
    %and3A_322 = arith.andi %add3A_319, %and3A_321 : vector<512x512xi32>
    %bitcast_convert_type3A_323 = tpu.bitcast %and3A_322 : vector<512x512xi32> -> vector<512x512xf32>
    %mul3A_324 = arith.constant 0.26953125 : f32
    %mul3A_325 = vector.broadcast %mul3A_324 : f32 to vector<512x512xf32>
    %mul3A_326 = arith.mulf %bitcast_convert_type3A_323, %mul3A_325 : vector<512x512xf32>
    %neg3A_327 = arith.constant 0.000000e+00 : f32
    %neg3A_328 = vector.broadcast %neg3A_327 : f32 to vector<512x512xf32>
    %neg3A_329 = arith.subf %neg3A_328, %mul3A_326 : vector<512x512xf32>
    %exp3A_330 = math.exp %neg3A_329 : vector<512x512xf32>
    %mul3A_331 = arith.constant 0.5703125 : f32
    %mul3A_332 = vector.broadcast %mul3A_331 : f32 to vector<512x512xf32>
    %mul3A_333 = arith.mulf %bitcast_convert_type3A_323, %mul3A_332 : vector<512x512xf32>
    %neg3A_334 = arith.constant 0.000000e+00 : f32
    %neg3A_335 = vector.broadcast %neg3A_334 : f32 to vector<512x512xf32>
    %neg3A_336 = arith.subf %neg3A_335, %mul3A_333 : vector<512x512xf32>
    %exp3A_337 = math.exp %neg3A_336 : vector<512x512xf32>
    %mul3A_338 = arith.constant 7.812500e-01 : f32
    %mul3A_339 = vector.broadcast %mul3A_338 : f32 to vector<512x512xf32>
    %mul3A_340 = arith.mulf %bitcast_convert_type3A_323, %mul3A_339 : vector<512x512xf32>
    %neg3A_341 = arith.constant 0.000000e+00 : f32
    %neg3A_342 = vector.broadcast %neg3A_341 : f32 to vector<512x512xf32>
    %neg3A_343 = arith.subf %neg3A_342, %mul3A_340 : vector<512x512xf32>
    %exp3A_344 = math.exp %neg3A_343 : vector<512x512xf32>
    %bitcast_convert_type3A_345 = tpu.bitcast %exp3A_330 : vector<512x512xf32> -> vector<512x512xi32>
    %add3A_346 = arith.constant 32767 : i32
    %add3A_347 = vector.broadcast %add3A_346 : i32 to vector<512x512xi32>
    %add3A_348 = arith.addi %bitcast_convert_type3A_345, %add3A_347 : vector<512x512xi32>
    %shift_right_logical3A_349 = arith.constant 16 : i32
    %shift_right_logical3A_350 = vector.broadcast %shift_right_logical3A_349 : i32 to vector<512x512xi32>
    %shift_right_logical3A_351 = arith.shrui %bitcast_convert_type3A_345, %shift_right_logical3A_350 : vector<512x512xi32>
    %and3A_352 = arith.constant 1 : i32
    %and3A_353 = vector.broadcast %and3A_352 : i32 to vector<512x512xi32>
    %and3A_354 = arith.andi %shift_right_logical3A_351, %and3A_353 : vector<512x512xi32>
    %add3A_355 = arith.addi %add3A_348, %and3A_354 : vector<512x512xi32>
    %and3A_356 = arith.constant -65536 : i32
    %and3A_357 = vector.broadcast %and3A_356 : i32 to vector<512x512xi32>
    %and3A_358 = arith.andi %add3A_355, %and3A_357 : vector<512x512xi32>
    %bitcast_convert_type3A_359 = tpu.bitcast %and3A_358 : vector<512x512xi32> -> vector<512x512xf32>
    %mul3A_360 = arith.constant 0.212890625 : f32
    %mul3A_361 = vector.broadcast %mul3A_360 : f32 to vector<512x512xf32>
    %mul3A_362 = arith.mulf %bitcast_convert_type3A_359, %mul3A_361 : vector<512x512xf32>
    %bitcast_convert_type3A_363 = tpu.bitcast %exp3A_337 : vector<512x512xf32> -> vector<512x512xi32>
    %add3A_364 = arith.constant 32767 : i32
    %add3A_365 = vector.broadcast %add3A_364 : i32 to vector<512x512xi32>
    %add3A_366 = arith.addi %bitcast_convert_type3A_363, %add3A_365 : vector<512x512xi32>
    %shift_right_logical3A_367 = arith.constant 16 : i32
    %shift_right_logical3A_368 = vector.broadcast %shift_right_logical3A_367 : i32 to vector<512x512xi32>
    %shift_right_logical3A_369 = arith.shrui %bitcast_convert_type3A_363, %shift_right_logical3A_368 : vector<512x512xi32>
    %and3A_370 = arith.constant 1 : i32
    %and3A_371 = vector.broadcast %and3A_370 : i32 to vector<512x512xi32>
    %and3A_372 = arith.andi %shift_right_logical3A_369, %and3A_371 : vector<512x512xi32>
    %add3A_373 = arith.addi %add3A_366, %and3A_372 : vector<512x512xi32>
    %and3A_374 = arith.constant -65536 : i32
    %and3A_375 = vector.broadcast %and3A_374 : i32 to vector<512x512xi32>
    %and3A_376 = arith.andi %add3A_373, %and3A_375 : vector<512x512xi32>
    %bitcast_convert_type3A_377 = tpu.bitcast %and3A_376 : vector<512x512xi32> -> vector<512x512xf32>
    %mul3A_378 = arith.constant 0.71484375 : f32
    %mul3A_379 = vector.broadcast %mul3A_378 : f32 to vector<512x512xf32>
    %mul3A_380 = arith.mulf %bitcast_convert_type3A_377, %mul3A_379 : vector<512x512xf32>
    %add3A_381 = arith.addf %mul3A_362, %mul3A_380 : vector<512x512xf32>
    %bitcast_convert_type3A_382 = tpu.bitcast %exp3A_344 : vector<512x512xf32> -> vector<512x512xi32>
    %add3A_383 = arith.constant 32767 : i32
    %add3A_384 = vector.broadcast %add3A_383 : i32 to vector<512x512xi32>
    %add3A_385 = arith.addi %bitcast_convert_type3A_382, %add3A_384 : vector<512x512xi32>
    %shift_right_logical3A_386 = arith.constant 16 : i32
    %shift_right_logical3A_387 = vector.broadcast %shift_right_logical3A_386 : i32 to vector<512x512xi32>
    %shift_right_logical3A_388 = arith.shrui %bitcast_convert_type3A_382, %shift_right_logical3A_387 : vector<512x512xi32>
    %and3A_389 = arith.constant 1 : i32
    %and3A_390 = vector.broadcast %and3A_389 : i32 to vector<512x512xi32>
    %and3A_391 = arith.andi %shift_right_logical3A_388, %and3A_390 : vector<512x512xi32>
    %add3A_392 = arith.addi %add3A_385, %and3A_391 : vector<512x512xi32>
    %and3A_393 = arith.constant -65536 : i32
    %and3A_394 = vector.broadcast %and3A_393 : i32 to vector<512x512xi32>
    %and3A_395 = arith.andi %add3A_392, %and3A_394 : vector<512x512xi32>
    %bitcast_convert_type3A_396 = tpu.bitcast %and3A_395 : vector<512x512xi32> -> vector<512x512xf32>
    %mul3A_397 = arith.constant 0.072265625 : f32
    %mul3A_398 = vector.broadcast %mul3A_397 : f32 to vector<512x512xf32>
    %mul3A_399 = arith.mulf %bitcast_convert_type3A_396, %mul3A_398 : vector<512x512xf32>
    %add3A_400 = arith.addf %add3A_381, %mul3A_399 : vector<512x512xf32>
    %add3A_401 = arith.constant 0.0180755276 : f32
    %add3A_402 = vector.broadcast %add3A_401 : f32 to vector<512x512xf32>
    %add3A_403 = arith.addf %add3A_400, %add3A_402 : vector<512x512xf32>
    %div3A_404 = arith.constant 1.000000e+00 : f32
    %div3A_405 = vector.broadcast %div3A_404 : f32 to vector<512x512xf32>
    %div3A_406 = arith.divf %div3A_405, %add3A_403 : vector<512x512xf32>
    %log3A_407 = math.log %div3A_406 : vector<512x512xf32>
    %mul3A_408 = arith.constant 0.434294492 : f32
    %mul3A_409 = vector.broadcast %mul3A_408 : f32 to vector<512x512xf32>
    %mul3A_410 = arith.mulf %log3A_407, %mul3A_409 : vector<512x512xf32>
    %lt3A_411 = arith.constant 0.000000e+00 : f32
    %lt3A_412 = vector.broadcast %lt3A_411 : f32 to vector<512x512xf32>
    %lt3A_413 = arith.cmpf olt, %mul3A_410, %lt3A_412 : vector<512x512xf32>
    %jit3A_414 = arith.constant 0.000000e+00 : f32
    %broadcast_in_dim3A_415 = vector.broadcast %jit3A_414 : f32 to vector<512x512xf32>
    %select_n3A_416 = arith.select %lt3A_413, %broadcast_in_dim3A_415, %mul3A_410 : vector<512x512xi1>, vector<512x512xf32>
    %gt3A_417 = arith.constant 0.000000e+00 : f32
    %gt3A_418 = vector.broadcast %gt3A_417 : f32 to vector<512x512xf32>
    %gt3A_419 = arith.cmpf ogt, %select_n3A_416, %gt3A_418 : vector<512x512xf32>
    %max3A_420 = arith.constant 9.99999991E-38 : f32
    %max3A_421 = vector.broadcast %max3A_420 : f32 to vector<512x512xf32>
    %max3A_422 = arith.maximumf %select_n3A_416, %max3A_421 : vector<512x512xf32>
    %log3A_423 = math.log %max3A_422 : vector<512x512xf32>
    %mul3A_424 = arith.constant 1.800000e+00 : f32
    %mul3A_425 = vector.broadcast %mul3A_424 : f32 to vector<512x512xf32>
    %mul3A_426 = arith.mulf %mul3A_425, %log3A_423 : vector<512x512xf32>
    %exp3A_427 = math.exp %mul3A_426 : vector<512x512xf32>
    %jit3A_428 = arith.constant 0.000000e+00 : f32
    %broadcast_in_dim3A_429 = vector.broadcast %jit3A_428 : f32 to vector<512x512xf32>
    %select_n3A_430 = arith.select %gt3A_419, %exp3A_427, %broadcast_in_dim3A_429 : vector<512x512xi1>, vector<512x512xf32>
    %lt3A_431 = arith.constant 6.800000e-01 : f32
    %lt3A_432 = vector.broadcast %lt3A_431 : f32 to vector<512x512xf32>
    %lt3A_433 = arith.cmpf olt, %select_n3A_430, %lt3A_432 : vector<512x512xf32>
    %jit3A_434 = arith.constant 0.000000e+00 : f32
    %jit3A_435 = arith.constant 1.000000e+00 : f32
    %broadcast_in_dim3A_436 = vector.broadcast %jit3A_434 : f32 to vector<512x512xf32>
    %broadcast_in_dim3A_437 = vector.broadcast %jit3A_435 : f32 to vector<512x512xf32>
    %select_n3A_438 = arith.select %lt3A_433, %broadcast_in_dim3A_436, %broadcast_in_dim3A_437 : vector<512x512xi1>, vector<512x512xf32>
    %lt3A_439 = arith.constant 1.500000e-01 : f32
    %lt3A_440 = vector.broadcast %lt3A_439 : f32 to vector<512x512xf32>
    %lt3A_441 = arith.cmpf olt, %select_n3A_430, %lt3A_440 : vector<512x512xf32>
    %jit3A_442 = arith.constant 0.000000e+00 : f32
    %broadcast_in_dim3A_443 = vector.broadcast %jit3A_442 : f32 to vector<512x512xf32>
    %select_n3A_444 = arith.select %lt3A_441, %broadcast_in_dim3A_443, %select_n3A_430 : vector<512x512xi1>, vector<512x512xf32>
    %reshape3A_445 = vector.shape_cast %select_n3A_444 : vector<512x512xf32> to vector<4x128x512xf32>
    %reduce_sum3A_446 = arith.constant dense<0.000000e+00> : vector<4x512xf32>
    %reduce_sum3A_447 = vector.multi_reduction <add>, %reshape3A_445, %reduce_sum3A_446 [1] : vector<4x128x512xf32> to vector<4x512xf32>
    %swap3A = arith.constant 0 : index
    %swap3A_448 = arith.constant 0 : index
    %swap3A_449 = arith.constant 0 : index
    %swap3A_450 = vector.load %arg3[%swap3A, %swap3A_448, %swap3A_449] : memref<1x512x512xf32, #tpu.memory_space<vmem>>, vector<1x512x512xf32>
    %swap3A_451 = vector.shape_cast %swap3A_450 : vector<1x512x512xf32> to vector<512x512xf32>
    %swap3A_452 = vector.shape_cast %select_n3A_206 : vector<512x512xf32> to vector<1x512x512xf32>
    tpu.vector_store %arg3[%swap3A, %swap3A_448, %swap3A_449], %swap3A_452 {strides = array<i32>} : memref<1x512x512xf32, #tpu.memory_space<vmem>>, vector<1x512x512xf32>,
    %swap3A_453 = arith.constant 0 : index
    %swap3A_454 = arith.constant 0 : index
    %swap3A_455 = arith.constant 0 : index
    %swap3A_456 = vector.load %arg4[%swap3A_453, %swap3A_454, %swap3A_455] : memref<1x512x512xf32, #tpu.memory_space<vmem>>, vector<1x512x512xf32>
    %swap3A_457 = vector.shape_cast %swap3A_456 : vector<1x512x512xf32> to vector<512x512xf32>
    %swap3A_458 = vector.shape_cast %select_n3A_438 : vector<512x512xf32> to vector<1x512x512xf32>
    tpu.vector_store %arg4[%swap3A_453, %swap3A_454, %swap3A_455], %swap3A_458 {strides = array<i32>} : memref<1x512x512xf32, #tpu.memory_space<vmem>>, vector<1x512x512xf32>,
    %swap3A_459 = arith.constant 0 : index
    %swap3A_460 = arith.constant 0 : index
    %swap3A_461 = arith.constant 0 : index
    %swap3A_462 = vector.load %arg5[%swap3A_459, %swap3A_460, %swap3A_461] : memref<1x512x512xf32, #tpu.memory_space<vmem>>, vector<1x512x512xf32>
    %swap3A_463 = vector.shape_cast %swap3A_462 : vector<1x512x512xf32> to vector<512x512xf32>
    %swap3A_464 = vector.shape_cast %select_n3A_198 : vector<512x512xf32> to vector<1x512x512xf32>
    tpu.vector_store %arg5[%swap3A_459, %swap3A_460, %swap3A_461], %swap3A_464 {strides = array<i32>} : memref<1x512x512xf32, #tpu.memory_space<vmem>>, vector<1x512x512xf32>,
    %swap3A_465 = arith.constant 0 : index
    %swap3A_466 = arith.constant 0 : index
    %swap3A_467 = arith.constant 0 : index
    %swap3A_468 = vector.load %arg6[%swap3A_465, %swap3A_466, %swap3A_467] : memref<1x512x512xf32, #tpu.memory_space<vmem>>, vector<1x512x512xf32>
    %swap3A_469 = vector.shape_cast %swap3A_468 : vector<1x512x512xf32> to vector<512x512xf32>
    %swap3A_470 = vector.shape_cast %select_n3A_430 : vector<512x512xf32> to vector<1x512x512xf32>
    tpu.vector_store %arg6[%swap3A_465, %swap3A_466, %swap3A_467], %swap3A_470 {strides = array<i32>} : memref<1x512x512xf32, #tpu.memory_space<vmem>>, vector<1x512x512xf32>,
    %broadcast_in_dim3A_471 = vector.shape_cast %reduce_sum3A_213 : vector<4x512xf32> to vector<1x4x512xf32>
    %swap3A_472 = arith.index_cast %arg0 : i32 to index
    %swap3A_473 = arith.constant 0 : index
    %swap3A_474 = arith.constant 0 : index
    %swap3A_475 = vector.load %arg7[%swap3A_472, %swap3A_473, %swap3A_474] : memref<16x8x512xf32, #tpu.memory_space<vmem>>, vector<1x4x512xf32>
    tpu.vector_store %arg7[%swap3A_472, %swap3A_473, %swap3A_474], %broadcast_in_dim3A_471 {strides = array<i32>} : memref<16x8x512xf32, #tpu.memory_space<vmem>>, vector<1x4x512xf32>,
    %broadcast_in_dim3A_476 = vector.shape_cast %reduce_sum3A_447 : vector<4x512xf32> to vector<1x4x512xf32>
    %swap3A_477 = arith.index_cast %arg0 : i32 to index
    %swap3A_478 = arith.constant 0 : index
    %swap3A_479 = arith.constant 0 : index
    %swap3A_480 = vector.load %arg8[%swap3A_477, %swap3A_478, %swap3A_479] : memref<16x8x512xf32, #tpu.memory_space<vmem>>, vector<1x4x512xf32>
    tpu.vector_store %arg8[%swap3A_477, %swap3A_478, %swap3A_479], %broadcast_in_dim3A_476 {strides = array<i32>} : memref<16x8x512xf32, #tpu.memory_space<vmem>>, vector<1x4x512xf32>,
    return
  }
  func.func @transform_0(%arg0: i32) -> (i32, i32, i32, i32) {
    %c0_i32 = arith.constant 0 : i32
    %c0_i32_0 = arith.constant 0 : i32
    %c0_i32_1 = arith.constant 0 : i32
    %c0_i32_2 = arith.constant 0 : i32
    return %arg0, %c0_i32, %c0_i32_0, %c0_i32_1 : i32, i32, i32, i32
  }
  func.func @transform_1(%arg0: i32) -> (i32, i32, i32, i32) {
    %c0_i32 = arith.constant 0 : i32
    %c0_i32_0 = arith.constant 0 : i32
    %c0_i32_1 = arith.constant 0 : i32
    %c0_i32_2 = arith.constant 0 : i32
    return %arg0, %c0_i32, %c0_i32_0, %c0_i32_1 : i32, i32, i32, i32
  }
  func.func @transform_2(%arg0: i32) -> (i32, i32, i32) {
    %c0_i32 = arith.constant 0 : i32
    %c0_i32_0 = arith.constant 0 : i32
    %c0_i32_1 = arith.constant 0 : i32
    return %arg0, %c0_i32, %c0_i32_0 : i32, i32, i32
  }
  func.func @transform_3(%arg0: i32) -> (i32, i32, i32) {
    %c0_i32 = arith.constant 0 : i32
    %c0_i32_0 = arith.constant 0 : i32
    %c0_i32_1 = arith.constant 0 : i32
    return %arg0, %c0_i32, %c0_i32_0 : i32, i32, i32
  }
  func.func @transform_4(%arg0: i32) -> (i32, i32, i32) {
    %c0_i32 = arith.constant 0 : i32
    %c0_i32_0 = arith.constant 0 : i32
    %c0_i32_1 = arith.constant 0 : i32
    return %arg0, %c0_i32, %c0_i32_0 : i32, i32, i32
  }
  func.func @transform_5(%arg0: i32) -> (i32, i32, i32) {
    %c0_i32 = arith.constant 0 : i32
    %c0_i32_0 = arith.constant 0 : i32
    %c0_i32_1 = arith.constant 0 : i32
    return %arg0, %c0_i32, %c0_i32_0 : i32, i32, i32
  }
  func.func @transform_6(%arg0: i32) -> (i32, i32, i32) {
    %c0_i32 = arith.constant 0 : i32
    %c0_i32_0 = arith.constant 0 : i32
    %c0_i32_1 = arith.constant 0 : i32
    %c0_i32_2 = arith.constant 0 : i32
    return %c0_i32, %c0_i32_0, %c0_i32_1 : i32, i32, i32
  }
  func.func @transform_7(%arg0: i32) -> (i32, i32, i32) {
    %c0_i32 = arith.constant 0 : i32
    %c0_i32_0 = arith.constant 0 : i32
    %c0_i32_1 = arith.constant 0 : i32
    %c0_i32_2 = arith.constant 0 : i32
    return %c0_i32, %c0_i32_0, %c0_i32_1 : i32, i32, i32
  }
}

</mosaic_0001>

<sc_bundles>
// kernel: kernel.5.cloned.1.call-start
scs
__scs_entry_jumppad:
0x0: {  	(pc) =	sbr.rel $0x88, $3  }
0x1: {  	(tag) =	ssettag $0x0;
	lr =	simm.s32 $0x1  }
0x2: {  	[smem:$0x3F9F] =	sst lr;
	_ =	strace $0xD0000000  }
0x3: {  	_ = 	snop  }
0x4: {  	_ = 	snop  }
0x5: {  	_ = 	snop  }
0x6: {  	_ = 	snop  }
0x7: {  	_ = 	snop  }
__scs_overlays_trampoline_lowered:
0x8: {  	[smem:$0x3FAE] =	sst s0  }
0x9: {  	[smem:$0x3FAF] =	sst s1  }
0xa: {  	[smem:$0x3FB0] =	sst s2  }
0xb: {  	[smem:$0x3FB1] =	sst s3  }
0xc: {  	[smem:$0x3FB2] =	sst s4  }
0xd: {  	[smem:$0x3FB3] =	sst s5  }
0xe: {  	[smem:$0x3FB4] =	sst s6  }
0xf: {  	[smem:$0x3FB5] =	sst s7  }
0x10: {  	[smem:$0x3FB6] =	sst s8  }
0x11: {  	[smem:$0x3FB7] =	sst s9;
	s0 =	simm.s32 @!p0 $0x0  }
0x12: {  	s1 =	sld [smem:$0x3F9D];
	s0 =	simm.s32 @p0 $0x1  }
0x13: {  	[smem:$0x3FB8] =	sst s0;
	s0 =	simm.s32 @!p1 $0x0  }
0x14: {  	s2 =	sld [smem:$0x3F9C];
	s0 =	simm.s32 @p1 $0x1  }
0x15: {  	[smem:$0x3FB9] =	sst s0;
	s0 =	simm.s32 @!p2 $0x0  }
0x16: {  	s3 =	sld [smem:$0x3FDB];
	s0 =	simm.s32 @p2 $0x1  }
0x17: {  	s4 =	simm.s32 $0x1BF5;
	[smem:$0x3FBB] =	sst s0  }
0x18: {  	s0 =	sld [smem:$0x3F9E];
	_ =	swait.ge [sflag:s4], $0x0  }
0x19: {  	s7 =	sld [smem:$0x3F9F]  }
0x1a: {  	s8 =	sadd.s32 $0xFFFFE003, lr  }
0x1b: {  	s9 =	sadd.s32 $0xFFFFFEF7, lr;
	s5 =	simm.s32 $0xFFFFFFFF;
	p2 =	slt.u32 s8, $0xFFFFF086  }
0x1c: {  	p1 =	slt.u32 s9, $0xF7A;
	s5 =	simm.s32 @!p2 $0x0  }
0x1d: {  	s5 =	simm.s32 @p1 $0x1;
	p0 =	seq.s32 s7, s2  }
0x1e: {  	s7 =	smul.u32 @!p0 $0xF7A, s2;
	p2 =	seq.s32 @!p0 s5, $0x0  }
0x1f: {  	s9 =	smul.u32 $0xF7A, s1;
	s8 =	simm.s32 @!p0 $0x1BF5;
	p2 =	por !p2, p0  }
0x20: {  	[sflag:s8] =	ssyncset.s32 @!p0 $0xFFFFF086;
	s6 =	sadd.s32 @!p0 s3, s7;
	s7 =	simm.s32 @!p0 $0x108  }
0x21: {  	s3 =	sadd.s32 s3, s9;
	s6 =	sadd.s32 @!p0 $0x88, s6;
	s7 =	simm.s32 @p2 $0x1082  }
0x22: {  	[simem:s7], [sflag:s8] =	dma.local @!p0 [hbm:s6], $0xF7A  }
0x23: {  	s9 =	sor.u32 $0xD0000000, s2;
	s6 =	simm.s32 $0x108;
	_ =	swait.ge @!p0 [sflag:s8], $0x0  }
0x24: {  	s3 =	sadd.s32 $0x88, s3;
	s6 =	simm.s32 @!p1 $0x1082;
	[sflag:s4] =	ssyncset.s32 $0xFFFFF086  }
0x25: {  	[simem:s6], [sflag:s4] =	dma.local [hbm:s3], $0xF7A  }
0x26: {  	[smem:$0x3F9F] =	sst s1;
	(tag) =	ssettag s2;
	_ =	strace s9  }
0x27: {  	s1 =	sld [smem:$0x3FAF]  }
0x28: {  	s2 =	sld [smem:$0x3FB0]  }
0x29: {  	s4 =	sld [smem:$0x3FB2]  }
0x2a: {  	p0 =	seq.s32 s5, $0x0;
	s5 =	sld [smem:$0x3FB3]  }
0x2b: {  	s6 =	sld [smem:$0x3FB4]  }
0x2c: {  	s7 =	sld [smem:$0x3FB5]  }
0x2d: {  	s3 =	simm.s32 $0x108;
	s8 =	sld [smem:$0x3FB6]  }
0x2e: {  	s3 =	simm.s32 @!p0 $0x1082;
	s9 =	sld [smem:$0x3FB7]  }
0x2f: {  	lr =	sadd.s32 s0, s3;
	s0 =	sld [smem:$0x3FAE]  }
0x30: {  	s3 =	sld [smem:$0x3FB1]  }
0x31: {  	[smem:$0x3FBA] =	sst s10  }
0x32: {  	s10 =	sld [smem:$0x3FB8];
	_ =	sdelay $0x3  }
0x33: {  	p0 =	seq.s32 s10, $0x1;
	s10 =	sld [smem:$0x3FBA];
	_ =	sdelay $0x3  }
0x34: {  	[smem:$0x3FBA] =	sst s10  }
0x35: {  	s10 =	sld [smem:$0x3FB9];
	_ =	sdelay $0x3  }
0x36: {  	p1 =	seq.s32 s10, $0x1;
	s10 =	sld [smem:$0x3FBA];
	_ =	sdelay $0x3  }
0x37: {  	[smem:$0x3FBA] =	sst s10  }
0x38: {  	s10 =	sld [smem:$0x3FBB]  }
0x39: {  	_ = 	snop;
	(pc) =	sbr.ind lr, $3  }
0x3a: {  	_ = 	snop  }
0x3b: {  	_ = 	snop  }
0x3c: {  	p2 =	seq.s32 s10, $0x1;
	s10 =	sld [smem:$0x3FBA]  }
0x3d: {  	_ =	shalt  }
0x3e: {  	_ =	shalt  }
0x3f: {  	_ =	shalt  }
0x40: {  	_ =	shalt  }
0x41: {  	_ =	shalt  }
0x42: {  	_ =	shalt  }
0x43: {  	_ =	shalt  }
0x44: {  	_ =	shalt  }
0x45: {  	_ =	shalt  }
0x46: {  	_ =	shalt  }
0x47: {  	_ =	shalt  }
0x48: {  	_ =	shalt  }
0x49: {  	_ =	shalt  }
0x4a: {  	_ =	shalt  }
0x4b: {  	_ =	shalt  }
0x4c: {  	_ =	shalt  }
0x4d: {  	_ =	shalt  }
0x4e: {  	_ =	shalt  }
0x4f: {  	_ =	shalt  }
0x50: {  	_ =	shalt  }
0x51: {  	_ =	shalt  }
0x52: {  	_ =	shalt  }
0x53: {  	_ =	shalt  }
0x54: {  	_ =	shalt  }
0x55: {  	_ =	shalt  }
0x56: {  	_ =	shalt  }
0x57: {  	_ =	shalt  }
0x58: {  	_ =	shalt  }
0x59: {  	_ =	shalt  }
0x5a: {  	_ =	shalt  }
0x5b: {  	_ =	shalt  }
0x5c: {  	_ =	shalt  }
0x5d: {  	_ =	shalt  }
0x5e: {  	_ =	shalt  }
0x5f: {  	_ =	shalt  }
0x60: {  	_ =	shalt  }
0x61: {  	_ =	shalt  }
0x62: {  	_ =	shalt  }
0x63: {  	_ =	shalt  }
0x64: {  	_ =	shalt  }
0x65: {  	_ =	shalt  }
0x66: {  	_ =	shalt  }
0x67: {  	_ =	shalt  }
0x68: {  	_ =	shalt  }
0x69: {  	_ =	shalt  }
0x6a: {  	_ =	shalt  }
0x6b: {  	_ =	shalt  }
0x6c: {  	_ =	shalt  }
0x6d: {  	_ =	shalt  }
0x6e: {  	_ =	shalt  }
0x6f: {  	_ =	shalt  }
0x70: {  	_ =	shalt  }
0x71: {  	_ =	shalt  }
0x72: {  	_ =	shalt  }
0x73: {  	_ =	shalt  }
0x74: {  	_ =	shalt  }
0x75: {  	_ =	shalt  }
0x76: {  	_ =	shalt  }
0x77: {  	_ =	shalt  }
0x78: {  	_ =	shalt  }
0x79: {  	_ =	shalt  }
0x7a: {  	_ =	shalt  }
0x7b: {  	_ =	shalt  }
0x7c: {  	_ =	shalt  }
0x7d: {  	_ =	shalt  }
0x7e: {  	_ =	shalt  }
0x7f: {  	_ =	shalt  }
0x80: {  	_ =	shalt  }
0x81: {  	_ =	shalt  }
0x82: {  	_ =	shalt  }
0x83: {  	_ =	shalt  }
0x84: {  	_ =	shalt  }
0x85: {  	_ =	shalt  }
0x86: {  	_ =	shalt  }
0x87: {  	_ =	shalt  }
.Lfunc_end0:
.L_simem_size_0:
called_computation_lowered:
.L_overlay_start_0:
0x88: {  	s2 =	sld [smem:$0x3FD9]  }
0x89: {  	s3 =	sld [smem:$0x3FFE];
	_ =	sdelay $0x1  }
0x8a: {  	s1 =	srdreg.scid  }
0x8b: {  	s0 =	sand.u32 $0x1, s1  }
0x8c: {  	s16 =	sshll.u32 s0, $0xA;
	s2 =	sadd.s32 s3, s2  }
0x8d: {  	s2 =	sadd.s32 s2, s16  }
0x8e: {  	[smem:$0x3FC6] =	sst s2  }
0x8f: {  	_ = 	snop  }
0x90: {  	(tm) =	ssettm $0x1  }
0x91: {  	s17 =	sld [smem:$0x3FFB];
	_ =	sdelay $0x3  }
0x92: {  	_ =	strace s17  }
0x93: {  	s2 =	sld [smem:$0x3FFC];
	_ =	sdelay $0x3  }
0x94: {  	_ =	strace s2  }
0x95: {  	s2 =	sld [smem:$0x3FFD];
	_ =	sdelay $0x3  }
0x96: {  	_ =	strace s2  }
0x97: {  	_ =	strace $0x8FFFFFFF  }
0x98: {  	s18 =	sld [smem:$0x3FDB];
	_ =	sdelay $0x1  }
0x99: {  	s19 =	simm.s32 $_scs_section_size  }
0x9a: {  	s4 =	simm.s32 $_size__tile_overlayer_lowered;
	s5 =	simm.s32 $_tile_overlayer_lowered  }
0x9b: {  	s22 =	simm.s32 $0x1BFF;
	s21 =	sshll.u32 s5, $0x1;
	s2 =	sadd.s32 s19, s18  }
0x9c: {  	s6 =	simm.s32 $0x0;
	s20 =	sshll.u32 s4, $0x1;
	s4 =	sadd.s32 s21, s2  }
0x9d: {  	[timem:s6], [sflag:s22] =	dma.local [hbm:s4], s20  }
0x9e: {  	_ =	swait.ge [sflag:s22], s20  }
0x9f: {  	s3 =	ssub.s32 $0x0, s20;
	[sflag:s22] =	ssyncset.done $0x0  }
0xa0: {  	[sflag:s22] =	ssyncadd.s32 s3;
	_ =	sdelay $0x1  }
0xa1: {  	s23 =	simm.s32 $0x1B8B  }
0xa2: {  	_ =	swait.ge [sflag:s23], $0x1  }
0xa3: {  	[sflag:s23] =	ssyncset.done $0x0  }
0xa4: {  	s25 =	simm.s32 $0x1B8E;
	s24 =	sld [smem:$0x3FFE];
	[sflag:s23] =	ssyncadd.s32 $0xFFFFFFFF  }
0xa5: {  	s26 =	simm.s32 $execute0_lowered;
	[smem:$0x3FD2] =	sst s25  }
0xa6: {  	s4 =	sshll.u32 s26, $0x1;
	_ =	strace $0x80000046;
	[dreg:$0x1] =	wrdreg $0xFFFFFFFF  }
0xa7: {  	s28 =	simm.s32 $_size_execute0_lowered;
	s2 =	sadd.s32 s2, s4;
	[dreg:$0x0] =	wrdreg $0x0  }
0xa8: {  	s4 =	sshll.u32 s28, $0x1;
	[dreg:$0x2] =	wrdreg s2  }
0xa9: {  	[dreg:$0x3] =	wrdreg s4  }
0xaa: {  	[dreg:$0x4] =	wrdreg $0xC0  }
0xab: {  	_ =	task [dreg:s6], $0x5FFFF  }
0xac: {  	[dreg:$0x1] =	wrdreg $0xFFFFFFFF  }
0xad: {  	[dreg:$0x0] =	wrdreg $0x60  }
0xae: {  	[dreg:$0x2] =	wrdreg s24  }
0xaf: {  	[dreg:$0x3] =	wrdreg $0x9  }
0xb0: {  	_ =	task.clear_ibuf [dreg:s6], $0x4FFFF;
	_ =	strace $0x90000046  }
0xb1: {  	s29 =	simm.s32 $0x9;
	_ =	strace $0x80000048  }
0xb2: {  	_ =	swait.ge [sflag:s29], $0x1  }
0xb3: {  	[sflag:s29] =	ssyncadd.s32 $0xFFFFFFFF  }
0xb4: {  	_ =	strace $0x90000048  }
0xb5: {  	_ =	sfence  }
0xb6: {  	s30 =	sld [smem:$0x0];
	_ =	sdelay $0x2  }
0xb7: {  	s31 =	sshll.u32 s1, $0xD;
	s1 =	sshrl.u32 s1, $0x2  }
0xb8: {  	s3 =	sand.u32 $0x4000, s31;
	s1 =	sadd.s32 s1, s30  }
0xb9: {  	s0 =	sor.u32 s3, s0;
	s1 =	sshll.u32 s1, $0x11  }
0xba: {  	s0 =	sor.u32 s1, s0  }
0xbb: {  	s0 =	sadd.s32 $0x8F2B, s0  }
0xbc: {  	[sflag:s0] =	ssyncadd.remote.s32 $0x1  }
0xbd: {  	_ =	sfence.sel $0xFFFF  }
0xbe: {  	[dreg:$0x0] =	wrdreg $0xFFFFFFFF;
	(pc) =	sbr.abs _section_cstart, $3  }
0xbf: {  	[dreg:$0x1] =	wrdreg $0xFFFFFFFF  }
0xc0: {  	_ =	task.clear_ibuf [dreg:s6], $0x2FFFF;
	_ =	strace $0x9FFFFFFF  }
0xc1: {  	(tm) =	ssettm $0x7FFFFFFF  }
tec
execute0_lowered:
.L_overlay_start_1:
0x0: {  	(tag) =	ssettag $0x1  }
0x1: {  	s0 =	srdreg.scid  }
0x2: {  	s1 =	stileid.u32;
	s3 =	rddreg [dreg:$0x0];
	s4 =	simm.s32 $0x0  }
0x3: {  	s0 =	sand.u32 $0x1, s0;
	s1 =	sshll.u32 s1, $0x1;
	[smem:$0x7FF] =	sst s4  }
0x4: {  	s4 =	sadd.s32 $0x80600, s3;
	s1 =	sor.u32 s0, s1;
	s0 =	ssub.s32 $0x2, s0  }
0x5: {  	s2 =	sshll.u32 s1, $0xA;
	s1 =	sshll.u32 s1, $0x7;
	s24 =	sshrl.u32 s0, $0x1  }
0x6: {  	s5 =	sadd.s32 $0x100600, s3;
	s1 =	sor.u32 s1, s2;
	s0 =	ssub.s32 s0, s24  }
0x7: {  	s25 =	sadd.s32 s4, s2;
	s7 =	sor.u32 $0x18000, s2;
	s8 =	sor.u32 $0x20000, s2  }
0x8: {  	s9 =	sor.u32 $0x28000, s2;
	s24 =	sor.u32 $0x30000, s2;
	s28 =	sor.u32 $0x48000, s2  }
0x9: {  	s30 =	sor.u32 $0x50000, s2;
	s31 =	sor.u32 $0x58000, s2;
	s10 =	sor.u32 $0x60000, s2  }
0xa: {  	s11 =	sor.u32 $0x68000, s2;
	s12 =	sor.u32 $0x70000, s2;
	[dreg:$0xc] =	wrdreg s0  }
0xb: {  	s13 =	sor.u32 $0x78000, s2;
	s1 =	sand.u32 $0x6380, s1;
	[dreg:$0xe] =	wrdreg s25  }
0xc: {  	s0 =	sor.u32 $0x8000, s2;
	s14 =	sadd.s32 s4, s7;
	s15 =	sadd.s32 s4, s8  }
0xd: {  	s16 =	sadd.s32 s4, s9;
	s17 =	sadd.s32 s4, s24;
	s25 =	sor.u32 $0x38000, s2  }
0xe: {  	s20 =	sadd.s32 s4, s28;
	s21 =	sadd.s32 s4, s30;
	s6 =	sadd.s32 s4, s12  }
0xf: {  	s22 =	sadd.s32 s4, s31;
	s26 =	sadd.s32 s4, s0;
	[dreg:$0x2] =	wrdreg s6  }
0x10: {  	s23 =	sadd.s32 s4, s10;
	s0 =	sadd.s32 s5, s0;
	[dreg:$0xd] =	wrdreg s26  }
0x11: {  	s29 =	sadd.s32 s4, s11;
	s6 =	sadd.s32 s5, s9;
	[dreg:$0x5] =	wrdreg s0  }
0x12: {  	s30 =	sadd.s32 s5, s30;
	s1 =	sshrl.u32 s1, $0x3;
	[dreg:$0x9] =	wrdreg s6  }
0x13: {  	s1 =	sadd.s32 s1, s3;
	s0 =	sadd.s32 s5, s11;
	s11 =	rddreg [dreg:$0xe]  }
0x14: {  	s18 =	sadd.s32 s4, s25;
	s26 =	sor.u32 $0x40000, s2;
	[dreg:$0xb] =	wrdreg s1  }
0x15: {  	s1 =	sor.u32 $0x10000, s2;
	s19 =	sadd.s32 s4, s26;
	s2 =	sadd.s32 s5, s2  }
0x16: {  	s3 =	sadd.s32 s4, s1;
	s4 =	sadd.s32 s4, s13;
	[dreg:$0x4] =	wrdreg s2  }
0x17: {  	s31 =	sadd.s32 s5, s31;
	s1 =	sadd.s32 s5, s1;
	[dreg:$0x3] =	wrdreg s4  }
0x18: {  	s25 =	sadd.s32 s5, s25;
	s2 =	sadd.s32 s5, s7;
	[dreg:$0x6] =	wrdreg s1  }
0x19: {  	s6 =	simm.s32 $0x2000;
	s7 =	sadd.s32 s5, s24;
	[dreg:$0x7] =	wrdreg s2  }
0x1a: {  	s26 =	sadd.s32 s5, s26;
	s4 =	sadd.s32 s5, s8;
	[dreg:$0xa] =	wrdreg s7  }
0x1b: {  	s24 =	sadd.s32 s5, s28;
	s28 =	sadd.s32 s5, s10;
	[dreg:$0x8] =	wrdreg s4  }
0x1c: {  	s1 =	sadd.s32 s5, s12;
	s12 =	rddreg [dreg:$0xd];
	_ =	strace $0x80000047  }
0x1d: {  	s10 =	simm.s32 $0x0;
	s2 =	sadd.s32 s5, s13;
	s8 =	rddreg [dreg:$0xb]  }
0x1e: {  	s13 =	smov.u32 s3;
	s5 =	simm.s32 $0x1;
	s9 =	rddreg [dreg:$0xc]  }
0x1f: {  	v0 =	vimm.f32 $0.0e+00;
	s7 =	simm.s32 $0x0;
	s3 =	sadd.s32 $0x600, s8;
	s4 =	smax.u32 s9, $0x1  }
.LBB2_1:
0x20: {  	[tilespmem:$0x2000] =	vst v0  }
0x21: {  	[tilespmem:$0x2010] =	vst v0  }
0x22: {  	[tilespmem:$0x2020] =	vst v0  }
0x23: {  	[tilespmem:$0x2030] =	vst v0  }
0x24: {  	[tilespmem:$0x2040] =	vst v0  }
0x25: {  	[tilespmem:$0x2050] =	vst v0  }
0x26: {  	[tilespmem:$0x2060] =	vst v0  }
0x27: {  	[tilespmem:$0x2070] =	vst v0  }
0x28: {  	[tilespmem:$0x2080] =	vst v0  }
0x29: {  	[tilespmem:$0x2090] =	vst v0  }
0x2a: {  	[tilespmem:$0x20A0] =	vst v0  }
0x2b: {  	[tilespmem:$0x20B0] =	vst v0  }
0x2c: {  	[tilespmem:$0x20C0] =	vst v0  }
0x2d: {  	[tilespmem:$0x20D0] =	vst v0  }
0x2e: {  	[tilespmem:$0x20E0] =	vst v0  }
0x2f: {  	[tilespmem:$0x20F0] =	vst v0  }
0x30: {  	[tilespmem:$0x2100] =	vst v0  }
0x31: {  	[tilespmem:$0x2110] =	vst v0  }
0x32: {  	[tilespmem:$0x2120] =	vst v0  }
0x33: {  	[tilespmem:$0x2130] =	vst v0  }
0x34: {  	[tilespmem:$0x2140] =	vst v0  }
0x35: {  	[tilespmem:$0x2150] =	vst v0  }
0x36: {  	[tilespmem:$0x2160] =	vst v0  }
0x37: {  	[tilespmem:$0x2170] =	vst v0  }
0x38: {  	[tilespmem:$0x2180] =	vst v0  }
0x39: {  	[tilespmem:$0x2190] =	vst v0  }
0x3a: {  	[tilespmem:$0x21A0] =	vst v0  }
0x3b: {  	[tilespmem:$0x21B0] =	vst v0  }
0x3c: {  	[tilespmem:$0x21C0] =	vst v0  }
0x3d: {  	[tilespmem:$0x21D0] =	vst v0  }
0x3e: {  	[tilespmem:$0x21E0] =	vst v0  }
0x3f: {  	[tilespmem:$0x21F0] =	vst v0  }
0x40: {  	[tilespmem:$0x2200] =	vst v0  }
0x41: {  	[tilespmem:$0x2210] =	vst v0  }
0x42: {  	[tilespmem:$0x2220] =	vst v0  }
0x43: {  	[tilespmem:$0x2230] =	vst v0  }
0x44: {  	[tilespmem:$0x2240] =	vst v0  }
0x45: {  	[tilespmem:$0x2250] =	vst v0  }
0x46: {  	[tilespmem:$0x2260] =	vst v0  }
0x47: {  	[tilespmem:$0x2270] =	vst v0  }
0x48: {  	[tilespmem:$0x2280] =	vst v0  }
0x49: {  	[tilespmem:$0x2290] =	vst v0  }
0x4a: {  	[tilespmem:$0x22A0] =	vst v0  }
0x4b: {  	[tilespmem:$0x22B0] =	vst v0  }
0x4c: {  	[tilespmem:$0x22C0] =	vst v0  }
0x4d: {  	[tilespmem:$0x22D0] =	vst v0  }
0x4e: {  	[tilespmem:$0x22E0] =	vst v0  }
0x4f: {  	[tilespmem:$0x22F0] =	vst v0  }
0x50: {  	[tilespmem:$0x2300] =	vst v0  }
0x51: {  	[tilespmem:$0x2310] =	vst v0  }
0x52: {  	[tilespmem:$0x2320] =	vst v0  }
0x53: {  	[tilespmem:$0x2330] =	vst v0  }
0x54: {  	[tilespmem:$0x2340] =	vst v0  }
0x55: {  	[tilespmem:$0x2350] =	vst v0  }
0x56: {  	[tilespmem:$0x2360] =	vst v0  }
0x57: {  	[tilespmem:$0x2370] =	vst v0  }
0x58: {  	[tilespmem:$0x2380] =	vst v0  }
0x59: {  	[tilespmem:$0x2390] =	vst v0  }
0x5a: {  	[tilespmem:$0x23A0] =	vst v0  }
0x5b: {  	[tilespmem:$0x23B0] =	vst v0  }
0x5c: {  	[tilespmem:$0x23C0] =	vst v0  }
0x5d: {  	[tilespmem:$0x23D0] =	vst v0  }
0x5e: {  	[tilespmem:$0x23E0] =	vst v0  }
0x5f: {  	[tilespmem:$0x23F0] =	vst v0  }
0x60: {  	[tilespmem:s10], [sflag:$0x1] =	stream.linear.gather [hbm4b:s11+s10], $0x2000, $0x38;
	[tilespmem:$0x2400] =	vst v63  }
0x61: {  	_ =	swait.ge [sflag:s5], $0x2000  }
0x62: {  	[sflag:s5] =	ssyncset.done $0x0  }
0x63: {  	s9 =	simm.s32 $0x0;
	s8 =	simm.s32 $0x40;
	[sflag:s5] =	ssyncadd.s32 $0xFFFFE000  }
.LBB2_2:
0x64: {  	p0 =	sne.s32 s8, $0x7FC0;
	v1 =	vld [tilespmem:s9+$0x0];
	_ =	sdelay $0x4  }
0x65: {  	v2 =	vmul.f32 $7.357589240e+00, v1;
	_ =	sdelay $0x1  }
0x66: {  	v2 =	vmin.f32 v2, $1.900000000e+01  }
0x67: {  	v2 =	vtrunc.f32 v2  }
0x68: {  	v2 =	vcvt.f32.s32 v2;
	_ =	sdelay $0x1  }
.Ltmp0:
0x69: {  	(pc) =	sbr.rel @p0 .LBB2_2-.Ltmp0, $2  }
0x6a: {  	_ =	sdelay $0x2  }
0x6b: {  	s9 =	sshra.s32 s8, $0x2;
	s8 =	sadd.s32 $0x40, s8;
	[tilespmem:v2+s6+$0x0] =	vst.idx.add.f32.msk $0xffff, v1  }
0x6c: {  	v1 =	vld [tilespmem:s9+$0x0];
	_ =	sdelay $0x4  }
0x6d: {  	v2 =	vmul.f32 $7.357589240e+00, v1;
	_ =	sdelay $0x1  }
0x6e: {  	v2 =	vmin.f32 v2, $1.900000000e+01  }
0x6f: {  	v2 =	vtrunc.f32 v2  }
0x70: {  	v2 =	vcvt.f32.s32 v2;
	_ =	sdelay $0x5  }
0x71: {  	s8 =	simm.s32 $0x0;
	[tilespmem:v2+s6+$0x0] =	vst.idx.add.f32.msk $0xffff, v1  }
0x72: {  	[tilespmem:s8], [sflag:$0x1] =	stream.linear.gather [hbm4b:s12+s8], $0x2000, $0x38;
	[tilespmem:$0x2400] =	vst v63  }
0x73: {  	_ =	swait.ge [sflag:s5], $0x2000  }
0x74: {  	[sflag:s5] =	ssyncset.done $0x0  }
0x75: {  	s9 =	simm.s32 $0x0;
	s8 =	simm.s32 $0x40;
	[sflag:s5] =	ssyncadd.s32 $0xFFFFE000  }
.LBB2_4:
0x76: {  	p0 =	sne.s32 s8, $0x7FC0;
	v1 =	vld [tilespmem:s9+$0x0];
	_ =	sdelay $0x4  }
0x77: {  	v2 =	vmul.f32 $7.357589240e+00, v1;
	_ =	sdelay $0x1  }
0x78: {  	v2 =	vmin.f32 v2, $1.900000000e+01  }
0x79: {  	v2 =	vtrunc.f32 v2  }
0x7a: {  	v2 =	vcvt.f32.s32 v2;
	_ =	sdelay $0x1  }
0x7b: {  	v2 =	vadd.s32 $0x40, v2  }
.Ltmp1:
0x7c: {  	(pc) =	sbr.rel @p0 .LBB2_4-.Ltmp1, $2  }
0x7d: {  	_ =	sdelay $0x2  }
0x7e: {  	s9 =	sshra.s32 s8, $0x2;
	s8 =	sadd.s32 $0x40, s8;
	[tilespmem:v2+s6+$0x0] =	vst.idx.add.f32.msk $0xffff, v1  }
0x7f: {  	v1 =	vld [tilespmem:s9+$0x0];
	_ =	sdelay $0x4  }
0x80: {  	v2 =	vmul.f32 $7.357589240e+00, v1;
	_ =	sdelay $0x1  }
0x81: {  	v2 =	vmin.f32 v2, $1.900000000e+01  }
0x82: {  	v2 =	vtrunc.f32 v2  }
0x83: {  	v2 =	vcvt.f32.s32 v2;
	_ =	sdelay $0x1  }
0x84: {  	v2 =	vadd.s32 $0x40, v2;
	_ =	sdelay $0x4  }
0x85: {  	s8 =	simm.s32 $0x0;
	[tilespmem:v2+s6+$0x0] =	vst.idx.add.f32.msk $0xffff, v1  }
0x86: {  	[tilespmem:s8], [sflag:$0x1] =	stream.linear.gather [hbm4b:s13+s8], $0x2000, $0x38;
	[tilespmem:$0x2400] =	vst v63  }
0x87: {  	_ =	swait.ge [sflag:s5], $0x2000  }
0x88: {  	[sflag:s5] =	ssyncset.done $0x0  }
0x89: {  	s9 =	simm.s32 $0x0;
	s8 =	simm.s32 $0x40;
	[sflag:s5] =	ssyncadd.s32 $0xFFFFE000  }
.LBB2_6:
0x8a: {  	p0 =	sne.s32 s8, $0x7FC0;
	v1 =	vld [tilespmem:s9+$0x0];
	_ =	sdelay $0x4  }
0x8b: {  	v2 =	vmul.f32 $7.357589240e+00, v1;
	_ =	sdelay $0x1  }
0x8c: {  	v2 =	vmin.f32 v2, $1.900000000e+01  }
0x8d: {  	v2 =	vtrunc.f32 v2  }
0x8e: {  	v2 =	vcvt.f32.s32 v2;
	_ =	sdelay $0x1  }
0x8f: {  	v2 =	vadd.s32 $0x80, v2  }
.Ltmp2:
0x90: {  	(pc) =	sbr.rel @p0 .LBB2_6-.Ltmp2, $2  }
0x91: {  	_ =	sdelay $0x2  }
0x92: {  	s9 =	sshra.s32 s8, $0x2;
	s8 =	sadd.s32 $0x40, s8;
	[tilespmem:v2+s6+$0x0] =	vst.idx.add.f32.msk $0xffff, v1  }
0x93: {  	v1 =	vld [tilespmem:s9+$0x0];
	_ =	sdelay $0x4  }
0x94: {  	v2 =	vmul.f32 $7.357589240e+00, v1;
	_ =	sdelay $0x1  }
0x95: {  	v2 =	vmin.f32 v2, $1.900000000e+01  }
0x96: {  	v2 =	vtrunc.f32 v2  }
0x97: {  	v2 =	vcvt.f32.s32 v2;
	_ =	sdelay $0x1  }
0x98: {  	v2 =	vadd.s32 $0x80, v2;
	_ =	sdelay $0x4  }
0x99: {  	s8 =	simm.s32 $0x0;
	[tilespmem:v2+s6+$0x0] =	vst.idx.add.f32.msk $0xffff, v1  }
0x9a: {  	[tilespmem:s8], [sflag:$0x1] =	stream.linear.gather [hbm4b:s14+s8], $0x2000, $0x38;
	[tilespmem:$0x2400] =	vst v63  }
0x9b: {  	_ =	swait.ge [sflag:s5], $0x2000  }
0x9c: {  	[sflag:s5] =	ssyncset.done $0x0  }
0x9d: {  	s9 =	simm.s32 $0x0;
	s8 =	simm.s32 $0x40;
	[sflag:s5] =	ssyncadd.s32 $0xFFFFE000  }
.LBB2_8:
0x9e: {  	p0 =	sne.s32 s8, $0x7FC0;
	v1 =	vld [tilespmem:s9+$0x0];
	_ =	sdelay $0x4  }
0x9f: {  	v2 =	vmul.f32 $7.357589240e+00, v1;
	_ =	sdelay $0x1  }
0xa0: {  	v2 =	vmin.f32 v2, $1.900000000e+01  }
0xa1: {  	v2 =	vtrunc.f32 v2  }
0xa2: {  	v2 =	vcvt.f32.s32 v2;
	_ =	sdelay $0x1  }
0xa3: {  	v2 =	vadd.s32 $0xC0, v2  }
.Ltmp3:
0xa4: {  	(pc) =	sbr.rel @p0 .LBB2_8-.Ltmp3, $2  }
0xa5: {  	_ =	sdelay $0x2  }
0xa6: {  	s9 =	sshra.s32 s8, $0x2;
	s8 =	sadd.s32 $0x40, s8;
	[tilespmem:v2+s6+$0x0] =	vst.idx.add.f32.msk $0xffff, v1  }
0xa7: {  	v1 =	vld [tilespmem:s9+$0x0];
	_ =	sdelay $0x4  }
0xa8: {  	v2 =	vmul.f32 $7.357589240e+00, v1;
	_ =	sdelay $0x1  }
0xa9: {  	v2 =	vmin.f32 v2, $1.900000000e+01  }
0xaa: {  	v2 =	vtrunc.f32 v2  }
0xab: {  	v2 =	vcvt.f32.s32 v2;
	_ =	sdelay $0x1  }
0xac: {  	v2 =	vadd.s32 $0xC0, v2;
	_ =	sdelay $0x4  }
0xad: {  	s8 =	simm.s32 $0x0;
	[tilespmem:v2+s6+$0x0] =	vst.idx.add.f32.msk $0xffff, v1  }
0xae: {  	[tilespmem:s8], [sflag:$0x1] =	stream.linear.gather [hbm4b:s15+s8], $0x2000, $0x38;
	[tilespmem:$0x2400] =	vst v63  }
0xaf: {  	_ =	swait.ge [sflag:s5], $0x2000  }
0xb0: {  	[sflag:s5] =	ssyncset.done $0x0  }
0xb1: {  	s9 =	simm.s32 $0x0;
	s8 =	simm.s32 $0x40;
	[sflag:s5] =	ssyncadd.s32 $0xFFFFE000  }
.LBB2_10:
0xb2: {  	p0 =	sne.s32 s8, $0x7FC0;
	v1 =	vld [tilespmem:s9+$0x0];
	_ =	sdelay $0x4  }
0xb3: {  	v2 =	vmul.f32 $7.357589240e+00, v1;
	_ =	sdelay $0x1  }
0xb4: {  	v2 =	vmin.f32 v2, $1.900000000e+01  }
0xb5: {  	v2 =	vtrunc.f32 v2  }
0xb6: {  	v2 =	vcvt.f32.s32 v2;
	_ =	sdelay $0x1  }
0xb7: {  	v2 =	vadd.s32 $0x100, v2  }
.Ltmp4:
0xb8: {  	(pc) =	sbr.rel @p0 .LBB2_10-.Ltmp4, $2  }
0xb9: {  	_ =	sdelay $0x2  }
0xba: {  	s9 =	sshra.s32 s8, $0x2;
	s8 =	sadd.s32 $0x40, s8;
	[tilespmem:v2+s6+$0x0] =	vst.idx.add.f32.msk $0xffff, v1  }
0xbb: {  	v1 =	vld [tilespmem:s9+$0x0];
	_ =	sdelay $0x4  }
0xbc: {  	v2 =	vmul.f32 $7.357589240e+00, v1;
	_ =	sdelay $0x1  }
0xbd: {  	v2 =	vmin.f32 v2, $1.900000000e+01  }
0xbe: {  	v2 =	vtrunc.f32 v2  }
0xbf: {  	v2 =	vcvt.f32.s32 v2;
	_ =	sdelay $0x1  }
0xc0: {  	v2 =	vadd.s32 $0x100, v2;
	_ =	sdelay $0x4  }
0xc1: {  	s8 =	simm.s32 $0x0;
	[tilespmem:v2+s6+$0x0] =	vst.idx.add.f32.msk $0xffff, v1  }
0xc2: {  	[tilespmem:s8], [sflag:$0x1] =	stream.linear.gather [hbm4b:s16+s8], $0x2000, $0x38;
	[tilespmem:$0x2400] =	vst v63  }
0xc3: {  	_ =	swait.ge [sflag:s5], $0x2000  }
0xc4: {  	[sflag:s5] =	ssyncset.done $0x0  }
0xc5: {  	s9 =	simm.s32 $0x0;
	s8 =	simm.s32 $0x40;
	[sflag:s5] =	ssyncadd.s32 $0xFFFFE000  }
.LBB2_12:
0xc6: {  	p0 =	sne.s32 s8, $0x7FC0;
	v1 =	vld [tilespmem:s9+$0x0];
	_ =	sdelay $0x4  }
0xc7: {  	v2 =	vmul.f32 $7.357589240e+00, v1;
	_ =	sdelay $0x1  }
0xc8: {  	v2 =	vmin.f32 v2, $1.900000000e+01  }
0xc9: {  	v2 =	vtrunc.f32 v2  }
0xca: {  	v2 =	vcvt.f32.s32 v2;
	_ =	sdelay $0x1  }
0xcb: {  	v2 =	vadd.s32 $0x140, v2  }
.Ltmp5:
0xcc: {  	(pc) =	sbr.rel @p0 .LBB2_12-.Ltmp5, $2  }
0xcd: {  	_ =	sdelay $0x2  }
0xce: {  	s9 =	sshra.s32 s8, $0x2;
	s8 =	sadd.s32 $0x40, s8;
	[tilespmem:v2+s6+$0x0] =	vst.idx.add.f32.msk $0xffff, v1  }
0xcf: {  	v1 =	vld [tilespmem:s9+$0x0];
	_ =	sdelay $0x4  }
0xd0: {  	v2 =	vmul.f32 $7.357589240e+00, v1;
	_ =	sdelay $0x1  }
0xd1: {  	v2 =	vmin.f32 v2, $1.900000000e+01  }
0xd2: {  	v2 =	vtrunc.f32 v2  }
0xd3: {  	v2 =	vcvt.f32.s32 v2;
	_ =	sdelay $0x1  }
0xd4: {  	v2 =	vadd.s32 $0x140, v2;
	_ =	sdelay $0x4  }
0xd5: {  	s8 =	simm.s32 $0x0;
	[tilespmem:v2+s6+$0x0] =	vst.idx.add.f32.msk $0xffff, v1  }
0xd6: {  	[tilespmem:s8], [sflag:$0x1] =	stream.linear.gather [hbm4b:s17+s8], $0x2000, $0x38;
	[tilespmem:$0x2400] =	vst v63  }
0xd7: {  	_ =	swait.ge [sflag:s5], $0x2000  }
0xd8: {  	[sflag:s5] =	ssyncset.done $0x0  }
0xd9: {  	s9 =	simm.s32 $0x0;
	s8 =	simm.s32 $0x40;
	[sflag:s5] =	ssyncadd.s32 $0xFFFFE000  }
.LBB2_14:
0xda: {  	p0 =	sne.s32 s8, $0x7FC0;
	v1 =	vld [tilespmem:s9+$0x0];
	_ =	sdelay $0x4  }
0xdb: {  	v2 =	vmul.f32 $7.357589240e+00, v1;
	_ =	sdelay $0x1  }
0xdc: {  	v2 =	vmin.f32 v2, $1.900000000e+01  }
0xdd: {  	v2 =	vtrunc.f32 v2  }
0xde: {  	v2 =	vcvt.f32.s32 v2;
	_ =	sdelay $0x1  }
0xdf: {  	v2 =	vadd.s32 $0x180, v2  }
.Ltmp6:
0xe0: {  	(pc) =	sbr.rel @p0 .LBB2_14-.Ltmp6, $2  }
0xe1: {  	_ =	sdelay $0x2  }
0xe2: {  	s9 =	sshra.s32 s8, $0x2;
	s8 =	sadd.s32 $0x40, s8;
	[tilespmem:v2+s6+$0x0] =	vst.idx.add.f32.msk $0xffff, v1  }
0xe3: {  	v1 =	vld [tilespmem:s9+$0x0];
	_ =	sdelay $0x4  }
0xe4: {  	v2 =	vmul.f32 $7.357589240e+00, v1;
	_ =	sdelay $0x1  }
0xe5: {  	v2 =	vmin.f32 v2, $1.900000000e+01  }
0xe6: {  	v2 =	vtrunc.f32 v2  }
0xe7: {  	v2 =	vcvt.f32.s32 v2;
	_ =	sdelay $0x1  }
0xe8: {  	v2 =	vadd.s32 $0x180, v2;
	_ =	sdelay $0x4  }
0xe9: {  	s8 =	simm.s32 $0x0;
	[tilespmem:v2+s6+$0x0] =	vst.idx.add.f32.msk $0xffff, v1  }
0xea: {  	[tilespmem:s8], [sflag:$0x1] =	stream.linear.gather [hbm4b:s18+s8], $0x2000, $0x38;
	[tilespmem:$0x2400] =	vst v63  }
0xeb: {  	_ =	swait.ge [sflag:s5], $0x2000  }
0xec: {  	[sflag:s5] =	ssyncset.done $0x0  }
0xed: {  	s9 =	simm.s32 $0x0;
	s8 =	simm.s32 $0x40;
	[sflag:s5] =	ssyncadd.s32 $0xFFFFE000  }
.LBB2_16:
0xee: {  	p0 =	sne.s32 s8, $0x7FC0;
	v1 =	vld [tilespmem:s9+$0x0];
	_ =	sdelay $0x4  }
0xef: {  	v2 =	vmul.f32 $7.357589240e+00, v1;
	_ =	sdelay $0x1  }
0xf0: {  	v2 =	vmin.f32 v2, $1.900000000e+01  }
0xf1: {  	v2 =	vtrunc.f32 v2  }
0xf2: {  	v2 =	vcvt.f32.s32 v2;
	_ =	sdelay $0x1  }
0xf3: {  	v2 =	vadd.s32 $0x1C0, v2  }
.Ltmp7:
0xf4: {  	(pc) =	sbr.rel @p0 .LBB2_16-.Ltmp7, $2  }
0xf5: {  	_ =	sdelay $0x2  }
0xf6: {  	s9 =	sshra.s32 s8, $0x2;
	s8 =	sadd.s32 $0x40, s8;
	[tilespmem:v2+s6+$0x0] =	vst.idx.add.f32.msk $0xffff, v1  }
0xf7: {  	v1 =	vld [tilespmem:s9+$0x0];
	_ =	sdelay $0x4  }
0xf8: {  	v2 =	vmul.f32 $7.357589240e+00, v1;
	_ =	sdelay $0x1  }
0xf9: {  	v2 =	vmin.f32 v2, $1.900000000e+01  }
0xfa: {  	v2 =	vtrunc.f32 v2  }
0xfb: {  	v2 =	vcvt.f32.s32 v2;
	_ =	sdelay $0x1  }
0xfc: {  	v2 =	vadd.s32 $0x1C0, v2;
	_ =	sdelay $0x4  }
0xfd: {  	s8 =	simm.s32 $0x0;
	[tilespmem:v2+s6+$0x0] =	vst.idx.add.f32.msk $0xffff, v1  }
0xfe: {  	[tilespmem:s8], [sflag:$0x1] =	stream.linear.gather [hbm4b:s19+s8], $0x2000, $0x38;
	[tilespmem:$0x2400] =	vst v63  }
0xff: {  	_ =	swait.ge [sflag:s5], $0x2000  }
0x100: {  	[sflag:s5] =	ssyncset.done $0x0  }
0x101: {  	s9 =	simm.s32 $0x0;
	s8 =	simm.s32 $0x40;
	[sflag:s5] =	ssyncadd.s32 $0xFFFFE000  }
.LBB2_18:
0x102: {  	p0 =	sne.s32 s8, $0x7FC0;
	v1 =	vld [tilespmem:s9+$0x0];
	_ =	sdelay $0x4  }
0x103: {  	v2 =	vmul.f32 $7.357589240e+00, v1;
	_ =	sdelay $0x1  }
0x104: {  	v2 =	vmin.f32 v2, $1.900000000e+01  }
0x105: {  	v2 =	vtrunc.f32 v2  }
0x106: {  	v2 =	vcvt.f32.s32 v2;
	_ =	sdelay $0x1  }
0x107: {  	v2 =	vadd.s32 $0x200, v2  }
.Ltmp8:
0x108: {  	(pc) =	sbr.rel @p0 .LBB2_18-.Ltmp8, $2  }
0x109: {  	_ =	sdelay $0x2  }
0x10a: {  	s9 =	sshra.s32 s8, $0x2;
	s8 =	sadd.s32 $0x40, s8;
	[tilespmem:v2+s6+$0x0] =	vst.idx.add.f32.msk $0xffff, v1  }
0x10b: {  	v1 =	vld [tilespmem:s9+$0x0];
	_ =	sdelay $0x4  }
0x10c: {  	v2 =	vmul.f32 $7.357589240e+00, v1;
	_ =	sdelay $0x1  }
0x10d: {  	v2 =	vmin.f32 v2, $1.900000000e+01  }
0x10e: {  	v2 =	vtrunc.f32 v2  }
0x10f: {  	v2 =	vcvt.f32.s32 v2;
	_ =	sdelay $0x1  }
0x110: {  	v2 =	vadd.s32 $0x200, v2;
	_ =	sdelay $0x4  }
0x111: {  	s8 =	simm.s32 $0x0;
	[tilespmem:v2+s6+$0x0] =	vst.idx.add.f32.msk $0xffff, v1  }
0x112: {  	[tilespmem:s8], [sflag:$0x1] =	stream.linear.gather [hbm4b:s20+s8], $0x2000, $0x38;
	[tilespmem:$0x2400] =	vst v63  }
0x113: {  	_ =	swait.ge [sflag:s5], $0x2000  }
0x114: {  	[sflag:s5] =	ssyncset.done $0x0  }
0x115: {  	s9 =	simm.s32 $0x0;
	s8 =	simm.s32 $0x40;
	[sflag:s5] =	ssyncadd.s32 $0xFFFFE000  }
.LBB2_20:
0x116: {  	p0 =	sne.s32 s8, $0x7FC0;
	v1 =	vld [tilespmem:s9+$0x0];
	_ =	sdelay $0x4  }
0x117: {  	v2 =	vmul.f32 $7.357589240e+00, v1;
	_ =	sdelay $0x1  }
0x118: {  	v2 =	vmin.f32 v2, $1.900000000e+01  }
0x119: {  	v2 =	vtrunc.f32 v2  }
0x11a: {  	v2 =	vcvt.f32.s32 v2;
	_ =	sdelay $0x1  }
0x11b: {  	v2 =	vadd.s32 $0x240, v2  }
.Ltmp9:
0x11c: {  	(pc) =	sbr.rel @p0 .LBB2_20-.Ltmp9, $2  }
0x11d: {  	_ =	sdelay $0x2  }
0x11e: {  	s9 =	sshra.s32 s8, $0x2;
	s8 =	sadd.s32 $0x40, s8;
	[tilespmem:v2+s6+$0x0] =	vst.idx.add.f32.msk $0xffff, v1  }
0x11f: {  	v1 =	vld [tilespmem:s9+$0x0];
	_ =	sdelay $0x4  }
0x120: {  	v2 =	vmul.f32 $7.357589240e+00, v1;
	_ =	sdelay $0x1  }
0x121: {  	v2 =	vmin.f32 v2, $1.900000000e+01  }
0x122: {  	v2 =	vtrunc.f32 v2  }
0x123: {  	v2 =	vcvt.f32.s32 v2;
	_ =	sdelay $0x1  }
0x124: {  	v2 =	vadd.s32 $0x240, v2;
	_ =	sdelay $0x4  }
0x125: {  	s8 =	simm.s32 $0x0;
	[tilespmem:v2+s6+$0x0] =	vst.idx.add.f32.msk $0xffff, v1  }
0x126: {  	[tilespmem:s8], [sflag:$0x1] =	stream.linear.gather [hbm4b:s21+s8], $0x2000, $0x38;
	[tilespmem:$0x2400] =	vst v63  }
0x127: {  	_ =	swait.ge [sflag:s5], $0x2000  }
0x128: {  	[sflag:s5] =	ssyncset.done $0x0  }
0x129: {  	s9 =	simm.s32 $0x0;
	s8 =	simm.s32 $0x40;
	[sflag:s5] =	ssyncadd.s32 $0xFFFFE000  }
.LBB2_22:
0x12a: {  	p0 =	sne.s32 s8, $0x7FC0;
	v1 =	vld [tilespmem:s9+$0x0];
	_ =	sdelay $0x4  }
0x12b: {  	v2 =	vmul.f32 $7.357589240e+00, v1;
	_ =	sdelay $0x1  }
0x12c: {  	v2 =	vmin.f32 v2, $1.900000000e+01  }
0x12d: {  	v2 =	vtrunc.f32 v2  }
0x12e: {  	v2 =	vcvt.f32.s32 v2;
	_ =	sdelay $0x1  }
0x12f: {  	v2 =	vadd.s32 $0x280, v2  }
.Ltmp10:
0x130: {  	(pc) =	sbr.rel @p0 .LBB2_22-.Ltmp10, $2  }
0x131: {  	_ =	sdelay $0x2  }
0x132: {  	s9 =	sshra.s32 s8, $0x2;
	s8 =	sadd.s32 $0x40, s8;
	[tilespmem:v2+s6+$0x0] =	vst.idx.add.f32.msk $0xffff, v1  }
0x133: {  	v1 =	vld [tilespmem:s9+$0x0];
	_ =	sdelay $0x4  }
0x134: {  	v2 =	vmul.f32 $7.357589240e+00, v1;
	_ =	sdelay $0x1  }
0x135: {  	v2 =	vmin.f32 v2, $1.900000000e+01  }
0x136: {  	v2 =	vtrunc.f32 v2  }
0x137: {  	v2 =	vcvt.f32.s32 v2;
	_ =	sdelay $0x1  }
0x138: {  	v2 =	vadd.s32 $0x280, v2;
	_ =	sdelay $0x4  }
0x139: {  	s8 =	simm.s32 $0x0;
	[tilespmem:v2+s6+$0x0] =	vst.idx.add.f32.msk $0xffff, v1  }
0x13a: {  	[tilespmem:s8], [sflag:$0x1] =	stream.linear.gather [hbm4b:s22+s8], $0x2000, $0x38;
	[tilespmem:$0x2400] =	vst v63  }
0x13b: {  	_ =	swait.ge [sflag:s5], $0x2000  }
0x13c: {  	[sflag:s5] =	ssyncset.done $0x0  }
0x13d: {  	s9 =	simm.s32 $0x0;
	s8 =	simm.s32 $0x40;
	[sflag:s5] =	ssyncadd.s32 $0xFFFFE000  }
.LBB2_24:
0x13e: {  	p0 =	sne.s32 s8, $0x7FC0;
	v1 =	vld [tilespmem:s9+$0x0];
	_ =	sdelay $0x4  }
0x13f: {  	v2 =	vmul.f32 $7.357589240e+00, v1;
	_ =	sdelay $0x1  }
0x140: {  	v2 =	vmin.f32 v2, $1.900000000e+01  }
0x141: {  	v2 =	vtrunc.f32 v2  }
0x142: {  	v2 =	vcvt.f32.s32 v2;
	_ =	sdelay $0x1  }
0x143: {  	v2 =	vadd.s32 $0x2C0, v2  }
.Ltmp11:
0x144: {  	(pc) =	sbr.rel @p0 .LBB2_24-.Ltmp11, $2  }
0x145: {  	_ =	sdelay $0x2  }
0x146: {  	s9 =	sshra.s32 s8, $0x2;
	s8 =	sadd.s32 $0x40, s8;
	[tilespmem:v2+s6+$0x0] =	vst.idx.add.f32.msk $0xffff, v1  }
0x147: {  	v1 =	vld [tilespmem:s9+$0x0];
	_ =	sdelay $0x4  }
0x148: {  	v2 =	vmul.f32 $7.357589240e+00, v1;
	_ =	sdelay $0x1  }
0x149: {  	v2 =	vmin.f32 v2, $1.900000000e+01  }
0x14a: {  	v2 =	vtrunc.f32 v2  }
0x14b: {  	v2 =	vcvt.f32.s32 v2;
	_ =	sdelay $0x1  }
0x14c: {  	v2 =	vadd.s32 $0x2C0, v2;
	_ =	sdelay $0x4  }
0x14d: {  	s8 =	simm.s32 $0x0;
	[tilespmem:v2+s6+$0x0] =	vst.idx.add.f32.msk $0xffff, v1  }
0x14e: {  	[tilespmem:s8], [sflag:$0x1] =	stream.linear.gather [hbm4b:s23+s8], $0x2000, $0x38;
	[tilespmem:$0x2400] =	vst v63  }
0x14f: {  	_ =	swait.ge [sflag:s5], $0x2000  }
0x150: {  	[sflag:s5] =	ssyncset.done $0x0  }
0x151: {  	s9 =	simm.s32 $0x0;
	s8 =	simm.s32 $0x40;
	[sflag:s5] =	ssyncadd.s32 $0xFFFFE000  }
.LBB2_26:
0x152: {  	p0 =	sne.s32 s8, $0x7FC0;
	v1 =	vld [tilespmem:s9+$0x0];
	_ =	sdelay $0x4  }
0x153: {  	v2 =	vmul.f32 $7.357589240e+00, v1;
	_ =	sdelay $0x1  }
0x154: {  	v2 =	vmin.f32 v2, $1.900000000e+01  }
0x155: {  	v2 =	vtrunc.f32 v2  }
0x156: {  	v2 =	vcvt.f32.s32 v2;
	_ =	sdelay $0x1  }
0x157: {  	v2 =	vadd.s32 $0x300, v2  }
.Ltmp12:
0x158: {  	(pc) =	sbr.rel @p0 .LBB2_26-.Ltmp12, $2  }
0x159: {  	_ =	sdelay $0x2  }
0x15a: {  	s9 =	sshra.s32 s8, $0x2;
	s8 =	sadd.s32 $0x40, s8;
	[tilespmem:v2+s6+$0x0] =	vst.idx.add.f32.msk $0xffff, v1  }
0x15b: {  	v1 =	vld [tilespmem:s9+$0x0];
	_ =	sdelay $0x4  }
0x15c: {  	v2 =	vmul.f32 $7.357589240e+00, v1;
	_ =	sdelay $0x1  }
0x15d: {  	v2 =	vmin.f32 v2, $1.900000000e+01  }
0x15e: {  	v2 =	vtrunc.f32 v2  }
0x15f: {  	v2 =	vcvt.f32.s32 v2;
	_ =	sdelay $0x1  }
0x160: {  	v2 =	vadd.s32 $0x300, v2;
	_ =	sdelay $0x4  }
0x161: {  	s8 =	simm.s32 $0x0;
	[tilespmem:v2+s6+$0x0] =	vst.idx.add.f32.msk $0xffff, v1  }
0x162: {  	[tilespmem:s8], [sflag:$0x1] =	stream.linear.gather [hbm4b:s29+s8], $0x2000, $0x38;
	[tilespmem:$0x2400] =	vst v63  }
0x163: {  	_ =	swait.ge [sflag:s5], $0x2000  }
0x164: {  	[sflag:s5] =	ssyncset.done $0x0  }
0x165: {  	s9 =	simm.s32 $0x0;
	s8 =	simm.s32 $0x40;
	[sflag:s5] =	ssyncadd.s32 $0xFFFFE000  }
.LBB2_28:
0x166: {  	p0 =	sne.s32 s8, $0x7FC0;
	v1 =	vld [tilespmem:s9+$0x0];
	_ =	sdelay $0x4  }
0x167: {  	v2 =	vmul.f32 $7.357589240e+00, v1;
	_ =	sdelay $0x1  }
0x168: {  	v2 =	vmin.f32 v2, $1.900000000e+01  }
0x169: {  	v2 =	vtrunc.f32 v2  }
0x16a: {  	v2 =	vcvt.f32.s32 v2;
	_ =	sdelay $0x1  }
0x16b: {  	v2 =	vadd.s32 $0x340, v2  }
.Ltmp13:
0x16c: {  	(pc) =	sbr.rel @p0 .LBB2_28-.Ltmp13, $2  }
0x16d: {  	_ =	sdelay $0x2  }
0x16e: {  	s9 =	sshra.s32 s8, $0x2;
	s8 =	sadd.s32 $0x40, s8;
	[tilespmem:v2+s6+$0x0] =	vst.idx.add.f32.msk $0xffff, v1  }
0x16f: {  	v1 =	vld [tilespmem:s9+$0x0];
	_ =	sdelay $0x4  }
0x170: {  	v2 =	vmul.f32 $7.357589240e+00, v1;
	_ =	sdelay $0x1  }
0x171: {  	v2 =	vmin.f32 v2, $1.900000000e+01  }
0x172: {  	v2 =	vtrunc.f32 v2  }
0x173: {  	v2 =	vcvt.f32.s32 v2;
	_ =	sdelay $0x1  }
0x174: {  	v2 =	vadd.s32 $0x340, v2;
	_ =	sdelay $0x4  }
0x175: {  	s8 =	simm.s32 $0x0;
	s9 =	rddreg [dreg:$0x2];
	[tilespmem:v2+s6+$0x0] =	vst.idx.add.f32.msk $0xffff, v1  }
0x176: {  	[tilespmem:s8], [sflag:$0x1] =	stream.linear.gather [hbm4b:s9+s8], $0x2000, $0x38;
	[tilespmem:$0x2400] =	vst v63  }
0x177: {  	_ =	swait.ge [sflag:s5], $0x2000  }
0x178: {  	[sflag:s5] =	ssyncset.done $0x0  }
0x179: {  	s9 =	simm.s32 $0x0;
	s8 =	simm.s32 $0x40;
	[sflag:s5] =	ssyncadd.s32 $0xFFFFE000  }
.LBB2_30:
0x17a: {  	p0 =	sne.s32 s8, $0x7FC0;
	v1 =	vld [tilespmem:s9+$0x0];
	_ =	sdelay $0x4  }
0x17b: {  	v2 =	vmul.f32 $7.357589240e+00, v1;
	_ =	sdelay $0x1  }
0x17c: {  	v2 =	vmin.f32 v2, $1.900000000e+01  }
0x17d: {  	v2 =	vtrunc.f32 v2  }
0x17e: {  	v2 =	vcvt.f32.s32 v2;
	_ =	sdelay $0x1  }
0x17f: {  	v2 =	vadd.s32 $0x380, v2  }
.Ltmp14:
0x180: {  	(pc) =	sbr.rel @p0 .LBB2_30-.Ltmp14, $2  }
0x181: {  	_ =	sdelay $0x2  }
0x182: {  	s9 =	sshra.s32 s8, $0x2;
	s8 =	sadd.s32 $0x40, s8;
	[tilespmem:v2+s6+$0x0] =	vst.idx.add.f32.msk $0xffff, v1  }
0x183: {  	v1 =	vld [tilespmem:s9+$0x0];
	_ =	sdelay $0x4  }
0x184: {  	v2 =	vmul.f32 $7.357589240e+00, v1;
	_ =	sdelay $0x1  }
0x185: {  	v2 =	vmin.f32 v2, $1.900000000e+01  }
0x186: {  	v2 =	vtrunc.f32 v2  }
0x187: {  	v2 =	vcvt.f32.s32 v2;
	_ =	sdelay $0x1  }
0x188: {  	v2 =	vadd.s32 $0x380, v2;
	_ =	sdelay $0x4  }
0x189: {  	s8 =	simm.s32 $0x0;
	s9 =	rddreg [dreg:$0x3];
	[tilespmem:v2+s6+$0x0] =	vst.idx.add.f32.msk $0xffff, v1  }
0x18a: {  	[tilespmem:s8], [sflag:$0x1] =	stream.linear.gather [hbm4b:s9+s8], $0x2000, $0x38;
	[tilespmem:$0x2400] =	vst v63  }
0x18b: {  	_ =	swait.ge [sflag:s5], $0x2000  }
0x18c: {  	[sflag:s5] =	ssyncset.done $0x0  }
0x18d: {  	s9 =	simm.s32 $0x0;
	s8 =	simm.s32 $0x40;
	[sflag:s5] =	ssyncadd.s32 $0xFFFFE000  }
.LBB2_32:
0x18e: {  	p0 =	sne.s32 s8, $0x7FC0;
	v1 =	vld [tilespmem:s9+$0x0];
	_ =	sdelay $0x4  }
0x18f: {  	v2 =	vmul.f32 $7.357589240e+00, v1;
	_ =	sdelay $0x1  }
0x190: {  	v2 =	vmin.f32 v2, $1.900000000e+01  }
0x191: {  	v2 =	vtrunc.f32 v2  }
0x192: {  	v2 =	vcvt.f32.s32 v2;
	_ =	sdelay $0x1  }
0x193: {  	v2 =	vadd.s32 $0x3C0, v2  }
.Ltmp15:
0x194: {  	(pc) =	sbr.rel @p0 .LBB2_32-.Ltmp15, $2  }
0x195: {  	_ =	sdelay $0x2  }
0x196: {  	s9 =	sshra.s32 s8, $0x2;
	s8 =	sadd.s32 $0x40, s8;
	[tilespmem:v2+s6+$0x0] =	vst.idx.add.f32.msk $0xffff, v1  }
0x197: {  	v1 =	vld [tilespmem:s9+$0x0];
	_ =	sdelay $0x4  }
0x198: {  	v2 =	vmul.f32 $7.357589240e+00, v1;
	_ =	sdelay $0x1  }
0x199: {  	v2 =	vmin.f32 v2, $1.900000000e+01  }
0x19a: {  	v2 =	vtrunc.f32 v2  }
0x19b: {  	v2 =	vcvt.f32.s32 v2;
	_ =	sdelay $0x1  }
0x19c: {  	v2 =	vadd.s32 $0x3C0, v2;
	_ =	sdelay $0x4  }
0x19d: {  	s8 =	simm.s32 $0x0;
	s9 =	rddreg [dreg:$0x4];
	[tilespmem:v2+s6+$0x0] =	vst.idx.add.f32.msk $0xffff, v1  }
0x19e: {  	[tilespmem:s8], [sflag:$0x1] =	stream.linear.gather [hbm4b:s9+s8], $0x2000, $0x38;
	[tilespmem:$0x2400] =	vst v63  }
0x19f: {  	_ =	swait.ge [sflag:s5], $0x2000  }
0x1a0: {  	[sflag:s5] =	ssyncset.done $0x0  }
0x1a1: {  	s9 =	simm.s32 $0x0;
	s8 =	simm.s32 $0x40;
	[sflag:s5] =	ssyncadd.s32 $0xFFFFE000  }
.LBB2_34:
0x1a2: {  	p0 =	sne.s32 s8, $0x7FC0;
	v1 =	vld [tilespmem:s9+$0x0];
	_ =	sdelay $0x4  }
0x1a3: {  	v2 =	vmul.f32 $7.357589240e+00, v1;
	_ =	sdelay $0x1  }
0x1a4: {  	v2 =	vmin.f32 v2, $1.900000000e+01  }
0x1a5: {  	v2 =	vtrunc.f32 v2  }
0x1a6: {  	v2 =	vcvt.f32.s32 v2;
	_ =	sdelay $0x1  }
0x1a7: {  	v2 =	vadd.s32 $0x20, v2  }
.Ltmp16:
0x1a8: {  	(pc) =	sbr.rel @p0 .LBB2_34-.Ltmp16, $2  }
0x1a9: {  	_ =	sdelay $0x2  }
0x1aa: {  	s9 =	sshra.s32 s8, $0x2;
	s8 =	sadd.s32 $0x40, s8;
	[tilespmem:v2+s6+$0x0] =	vst.idx.add.f32.msk $0xffff, v1  }
0x1ab: {  	v1 =	vld [tilespmem:s9+$0x0];
	_ =	sdelay $0x4  }
0x1ac: {  	v2 =	vmul.f32 $7.357589240e+00, v1;
	_ =	sdelay $0x1  }
0x1ad: {  	v2 =	vmin.f32 v2, $1.900000000e+01  }
0x1ae: {  	v2 =	vtrunc.f32 v2  }
0x1af: {  	v2 =	vcvt.f32.s32 v2;
	_ =	sdelay $0x1  }
0x1b0: {  	v2 =	vadd.s32 $0x20, v2;
	_ =	sdelay $0x4  }
0x1b1: {  	s8 =	simm.s32 $0x0;
	s9 =	rddreg [dreg:$0x5];
	[tilespmem:v2+s6+$0x0] =	vst.idx.add.f32.msk $0xffff, v1  }
0x1b2: {  	[tilespmem:s8], [sflag:$0x1] =	stream.linear.gather [hbm4b:s9+s8], $0x2000, $0x38;
	[tilespmem:$0x2400] =	vst v63  }
0x1b3: {  	_ =	swait.ge [sflag:s5], $0x2000  }
0x1b4: {  	[sflag:s5] =	ssyncset.done $0x0  }
0x1b5: {  	s9 =	simm.s32 $0x0;
	s8 =	simm.s32 $0x40;
	[sflag:s5] =	ssyncadd.s32 $0xFFFFE000  }
.LBB2_36:
0x1b6: {  	p0 =	sne.s32 s8, $0x7FC0;
	v1 =	vld [tilespmem:s9+$0x0];
	_ =	sdelay $0x4  }
0x1b7: {  	v2 =	vmul.f32 $7.357589240e+00, v1;
	_ =	sdelay $0x1  }
0x1b8: {  	v2 =	vmin.f32 v2, $1.900000000e+01  }
0x1b9: {  	v2 =	vtrunc.f32 v2  }
0x1ba: {  	v2 =	vcvt.f32.s32 v2;
	_ =	sdelay $0x1  }
0x1bb: {  	v2 =	vadd.s32 $0x60, v2  }
.Ltmp17:
0x1bc: {  	(pc) =	sbr.rel @p0 .LBB2_36-.Ltmp17, $2  }
0x1bd: {  	_ =	sdelay $0x2  }
0x1be: {  	s9 =	sshra.s32 s8, $0x2;
	s8 =	sadd.s32 $0x40, s8;
	[tilespmem:v2+s6+$0x0] =	vst.idx.add.f32.msk $0xffff, v1  }
0x1bf: {  	v1 =	vld [tilespmem:s9+$0x0];
	_ =	sdelay $0x4  }
0x1c0: {  	v2 =	vmul.f32 $7.357589240e+00, v1;
	_ =	sdelay $0x1  }
0x1c1: {  	v2 =	vmin.f32 v2, $1.900000000e+01  }
0x1c2: {  	v2 =	vtrunc.f32 v2  }
0x1c3: {  	v2 =	vcvt.f32.s32 v2;
	_ =	sdelay $0x1  }
0x1c4: {  	v2 =	vadd.s32 $0x60, v2;
	_ =	sdelay $0x4  }
0x1c5: {  	s8 =	simm.s32 $0x0;
	s9 =	rddreg [dreg:$0x6];
	[tilespmem:v2+s6+$0x0] =	vst.idx.add.f32.msk $0xffff, v1  }
0x1c6: {  	[tilespmem:s8], [sflag:$0x1] =	stream.linear.gather [hbm4b:s9+s8], $0x2000, $0x38;
	[tilespmem:$0x2400] =	vst v63  }
0x1c7: {  	_ =	swait.ge [sflag:s5], $0x2000  }
0x1c8: {  	[sflag:s5] =	ssyncset.done $0x0  }
0x1c9: {  	s9 =	simm.s32 $0x0;
	s8 =	simm.s32 $0x40;
	[sflag:s5] =	ssyncadd.s32 $0xFFFFE000  }
.LBB2_38:
0x1ca: {  	p0 =	sne.s32 s8, $0x7FC0;
	v1 =	vld [tilespmem:s9+$0x0];
	_ =	sdelay $0x4  }
0x1cb: {  	v2 =	vmul.f32 $7.357589240e+00, v1;
	_ =	sdelay $0x1  }
0x1cc: {  	v2 =	vmin.f32 v2, $1.900000000e+01  }
0x1cd: {  	v2 =	vtrunc.f32 v2  }
0x1ce: {  	v2 =	vcvt.f32.s32 v2;
	_ =	sdelay $0x1  }
0x1cf: {  	v2 =	vadd.s32 $0xA0, v2  }
.Ltmp18:
0x1d0: {  	(pc) =	sbr.rel @p0 .LBB2_38-.Ltmp18, $2  }
0x1d1: {  	_ =	sdelay $0x2  }
0x1d2: {  	s9 =	sshra.s32 s8, $0x2;
	s8 =	sadd.s32 $0x40, s8;
	[tilespmem:v2+s6+$0x0] =	vst.idx.add.f32.msk $0xffff, v1  }
0x1d3: {  	v1 =	vld [tilespmem:s9+$0x0];
	_ =	sdelay $0x4  }
0x1d4: {  	v2 =	vmul.f32 $7.357589240e+00, v1;
	_ =	sdelay $0x1  }
0x1d5: {  	v2 =	vmin.f32 v2, $1.900000000e+01  }
0x1d6: {  	v2 =	vtrunc.f32 v2  }
0x1d7: {  	v2 =	vcvt.f32.s32 v2;
	_ =	sdelay $0x1  }
0x1d8: {  	v2 =	vadd.s32 $0xA0, v2;
	_ =	sdelay $0x4  }
0x1d9: {  	s8 =	simm.s32 $0x0;
	s9 =	rddreg [dreg:$0x7];
	[tilespmem:v2+s6+$0x0] =	vst.idx.add.f32.msk $0xffff, v1  }
0x1da: {  	[tilespmem:s8], [sflag:$0x1] =	stream.linear.gather [hbm4b:s9+s8], $0x2000, $0x38;
	[tilespmem:$0x2400] =	vst v63  }
0x1db: {  	_ =	swait.ge [sflag:s5], $0x2000  }
0x1dc: {  	[sflag:s5] =	ssyncset.done $0x0  }
0x1dd: {  	s9 =	simm.s32 $0x0;
	s8 =	simm.s32 $0x40;
	[sflag:s5] =	ssyncadd.s32 $0xFFFFE000  }
.LBB2_40:
0x1de: {  	p0 =	sne.s32 s8, $0x7FC0;
	v1 =	vld [tilespmem:s9+$0x0];
	_ =	sdelay $0x4  }
0x1df: {  	v2 =	vmul.f32 $7.357589240e+00, v1;
	_ =	sdelay $0x1  }
0x1e0: {  	v2 =	vmin.f32 v2, $1.900000000e+01  }
0x1e1: {  	v2 =	vtrunc.f32 v2  }
0x1e2: {  	v2 =	vcvt.f32.s32 v2;
	_ =	sdelay $0x1  }
0x1e3: {  	v2 =	vadd.s32 $0xE0, v2  }
.Ltmp19:
0x1e4: {  	(pc) =	sbr.rel @p0 .LBB2_40-.Ltmp19, $2  }
0x1e5: {  	_ =	sdelay $0x2  }
0x1e6: {  	s9 =	sshra.s32 s8, $0x2;
	s8 =	sadd.s32 $0x40, s8;
	[tilespmem:v2+s6+$0x0] =	vst.idx.add.f32.msk $0xffff, v1  }
0x1e7: {  	v1 =	vld [tilespmem:s9+$0x0];
	_ =	sdelay $0x4  }
0x1e8: {  	v2 =	vmul.f32 $7.357589240e+00, v1;
	_ =	sdelay $0x1  }
0x1e9: {  	v2 =	vmin.f32 v2, $1.900000000e+01  }
0x1ea: {  	v2 =	vtrunc.f32 v2  }
0x1eb: {  	v2 =	vcvt.f32.s32 v2;
	_ =	sdelay $0x1  }
0x1ec: {  	v2 =	vadd.s32 $0xE0, v2;
	_ =	sdelay $0x4  }
0x1ed: {  	s8 =	simm.s32 $0x0;
	s9 =	rddreg [dreg:$0x8];
	[tilespmem:v2+s6+$0x0] =	vst.idx.add.f32.msk $0xffff, v1  }
0x1ee: {  	[tilespmem:s8], [sflag:$0x1] =	stream.linear.gather [hbm4b:s9+s8], $0x2000, $0x38;
	[tilespmem:$0x2400] =	vst v63  }
0x1ef: {  	_ =	swait.ge [sflag:s5], $0x2000  }
0x1f0: {  	[sflag:s5] =	ssyncset.done $0x0  }
0x1f1: {  	s9 =	simm.s32 $0x0;
	s8 =	simm.s32 $0x40;
	[sflag:s5] =	ssyncadd.s32 $0xFFFFE000  }
.LBB2_42:
0x1f2: {  	p0 =	sne.s32 s8, $0x7FC0;
	v1 =	vld [tilespmem:s9+$0x0];
	_ =	sdelay $0x4  }
0x1f3: {  	v2 =	vmul.f32 $7.357589240e+00, v1;
	_ =	sdelay $0x1  }
0x1f4: {  	v2 =	vmin.f32 v2, $1.900000000e+01  }
0x1f5: {  	v2 =	vtrunc.f32 v2  }
0x1f6: {  	v2 =	vcvt.f32.s32 v2;
	_ =	sdelay $0x1  }
0x1f7: {  	v2 =	vadd.s32 $0x120, v2  }
.Ltmp20:
0x1f8: {  	(pc) =	sbr.rel @p0 .LBB2_42-.Ltmp20, $2  }
0x1f9: {  	_ =	sdelay $0x2  }
0x1fa: {  	s9 =	sshra.s32 s8, $0x2;
	s8 =	sadd.s32 $0x40, s8;
	[tilespmem:v2+s6+$0x0] =	vst.idx.add.f32.msk $0xffff, v1  }
0x1fb: {  	v1 =	vld [tilespmem:s9+$0x0];
	_ =	sdelay $0x4  }
0x1fc: {  	v2 =	vmul.f32 $7.357589240e+00, v1;
	_ =	sdelay $0x1  }
0x1fd: {  	v2 =	vmin.f32 v2, $1.900000000e+01  }
0x1fe: {  	v2 =	vtrunc.f32 v2  }
0x1ff: {  	v2 =	vcvt.f32.s32 v2;
	_ =	sdelay $0x1  }
0x200: {  	v2 =	vadd.s32 $0x120, v2;
	_ =	sdelay $0x4  }
0x201: {  	s8 =	simm.s32 $0x0;
	s9 =	rddreg [dreg:$0x9];
	[tilespmem:v2+s6+$0x0] =	vst.idx.add.f32.msk $0xffff, v1  }
0x202: {  	[tilespmem:s8], [sflag:$0x1] =	stream.linear.gather [hbm4b:s9+s8], $0x2000, $0x38;
	[tilespmem:$0x2400] =	vst v63  }
0x203: {  	_ =	swait.ge [sflag:s5], $0x2000  }
0x204: {  	[sflag:s5] =	ssyncset.done $0x0  }
0x205: {  	s9 =	simm.s32 $0x0;
	s8 =	simm.s32 $0x40;
	[sflag:s5] =	ssyncadd.s32 $0xFFFFE000  }
.LBB2_44:
0x206: {  	p0 =	sne.s32 s8, $0x7FC0;
	v1 =	vld [tilespmem:s9+$0x0];
	_ =	sdelay $0x4  }
0x207: {  	v2 =	vmul.f32 $7.357589240e+00, v1;
	_ =	sdelay $0x1  }
0x208: {  	v2 =	vmin.f32 v2, $1.900000000e+01  }
0x209: {  	v2 =	vtrunc.f32 v2  }
0x20a: {  	v2 =	vcvt.f32.s32 v2;
	_ =	sdelay $0x1  }
0x20b: {  	v2 =	vadd.s32 $0x160, v2  }
.Ltmp21:
0x20c: {  	(pc) =	sbr.rel @p0 .LBB2_44-.Ltmp21, $2  }
0x20d: {  	_ =	sdelay $0x2  }
0x20e: {  	s9 =	sshra.s32 s8, $0x2;
	s8 =	sadd.s32 $0x40, s8;
	[tilespmem:v2+s6+$0x0] =	vst.idx.add.f32.msk $0xffff, v1  }
0x20f: {  	v1 =	vld [tilespmem:s9+$0x0];
	_ =	sdelay $0x4  }
0x210: {  	v2 =	vmul.f32 $7.357589240e+00, v1;
	_ =	sdelay $0x1  }
0x211: {  	v2 =	vmin.f32 v2, $1.900000000e+01  }
0x212: {  	v2 =	vtrunc.f32 v2  }
0x213: {  	v2 =	vcvt.f32.s32 v2;
	_ =	sdelay $0x1  }
0x214: {  	v2 =	vadd.s32 $0x160, v2;
	_ =	sdelay $0x4  }
0x215: {  	s8 =	simm.s32 $0x0;
	s9 =	rddreg [dreg:$0xa];
	[tilespmem:v2+s6+$0x0] =	vst.idx.add.f32.msk $0xffff, v1  }
0x216: {  	[tilespmem:s8], [sflag:$0x1] =	stream.linear.gather [hbm4b:s9+s8], $0x2000, $0x38;
	[tilespmem:$0x2400] =	vst v63  }
0x217: {  	_ =	swait.ge [sflag:s5], $0x2000  }
0x218: {  	[sflag:s5] =	ssyncset.done $0x0  }
0x219: {  	s9 =	simm.s32 $0x0;
	s8 =	simm.s32 $0x40;
	[sflag:s5] =	ssyncadd.s32 $0xFFFFE000  }
.LBB2_46:
0x21a: {  	p0 =	sne.s32 s8, $0x7FC0;
	v1 =	vld [tilespmem:s9+$0x0];
	_ =	sdelay $0x4  }
0x21b: {  	v2 =	vmul.f32 $7.357589240e+00, v1;
	_ =	sdelay $0x1  }
0x21c: {  	v2 =	vmin.f32 v2, $1.900000000e+01  }
0x21d: {  	v2 =	vtrunc.f32 v2  }
0x21e: {  	v2 =	vcvt.f32.s32 v2;
	_ =	sdelay $0x1  }
0x21f: {  	v2 =	vadd.s32 $0x1A0, v2  }
.Ltmp22:
0x220: {  	(pc) =	sbr.rel @p0 .LBB2_46-.Ltmp22, $2  }
0x221: {  	_ =	sdelay $0x2  }
0x222: {  	s9 =	sshra.s32 s8, $0x2;
	s8 =	sadd.s32 $0x40, s8;
	[tilespmem:v2+s6+$0x0] =	vst.idx.add.f32.msk $0xffff, v1  }
0x223: {  	v1 =	vld [tilespmem:s9+$0x0];
	_ =	sdelay $0x4  }
0x224: {  	v2 =	vmul.f32 $7.357589240e+00, v1;
	_ =	sdelay $0x1  }
0x225: {  	v2 =	vmin.f32 v2, $1.900000000e+01  }
0x226: {  	v2 =	vtrunc.f32 v2  }
0x227: {  	v2 =	vcvt.f32.s32 v2;
	_ =	sdelay $0x1  }
0x228: {  	v2 =	vadd.s32 $0x1A0, v2;
	_ =	sdelay $0x4  }
0x229: {  	s8 =	simm.s32 $0x0;
	[tilespmem:v2+s6+$0x0] =	vst.idx.add.f32.msk $0xffff, v1  }
0x22a: {  	[tilespmem:s8], [sflag:$0x1] =	stream.linear.gather [hbm4b:s25+s8], $0x2000, $0x38;
	[tilespmem:$0x2400] =	vst v63  }
0x22b: {  	_ =	swait.ge [sflag:s5], $0x2000  }
0x22c: {  	[sflag:s5] =	ssyncset.done $0x0  }
0x22d: {  	s9 =	simm.s32 $0x0;
	s8 =	simm.s32 $0x40;
	[sflag:s5] =	ssyncadd.s32 $0xFFFFE000  }
.LBB2_48:
0x22e: {  	p0 =	sne.s32 s8, $0x7FC0;
	v1 =	vld [tilespmem:s9+$0x0];
	_ =	sdelay $0x4  }
0x22f: {  	v2 =	vmul.f32 $7.357589240e+00, v1;
	_ =	sdelay $0x1  }
0x230: {  	v2 =	vmin.f32 v2, $1.900000000e+01  }
0x231: {  	v2 =	vtrunc.f32 v2  }
0x232: {  	v2 =	vcvt.f32.s32 v2;
	_ =	sdelay $0x1  }
0x233: {  	v2 =	vadd.s32 $0x1E0, v2  }
.Ltmp23:
0x234: {  	(pc) =	sbr.rel @p0 .LBB2_48-.Ltmp23, $2  }
0x235: {  	_ =	sdelay $0x2  }
0x236: {  	s9 =	sshra.s32 s8, $0x2;
	s8 =	sadd.s32 $0x40, s8;
	[tilespmem:v2+s6+$0x0] =	vst.idx.add.f32.msk $0xffff, v1  }
0x237: {  	v1 =	vld [tilespmem:s9+$0x0];
	_ =	sdelay $0x4  }
0x238: {  	v2 =	vmul.f32 $7.357589240e+00, v1;
	_ =	sdelay $0x1  }
0x239: {  	v2 =	vmin.f32 v2, $1.900000000e+01  }
0x23a: {  	v2 =	vtrunc.f32 v2  }
0x23b: {  	v2 =	vcvt.f32.s32 v2;
	_ =	sdelay $0x1  }
0x23c: {  	v2 =	vadd.s32 $0x1E0, v2;
	_ =	sdelay $0x4  }
0x23d: {  	s8 =	simm.s32 $0x0;
	[tilespmem:v2+s6+$0x0] =	vst.idx.add.f32.msk $0xffff, v1  }
0x23e: {  	[tilespmem:s8], [sflag:$0x1] =	stream.linear.gather [hbm4b:s26+s8], $0x2000, $0x38;
	[tilespmem:$0x2400] =	vst v63  }
0x23f: {  	_ =	swait.ge [sflag:s5], $0x2000  }
0x240: {  	[sflag:s5] =	ssyncset.done $0x0  }
0x241: {  	s9 =	simm.s32 $0x0;
	s8 =	simm.s32 $0x40;
	[sflag:s5] =	ssyncadd.s32 $0xFFFFE000  }
.LBB2_50:
0x242: {  	p0 =	sne.s32 s8, $0x7FC0;
	v1 =	vld [tilespmem:s9+$0x0];
	_ =	sdelay $0x4  }
0x243: {  	v2 =	vmul.f32 $7.357589240e+00, v1;
	_ =	sdelay $0x1  }
0x244: {  	v2 =	vmin.f32 v2, $1.900000000e+01  }
0x245: {  	v2 =	vtrunc.f32 v2  }
0x246: {  	v2 =	vcvt.f32.s32 v2;
	_ =	sdelay $0x1  }
0x247: {  	v2 =	vadd.s32 $0x220, v2  }
.Ltmp24:
0x248: {  	(pc) =	sbr.rel @p0 .LBB2_50-.Ltmp24, $2  }
0x249: {  	_ =	sdelay $0x2  }
0x24a: {  	s9 =	sshra.s32 s8, $0x2;
	s8 =	sadd.s32 $0x40, s8;
	[tilespmem:v2+s6+$0x0] =	vst.idx.add.f32.msk $0xffff, v1  }
0x24b: {  	v1 =	vld [tilespmem:s9+$0x0];
	_ =	sdelay $0x4  }
0x24c: {  	v2 =	vmul.f32 $7.357589240e+00, v1;
	_ =	sdelay $0x1  }
0x24d: {  	v2 =	vmin.f32 v2, $1.900000000e+01  }
0x24e: {  	v2 =	vtrunc.f32 v2  }
0x24f: {  	v2 =	vcvt.f32.s32 v2;
	_ =	sdelay $0x1  }
0x250: {  	v2 =	vadd.s32 $0x220, v2;
	_ =	sdelay $0x4  }
0x251: {  	s8 =	simm.s32 $0x0;
	[tilespmem:v2+s6+$0x0] =	vst.idx.add.f32.msk $0xffff, v1  }
0x252: {  	[tilespmem:s8], [sflag:$0x1] =	stream.linear.gather [hbm4b:s24+s8], $0x2000, $0x38;
	[tilespmem:$0x2400] =	vst v63  }
0x253: {  	_ =	swait.ge [sflag:s5], $0x2000  }
0x254: {  	[sflag:s5] =	ssyncset.done $0x0  }
0x255: {  	s9 =	simm.s32 $0x0;
	s8 =	simm.s32 $0x40;
	[sflag:s5] =	ssyncadd.s32 $0xFFFFE000  }
.LBB2_52:
0x256: {  	p0 =	sne.s32 s8, $0x7FC0;
	v1 =	vld [tilespmem:s9+$0x0];
	_ =	sdelay $0x4  }
0x257: {  	v2 =	vmul.f32 $7.357589240e+00, v1;
	_ =	sdelay $0x1  }
0x258: {  	v2 =	vmin.f32 v2, $1.900000000e+01  }
0x259: {  	v2 =	vtrunc.f32 v2  }
0x25a: {  	v2 =	vcvt.f32.s32 v2;
	_ =	sdelay $0x1  }
0x25b: {  	v2 =	vadd.s32 $0x260, v2  }
.Ltmp25:
0x25c: {  	(pc) =	sbr.rel @p0 .LBB2_52-.Ltmp25, $2  }
0x25d: {  	_ =	sdelay $0x2  }
0x25e: {  	s9 =	sshra.s32 s8, $0x2;
	s8 =	sadd.s32 $0x40, s8;
	[tilespmem:v2+s6+$0x0] =	vst.idx.add.f32.msk $0xffff, v1  }
0x25f: {  	v1 =	vld [tilespmem:s9+$0x0];
	_ =	sdelay $0x4  }
0x260: {  	v2 =	vmul.f32 $7.357589240e+00, v1;
	_ =	sdelay $0x1  }
0x261: {  	v2 =	vmin.f32 v2, $1.900000000e+01  }
0x262: {  	v2 =	vtrunc.f32 v2  }
0x263: {  	v2 =	vcvt.f32.s32 v2;
	_ =	sdelay $0x1  }
0x264: {  	v2 =	vadd.s32 $0x260, v2;
	_ =	sdelay $0x4  }
0x265: {  	s8 =	simm.s32 $0x0;
	[tilespmem:v2+s6+$0x0] =	vst.idx.add.f32.msk $0xffff, v1  }
0x266: {  	[tilespmem:s8], [sflag:$0x1] =	stream.linear.gather [hbm4b:s30+s8], $0x2000, $0x38;
	[tilespmem:$0x2400] =	vst v63  }
0x267: {  	_ =	swait.ge [sflag:s5], $0x2000  }
0x268: {  	[sflag:s5] =	ssyncset.done $0x0  }
0x269: {  	s9 =	simm.s32 $0x0;
	s8 =	simm.s32 $0x40;
	[sflag:s5] =	ssyncadd.s32 $0xFFFFE000  }
.LBB2_54:
0x26a: {  	p0 =	sne.s32 s8, $0x7FC0;
	v1 =	vld [tilespmem:s9+$0x0];
	_ =	sdelay $0x4  }
0x26b: {  	v2 =	vmul.f32 $7.357589240e+00, v1;
	_ =	sdelay $0x1  }
0x26c: {  	v2 =	vmin.f32 v2, $1.900000000e+01  }
0x26d: {  	v2 =	vtrunc.f32 v2  }
0x26e: {  	v2 =	vcvt.f32.s32 v2;
	_ =	sdelay $0x1  }
0x26f: {  	v2 =	vadd.s32 $0x2A0, v2  }
.Ltmp26:
0x270: {  	(pc) =	sbr.rel @p0 .LBB2_54-.Ltmp26, $2  }
0x271: {  	_ =	sdelay $0x2  }
0x272: {  	s9 =	sshra.s32 s8, $0x2;
	s8 =	sadd.s32 $0x40, s8;
	[tilespmem:v2+s6+$0x0] =	vst.idx.add.f32.msk $0xffff, v1  }
0x273: {  	v1 =	vld [tilespmem:s9+$0x0];
	_ =	sdelay $0x4  }
0x274: {  	v2 =	vmul.f32 $7.357589240e+00, v1;
	_ =	sdelay $0x1  }
0x275: {  	v2 =	vmin.f32 v2, $1.900000000e+01  }
0x276: {  	v2 =	vtrunc.f32 v2  }
0x277: {  	v2 =	vcvt.f32.s32 v2;
	_ =	sdelay $0x1  }
0x278: {  	v2 =	vadd.s32 $0x2A0, v2;
	_ =	sdelay $0x4  }
0x279: {  	s8 =	simm.s32 $0x0;
	[tilespmem:v2+s6+$0x0] =	vst.idx.add.f32.msk $0xffff, v1  }
0x27a: {  	[tilespmem:s8], [sflag:$0x1] =	stream.linear.gather [hbm4b:s31+s8], $0x2000, $0x38;
	[tilespmem:$0x2400] =	vst v63  }
0x27b: {  	_ =	swait.ge [sflag:s5], $0x2000  }
0x27c: {  	[sflag:s5] =	ssyncset.done $0x0  }
0x27d: {  	s9 =	simm.s32 $0x0;
	s8 =	simm.s32 $0x40;
	[sflag:s5] =	ssyncadd.s32 $0xFFFFE000  }
.LBB2_56:
0x27e: {  	p0 =	sne.s32 s8, $0x7FC0;
	v1 =	vld [tilespmem:s9+$0x0];
	_ =	sdelay $0x4  }
0x27f: {  	v2 =	vmul.f32 $7.357589240e+00, v1;
	_ =	sdelay $0x1  }
0x280: {  	v2 =	vmin.f32 v2, $1.900000000e+01  }
0x281: {  	v2 =	vtrunc.f32 v2  }
0x282: {  	v2 =	vcvt.f32.s32 v2;
	_ =	sdelay $0x1  }
0x283: {  	v2 =	vadd.s32 $0x2E0, v2  }
.Ltmp27:
0x284: {  	(pc) =	sbr.rel @p0 .LBB2_56-.Ltmp27, $2  }
0x285: {  	_ =	sdelay $0x2  }
0x286: {  	s9 =	sshra.s32 s8, $0x2;
	s8 =	sadd.s32 $0x40, s8;
	[tilespmem:v2+s6+$0x0] =	vst.idx.add.f32.msk $0xffff, v1  }
0x287: {  	v1 =	vld [tilespmem:s9+$0x0];
	_ =	sdelay $0x4  }
0x288: {  	v2 =	vmul.f32 $7.357589240e+00, v1;
	_ =	sdelay $0x1  }
0x289: {  	v2 =	vmin.f32 v2, $1.900000000e+01  }
0x28a: {  	v2 =	vtrunc.f32 v2  }
0x28b: {  	v2 =	vcvt.f32.s32 v2;
	_ =	sdelay $0x1  }
0x28c: {  	v2 =	vadd.s32 $0x2E0, v2;
	_ =	sdelay $0x4  }
0x28d: {  	s8 =	simm.s32 $0x0;
	[tilespmem:v2+s6+$0x0] =	vst.idx.add.f32.msk $0xffff, v1  }
0x28e: {  	[tilespmem:s8], [sflag:$0x1] =	stream.linear.gather [hbm4b:s28+s8], $0x2000, $0x38;
	[tilespmem:$0x2400] =	vst v63  }
0x28f: {  	_ =	swait.ge [sflag:s5], $0x2000  }
0x290: {  	[sflag:s5] =	ssyncset.done $0x0  }
0x291: {  	s9 =	simm.s32 $0x0;
	s8 =	simm.s32 $0x40;
	[sflag:s5] =	ssyncadd.s32 $0xFFFFE000  }
.LBB2_58:
0x292: {  	p0 =	sne.s32 s8, $0x7FC0;
	v1 =	vld [tilespmem:s9+$0x0];
	_ =	sdelay $0x4  }
0x293: {  	v2 =	vmul.f32 $7.357589240e+00, v1;
	_ =	sdelay $0x1  }
0x294: {  	v2 =	vmin.f32 v2, $1.900000000e+01  }
0x295: {  	v2 =	vtrunc.f32 v2  }
0x296: {  	v2 =	vcvt.f32.s32 v2;
	_ =	sdelay $0x1  }
0x297: {  	v2 =	vadd.s32 $0x320, v2  }
.Ltmp28:
0x298: {  	(pc) =	sbr.rel @p0 .LBB2_58-.Ltmp28, $2  }
0x299: {  	_ =	sdelay $0x2  }
0x29a: {  	s9 =	sshra.s32 s8, $0x2;
	s8 =	sadd.s32 $0x40, s8;
	[tilespmem:v2+s6+$0x0] =	vst.idx.add.f32.msk $0xffff, v1  }
0x29b: {  	v1 =	vld [tilespmem:s9+$0x0];
	_ =	sdelay $0x4  }
0x29c: {  	v2 =	vmul.f32 $7.357589240e+00, v1;
	_ =	sdelay $0x1  }
0x29d: {  	v2 =	vmin.f32 v2, $1.900000000e+01  }
0x29e: {  	v2 =	vtrunc.f32 v2  }
0x29f: {  	v2 =	vcvt.f32.s32 v2;
	_ =	sdelay $0x1  }
0x2a0: {  	v2 =	vadd.s32 $0x320, v2;
	_ =	sdelay $0x4  }
0x2a1: {  	s8 =	simm.s32 $0x0;
	[tilespmem:v2+s6+$0x0] =	vst.idx.add.f32.msk $0xffff, v1  }
0x2a2: {  	[tilespmem:s8], [sflag:$0x1] =	stream.linear.gather [hbm4b:s0+s8], $0x2000, $0x38;
	[tilespmem:$0x2400] =	vst v63  }
0x2a3: {  	_ =	swait.ge [sflag:s5], $0x2000  }
0x2a4: {  	[sflag:s5] =	ssyncset.done $0x0  }
0x2a5: {  	s9 =	simm.s32 $0x0;
	s8 =	simm.s32 $0x40;
	[sflag:s5] =	ssyncadd.s32 $0xFFFFE000  }
.LBB2_60:
0x2a6: {  	p0 =	sne.s32 s8, $0x7FC0;
	v1 =	vld [tilespmem:s9+$0x0];
	_ =	sdelay $0x4  }
0x2a7: {  	v2 =	vmul.f32 $7.357589240e+00, v1;
	_ =	sdelay $0x1  }
0x2a8: {  	v2 =	vmin.f32 v2, $1.900000000e+01  }
0x2a9: {  	v2 =	vtrunc.f32 v2  }
0x2aa: {  	v2 =	vcvt.f32.s32 v2;
	_ =	sdelay $0x1  }
0x2ab: {  	v2 =	vadd.s32 $0x360, v2  }
.Ltmp29:
0x2ac: {  	(pc) =	sbr.rel @p0 .LBB2_60-.Ltmp29, $2  }
0x2ad: {  	_ =	sdelay $0x2  }
0x2ae: {  	s9 =	sshra.s32 s8, $0x2;
	s8 =	sadd.s32 $0x40, s8;
	[tilespmem:v2+s6+$0x0] =	vst.idx.add.f32.msk $0xffff, v1  }
0x2af: {  	v1 =	vld [tilespmem:s9+$0x0];
	_ =	sdelay $0x4  }
0x2b0: {  	v2 =	vmul.f32 $7.357589240e+00, v1;
	_ =	sdelay $0x1  }
0x2b1: {  	v2 =	vmin.f32 v2, $1.900000000e+01  }
0x2b2: {  	v2 =	vtrunc.f32 v2  }
0x2b3: {  	v2 =	vcvt.f32.s32 v2;
	_ =	sdelay $0x1  }
0x2b4: {  	v2 =	vadd.s32 $0x360, v2;
	_ =	sdelay $0x4  }
0x2b5: {  	s8 =	simm.s32 $0x0;
	[tilespmem:v2+s6+$0x0] =	vst.idx.add.f32.msk $0xffff, v1  }
0x2b6: {  	[tilespmem:s8], [sflag:$0x1] =	stream.linear.gather [hbm4b:s1+s8], $0x2000, $0x38;
	[tilespmem:$0x2400] =	vst v63  }
0x2b7: {  	_ =	swait.ge [sflag:s5], $0x2000  }
0x2b8: {  	[sflag:s5] =	ssyncset.done $0x0  }
0x2b9: {  	s9 =	simm.s32 $0x0;
	s8 =	simm.s32 $0x40;
	[sflag:s5] =	ssyncadd.s32 $0xFFFFE000  }
.LBB2_62:
0x2ba: {  	p0 =	sne.s32 s8, $0x7FC0;
	v1 =	vld [tilespmem:s9+$0x0];
	_ =	sdelay $0x4  }
0x2bb: {  	v2 =	vmul.f32 $7.357589240e+00, v1;
	_ =	sdelay $0x1  }
0x2bc: {  	v2 =	vmin.f32 v2, $1.900000000e+01  }
0x2bd: {  	v2 =	vtrunc.f32 v2  }
0x2be: {  	v2 =	vcvt.f32.s32 v2;
	_ =	sdelay $0x1  }
0x2bf: {  	v2 =	vadd.s32 $0x3A0, v2  }
.Ltmp30:
0x2c0: {  	(pc) =	sbr.rel @p0 .LBB2_62-.Ltmp30, $2  }
0x2c1: {  	_ =	sdelay $0x2  }
0x2c2: {  	s9 =	sshra.s32 s8, $0x2;
	s8 =	sadd.s32 $0x40, s8;
	[tilespmem:v2+s6+$0x0] =	vst.idx.add.f32.msk $0xffff, v1  }
0x2c3: {  	v1 =	vld [tilespmem:s9+$0x0];
	_ =	sdelay $0x4  }
0x2c4: {  	v2 =	vmul.f32 $7.357589240e+00, v1;
	_ =	sdelay $0x1  }
0x2c5: {  	v2 =	vmin.f32 v2, $1.900000000e+01  }
0x2c6: {  	v2 =	vtrunc.f32 v2  }
0x2c7: {  	v2 =	vcvt.f32.s32 v2;
	_ =	sdelay $0x1  }
0x2c8: {  	v2 =	vadd.s32 $0x3A0, v2;
	_ =	sdelay $0x4  }
0x2c9: {  	s8 =	simm.s32 $0x0;
	[tilespmem:v2+s6+$0x0] =	vst.idx.add.f32.msk $0xffff, v1  }
0x2ca: {  	[tilespmem:s8], [sflag:$0x1] =	stream.linear.gather [hbm4b:s2+s8], $0x2000, $0x38;
	[tilespmem:$0x2400] =	vst v63  }
0x2cb: {  	_ =	swait.ge [sflag:s5], $0x2000  }
0x2cc: {  	[sflag:s5] =	ssyncset.done $0x0  }
0x2cd: {  	s9 =	simm.s32 $0x0;
	s8 =	simm.s32 $0x40;
	[sflag:s5] =	ssyncadd.s32 $0xFFFFE000  }
.LBB2_64:
0x2ce: {  	p0 =	sne.s32 s8, $0x7FC0;
	v1 =	vld [tilespmem:s9+$0x0];
	_ =	sdelay $0x4  }
0x2cf: {  	v2 =	vmul.f32 $7.357589240e+00, v1;
	_ =	sdelay $0x1  }
0x2d0: {  	v2 =	vmin.f32 v2, $1.900000000e+01  }
0x2d1: {  	v2 =	vtrunc.f32 v2  }
0x2d2: {  	v2 =	vcvt.f32.s32 v2;
	_ =	sdelay $0x1  }
0x2d3: {  	v2 =	vadd.s32 $0x3E0, v2  }
.Ltmp31:
0x2d4: {  	(pc) =	sbr.rel @p0 .LBB2_64-.Ltmp31, $2  }
0x2d5: {  	_ =	sdelay $0x2  }
0x2d6: {  	s9 =	sshra.s32 s8, $0x2;
	s8 =	sadd.s32 $0x40, s8;
	[tilespmem:v2+s6+$0x0] =	vst.idx.add.f32.msk $0xffff, v1  }
0x2d7: {  	v1 =	vld [tilespmem:s9+$0x0];
	_ =	sdelay $0x4  }
0x2d8: {  	v2 =	vmul.f32 $7.357589240e+00, v1;
	_ =	sdelay $0x1  }
0x2d9: {  	v2 =	vmin.f32 v2, $1.900000000e+01  }
0x2da: {  	v2 =	vtrunc.f32 v2  }
0x2db: {  	v2 =	vcvt.f32.s32 v2;
	_ =	sdelay $0x1  }
0x2dc: {  	v2 =	vadd.s32 $0x3E0, v2;
	_ =	sdelay $0x2  }
0x2dd: {  	s7 =	sadd.s32 $0x1, s7  }
0x2de: {  	p0 =	sne.s32 s7, s4  }
.Ltmp32:
0x2df: {  	s8 =	simm.s32 $0x80;
	s9 =	simm.s32 $0x400;
	[tilespmem:v2+s6+$0x0] =	vst.idx.add.f32.msk $0xffff, v1;
	(pc) =	sbr.rel @p0 .LBB2_1-.Ltmp32, $4  }
0x2e0: {  	[hbm4b:s3+s8] =	stream.strided.scatter [tilespmem:s6], [sflag:$0x1], $0x400, s9, s8, $0x38;
	[tilespmem:$0x2400] =	vst v63  }
0x2e1: {  	_ =	swait.ge [sflag:s5], $0x400  }
0x2e2: {  	[sflag:s5] =	ssyncset.done $0x0  }
0x2e3: {  	[sflag:s5] =	ssyncadd.s32 $0xFFFFFC00  }
0x2e4: {  	_ =	sfence.sel $0x180000  }
0x2e5: {  	[bflag:$0x0] =	sbarrier.arrive $0xFFFF  }
0x2e6: {  	_ =	strace $0x90000047  }
0x2e7: {  	s0 =	stileid.u32;
	[bflag:$0x2] =	sbarrier.arrive $0xFFFF  }
0x2e8: {  	p0 =	sne.s32 s0, $0x0;
	s0 =	rddreg [dreg:$0x1]  }
0x2e9: {  	s0 =	sadd.s32 @!p0 $0x100000, s0  }
0x2ea: {  	[sflag:s0] =	ssyncadd.tile.s32 @!p0 $0x1;
	_ =	shalt  }
.Lfunc_end2:
_tile_overlayer_lowered:
.L_overlay_start_2:
0x2eb: {  	(tag) =	ssettag $0x2  }
0x2ec: {  	s0 =	rddreg [dreg:$0x0];
	s2 =	stileid.u32  }
0x2ed: {  	s1 =	rddreg [dreg:$0x1];
	p0 =	sne.s32 s2, $0x0  }
0x2ee: {  	s3 =	rddreg [dreg:$0x2];
	[bflag:$0x3] =	sbarrier.arrive $0xFFFF;
	s2 =	simm.s32 @!p0 $0x1C01  }
0x2ef: {  	[timem:s3], [sflag:s2] =	dma.local @!p0 [hbm:s0], s1  }
0x2f0: {  	s0 =	simm.s32 @!p0 $0x1  }
0x2f1: {  	_ =	swait.ge @!p0 [sflag:s0], s1  }
0x2f2: {  	s1 =	ssub.s32 @!p0 $0x0, s1;
	[sflag:s0] =	ssyncset.done @!p0 $0x0  }
0x2f3: {  	[sflag:s0] =	ssyncadd.s32 @!p0 s1  }
0x2f4: {  	[bflag:$0x3] =	sbarrier.arrive $0xFFFF  }
0x2f5: {  	_ =	shalt  }

</sc_bundles>
